<compile_context>
chip_gen: v7x
topology: tpu7x:2x2x1
jax: 0.10.2.dev20260603
libtpu: 0.0.44.dev20260713+nightly
codegen_flags: <defaults>
</compile_context>

<pallas_src>
import functools

import jax
import jax.numpy as jnp
import numpy as np
from jax import lax
from jax.experimental import pallas as pl
from jax.experimental.pallas import tpu as pltpu
from jax.experimental.pallas import tpu_sc as plsc

BSZ, N, STEPS, FDIM = 2, 512, 96, 16
SDIM, H, E_H, NSP, TOPK = 32, 256, 64, 3, 2
RATIO, MINE, MAXE, NLAYERS = 0.1, 8, 64, 2
KSZ = int(np.clip(int(N * RATIO), MINE, MAXE))
BN = BSZ * N

_SQRT_HALF = 0.7071067811865476


def _gelu(x):
    return 0.5 * x * (1.0 + jax.lax.erf(x * _SQRT_HALF))


UNROLL = 8


def _gru_body(f_ref, s_ref, ws1_ref, bs1_ref, ws2_ref, bs2_ref,
              wih_ref, whh_ref, brz_ref, bin_ref, bhn_ref,
              hs_out, ht_out, h1_scr, h2_scr):
    t = pl.program_id(0)
    HB = BN // 2

    @pl.when(t == 0)
    def _init():
        s = s_ref[...]
        h0 = _gelu(jnp.dot(s, ws1_ref[...], preferred_element_type=jnp.float32)
                   + bs1_ref[...])
        h0 = jnp.dot(h0, ws2_ref[...], preferred_element_type=jnp.float32) + bs2_ref[...]
        hs_out[...] = h0
        h1_scr[...] = h0[:HB]
        h2_scr[...] = h0[HB:]

    wih = wih_ref[...]
    whh = whh_ref[...]
    brz = brz_ref[...]
    bin_ = bin_ref[...]
    bhn = bhn_ref[...]
    hs = [h1_scr[...], h2_scr[...]]
    for j in range(UNROLL):
        for k, lo in enumerate((0, HB)):
            h = hs[k]
            xt = f_ref[j, pl.ds(lo, HB), :]
            gi = jnp.dot(xt, wih, preferred_element_type=jnp.float32)
            gh = jnp.dot(h, whh, preferred_element_type=jnp.float32)
            rz = jax.nn.sigmoid(gi[:, :2 * H] + gh[:, :2 * H] + brz)
            r = rz[:, :H]
            z = rz[:, H:]
            n = jnp.tanh(gi[:, 2 * H:] + bin_ + r * (gh[:, 2 * H:] + bhn))
            hs[k] = n + z * (h - n)
    h1_scr[...] = hs[0]
    h2_scr[...] = hs[1]

    @pl.when(t == STEPS // UNROLL - 1)
    def _fin():
        ht_out[pl.ds(0, HB), :] = hs[0]
        ht_out[pl.ds(HB, HB), :] = hs[1]


def _run_gru(f_t, s, p):
    const2 = lambda shape: pl.BlockSpec(shape, lambda t: (0, 0))
    grid = (STEPS // UNROLL,)
    out = pl.pallas_call(
        _gru_body,
        grid=grid,
        in_specs=[
            pl.BlockSpec((UNROLL, BN, FDIM), lambda t: (t, 0, 0)),
            const2((BN, SDIM)),
            const2((SDIM, H)), const2((1, H)),
            const2((H, H)), const2((1, H)),
            pl.BlockSpec((FDIM, 3 * H), lambda t: (0, 0)),
            pl.BlockSpec((H, 3 * H), lambda t: (0, 0)),
            const2((1, 2 * H)), const2((1, H)), const2((1, H)),
        ],
        out_specs=[
            pl.BlockSpec((BN, H), lambda t: (0, 0)),
            pl.BlockSpec((BN, H), lambda t: (0, 0)),
        ],
        out_shape=[
            jax.ShapeDtypeStruct((BN, H), jnp.float32),
            jax.ShapeDtypeStruct((BN, H), jnp.float32),
        ],
        scratch_shapes=[pltpu.VMEM((BN // 2, H), jnp.float32),
                        pltpu.VMEM((BN // 2, H), jnp.float32)],
        compiler_params=pltpu.CompilerParams(
            dimension_semantics=("arbitrary",)),
    )(
        f_t, s,
        p['static1']['w'], p['static1']['b'][None, :],
        p['static2']['w'], p['static2']['b'][None, :],
        p['gru_wih'], p['gru_whh'],
        (p['gru_bih'][:2 * H] + p['gru_bhh'][:2 * H])[None, :],
        p['gru_bih'][2 * H:][None, :], p['gru_bhh'][2 * H:][None, :],
    )
    return out


def _b1_body(ht_ref, hs_ref,
             j1w, j1b, j2w, j2b, d1w, d1b, d2w, d2b,
             g0w, g0b, g0e, g1w, g1b, g1e, g2w, g2b, g2e, g3w, g3b, g3e,
             lg_out, xr_out):
    ht = ht_ref[0]
    hs = hs_ref[0]

    a = (jnp.dot(ht, j1w[:H], preferred_element_type=jnp.float32)
         + jnp.dot(hs, j1w[H:], preferred_element_type=jnp.float32) + j1b[...])
    joint = jnp.dot(_gelu(a), j2w[...], preferred_element_type=jnp.float32) + j2b[...]

    a = (jnp.dot(jnp.abs(ht - hs), d1w[:H], preferred_element_type=jnp.float32)
         + jnp.dot(ht * hs, d1w[H:], preferred_element_type=jnp.float32) + d1b[...])
    delta = jnp.dot(_gelu(a), d2w[...], preferred_element_type=jnp.float32) + d2b[...]

    gens = ((hs, g0w, g0b, g0e), (ht, g1w, g1b, g1e),
            (joint, g2w, g2b, g2e), (delta, g3w, g3b, g3e))
    for g, (view, pw, pb, pe) in enumerate(gens):
        q = _gelu(jnp.dot(view, pw[...], preferred_element_type=jnp.float32)
                  + pb[...])
        logits = jnp.dot(q, pe[...], preferred_element_type=jnp.float32)
        for c in range(4):
            lg_out[g * 4 + c] = logits[:, c * 16:(c + 1) * 16]

    sm = jnp.mean(hs, axis=0, keepdims=True)
    tm = jnp.mean(ht, axis=0, keepdims=True)
    jm = jnp.mean(joint, axis=0, keepdims=True)
    dm = jnp.mean(delta, axis=0, keepdims=True)
    dis = (jnp.abs(tm - sm) + jnp.abs(jm - sm) + jnp.abs(dm - sm)) / 3.0
    xr_out[...] = jnp.concatenate([sm, tm, dis], axis=1)[None]


def _run_b1(ht3, hs3, p):
    const = lambda shape: pl.BlockSpec(shape, lambda b: (0,) * len(shape))
    gens = []
    for i in range(4):
        gens += [p['gen%d_proj' % i]['w'], p['gen%d_proj' % i]['b'][None, :],
                 p['gen%d_edges' % i].T]
    args = [
        ht3, hs3,
        p['joint1']['w'], p['joint1']['b'][None, :],
        p['joint2']['w'], p['joint2']['b'][None, :],
        p['delta1']['w'], p['delta1']['b'][None, :],
        p['delta2']['w'], p['delta2']['b'][None, :],
        *gens,
    ]
    in_specs = [
        pl.BlockSpec((1, N, H), lambda b: (b, 0, 0)),
        pl.BlockSpec((1, N, H), lambda b: (b, 0, 0)),
    ] + [const(a.shape) for a in args[2:]]
    return pl.pallas_call(
        _b1_body,
        grid=(BSZ,),
        in_specs=in_specs,
        out_specs=[
            pl.BlockSpec((16, N, 16), lambda b: (b, 0, 0)),
            pl.BlockSpec((1, 1, 3 * H), lambda b: (b, 0, 0)),
        ],
        out_shape=[
            jax.ShapeDtypeStruct((2 * 16, N, 16), jnp.float32),
            jax.ShapeDtypeStruct((BSZ, 1, 3 * H), jnp.float32),
        ],
        compiler_params=pltpu.CompilerParams(
            dimension_semantics=("arbitrary",)),
    )(*args)


_NW = 32


def _run_sc_thresholds(lg_flat):
    mesh = plsc.VectorSubcoreMesh(core_axis_name="c", subcore_axis_name="s")

    @functools.partial(
        pl.kernel, mesh=mesh,
        out_type=jax.ShapeDtypeStruct((_NW, 16), jnp.float32),
        scratch_types=[
            pltpu.VMEM((N * 16,), jnp.float32),
            pltpu.VMEM((N * 16,), jnp.int32),
            pltpu.VMEM((16,), jnp.float32),
        ],
    )
    def k(lg_hbm, thr_hbm, blk, keys, tv):
        wid = lax.axis_index("s") * 2 + lax.axis_index("c")
        pltpu.sync_copy(lg_hbm.at[wid], blk)

        c_mag = jnp.full((16,), 0x7FFFFFFF, jnp.int32)
        c_zero = jnp.full((16,), 0, jnp.int32)
        c_one = jnp.full((16,), 1, jnp.int32)
        c_k = jnp.full((16,), KSZ, jnp.int32)
        c_intmin = jnp.full((16,), -2147483648, jnp.int32)

        def mkkeys(j, carry):
            base = j * 256
            for u in range(16):
                v = blk[pl.ds(base + u * 16, 16)]
                b = lax.bitcast_convert_type(v, jnp.int32)
                keys[pl.ds(base + u * 16, 16)] = jnp.where(
                    b < c_zero, c_zero - (b & c_mag), b)
            return carry
        lax.fori_loop(0, N // 16, mkkeys, jnp.int32(0))

        def bis(i, lohi):
            lo, hi = lohi
            mid = ((lo & hi)
                   + lax.shift_right_arithmetic(lo ^ hi, c_one))

            def cnt_body(j, cnt):
                base = j * 256
                for u in range(16):
                    kv = keys[pl.ds(base + u * 16, 16)]
                    cnt = cnt + jnp.where(kv >= mid, c_one, c_zero)
                return cnt
            cnt = lax.fori_loop(0, N // 16, cnt_body, c_zero)
            take = cnt >= c_k
            return (jnp.where(take, mid, lo), jnp.where(take, hi, mid))

        lo, _ = lax.fori_loop(0, 33, bis,
                              (jnp.full((16,), -2139095041, jnp.int32),
                               jnp.full((16,), 2139095041, jnp.int32)))
        bits = jnp.where(lo < c_zero, c_intmin - lo, lo)
        tv[...] = lax.bitcast_convert_type(bits, jnp.float32)
        pltpu.sync_copy(tv, thr_hbm.at[wid])

    return k(lg_flat)


def _inc_from_logits(logits, tg):
    sel = (logits >= tg).astype(jnp.float32)
    m = jnp.max(logits, axis=0, keepdims=True)
    e = jnp.exp(logits - m) * sel
    inc = e / jnp.sum(e, axis=0, keepdims=True)
    cnorm = jnp.sqrt(jnp.sum(inc * inc, axis=0, keepdims=True)) + 1e-8
    cols = inc / cnorm
    sim = jax.lax.dot_general(cols, cols, (((0,), (0,)), ((), ())),
                              preferred_element_type=jnp.float32)
    ri = jax.lax.broadcasted_iota(jnp.int32, (E_H, E_H), 0)
    ci = jax.lax.broadcasted_iota(jnp.int32, (E_H, E_H), 1)
    offd = (ri != ci).astype(jnp.float32)
    div = jnp.sum(sim * offd) / (E_H * (E_H - 1))
    cov = jnp.sum(inc, axis=1, keepdims=True)
    covloss = jnp.mean((1.0 - jnp.clip(cov, 0.0, 1.0)) ** 2)
    return inc, div, covloss


def _b2_body(ht_ref, hs_ref, lg_ref, xr_ref, thr_ref,
             ga1w, ga1b, ga2w, ga2b, de1w, de1b, de2w, de2b,
             c0w, c0b, c1w, c1b, p1w, p1b, p2w, p2b,
             preds_out, div_out, cov_out, sdl_out, beta_out):
    ht = ht_ref[0]
    hs = hs_ref[0]
    xr = xr_ref[0]

    incs = []
    divs = []
    covs = []
    for g in range(4):
        logits = jnp.concatenate(
            [lg_ref[g * 4 + c] for c in range(4)], axis=1)
        tg = thr_ref[0, g]
        inc, dvv, cvv = _inc_from_logits(logits, tg)
        incs.append(inc)
        divs.append(dvv)
        covs.append(cvv)
    shared, inc1, inc2, inc3 = incs
    sdiv, dv1, dv2, dv3 = divs
    scov, cv1, cv2, cv3 = covs

    glog = (jnp.dot(_gelu(jnp.dot(xr, ga1w[...],
                                  preferred_element_type=jnp.float32) + ga1b[...]),
                    ga2w[...],
                    preferred_element_type=jnp.float32) + ga2b[...])
    lmin = jnp.min(glog, axis=1, keepdims=True)
    lmax = jnp.max(glog, axis=1, keepdims=True)
    ge = jnp.exp(glog - lmax) * (glog > lmin).astype(jnp.float32)
    probs = ge / jnp.sum(ge, axis=1, keepdims=True)

    bx = jnp.dot(_gelu(jnp.dot(xr, de1w[...],
                               preferred_element_type=jnp.float32) + de1b[...]),
                 de2w[...],
                 preferred_element_type=jnp.float32) + de2b[...]
    beta = jax.nn.sigmoid(bx[0, 0])

    routed = probs[0, 0] * inc1 + probs[0, 1] * inc2 + probs[0, 2] * inc3
    inc = (1.0 - beta) * shared + beta * routed

    de = jnp.sum(inc, axis=0, keepdims=True) + 1e-6
    dv = jnp.sum(inc, axis=1, keepdims=True) + 1e-6
    inc_n = inc / de
    z = ht
    for cw, cb in ((c0w, c0b), (c1w, c1b)):
        m = jax.lax.dot_general(inc_n, z, (((0,), (0,)), ((), ())),
                                preferred_element_type=jnp.float32)
        out = jnp.dot(inc, m, preferred_element_type=jnp.float32) / dv
        z = _gelu(jnp.dot(out, cw[...], preferred_element_type=jnp.float32) + cb[...])

    pr = (jnp.dot(z, p1w[:H], preferred_element_type=jnp.float32)
          + jnp.dot(hs, p1w[H:], preferred_element_type=jnp.float32) + p1b[...])
    pr = jnp.dot(_gelu(pr), p2w[...], preferred_element_type=jnp.float32) + p2b[...]
    preds_out[...] = pr[None]

    n1 = jnp.sqrt(jnp.sum(inc1 * inc1)) + 1e-8
    n2 = jnp.sqrt(jnp.sum(inc2 * inc2)) + 1e-8
    n3 = jnp.sqrt(jnp.sum(inc3 * inc3)) + 1e-8
    s12 = jnp.sum(inc1 * inc2) / (n1 * n2)
    s13 = jnp.sum(inc1 * inc3) / (n1 * n3)
    s23 = jnp.sum(inc2 * inc3) / (n2 * n3)
    sdl = 2.0 * (s12 + s13 + s23) / 6.0

    div_out[...] = jnp.reshape(sdiv + (dv1 + dv2 + dv3) / 3.0, (1, 1, 1))
    cov_out[...] = jnp.reshape(scov + (cv1 + cv2 + cv3) / 3.0, (1, 1, 1))
    sdl_out[...] = jnp.reshape(sdl, (1, 1, 1))
    beta_out[...] = jnp.reshape(beta, (1, 1, 1))


def _run_b2(ht3, hs3, lg_sc, xroute, thr4, p):
    const = lambda shape: pl.BlockSpec(shape, lambda b: (0,) * len(shape))
    args = [
        ht3, hs3, lg_sc, xroute, thr4,
        p['gate1']['w'], p['gate1']['b'][None, :],
        p['gate2']['w'], p['gate2']['b'][None, :],
        p['dev1']['w'], p['dev1']['b'][None, :],
        p['dev2']['w'], p['dev2']['b'][None, :],
        p['conv0']['w'], p['conv0']['b'][None, :],
        p['conv1']['w'], p['conv1']['b'][None, :],
        p['pred1']['w'], p['pred1']['b'][None, :],
        p['pred2']['w'], p['pred2']['b'][None, :],
    ]
    in_specs = [
        pl.BlockSpec((1, N, H), lambda b: (b, 0, 0)),
        pl.BlockSpec((1, N, H), lambda b: (b, 0, 0)),
        pl.BlockSpec((16, N, 16), lambda b: (b, 0, 0)),
        pl.BlockSpec((1, 1, 3 * H), lambda b: (b, 0, 0)),
        pl.BlockSpec((1, 4, 1, E_H), lambda b: (b, 0, 0, 0)),
    ] + [const(a.shape) for a in args[5:]]
    outs = pl.pallas_call(
        _b2_body,
        grid=(BSZ,),
        in_specs=in_specs,
        out_specs=[
            pl.BlockSpec((1, N, 1), lambda b: (b, 0, 0)),
            pl.BlockSpec((1, 1, 1), lambda b: (b, 0, 0)),
            pl.BlockSpec((1, 1, 1), lambda b: (b, 0, 0)),
            pl.BlockSpec((1, 1, 1), lambda b: (b, 0, 0)),
            pl.BlockSpec((1, 1, 1), lambda b: (b, 0, 0)),
        ],
        out_shape=[
            jax.ShapeDtypeStruct((BSZ, N, 1), jnp.float32),
            jax.ShapeDtypeStruct((BSZ, 1, 1), jnp.float32),
            jax.ShapeDtypeStruct((BSZ, 1, 1), jnp.float32),
            jax.ShapeDtypeStruct((BSZ, 1, 1), jnp.float32),
            jax.ShapeDtypeStruct((BSZ, 1, 1), jnp.float32),
        ],
        compiler_params=pltpu.CompilerParams(
            dimension_semantics=("arbitrary",)),
    )(*args)
    return outs


def kernel(forcing, static_attrs, params):
    f_t = jnp.transpose(forcing.reshape(BN, STEPS, FDIM), (1, 0, 2))
    s = static_attrs.reshape(BN, SDIM)
    hs, ht = _run_gru(f_t, s, params)
    ht3 = ht.reshape(BSZ, N, H)
    hs3 = hs.reshape(BSZ, N, H)
    lg_sc, xroute = _run_b1(ht3, hs3, params)
    thr = _run_sc_thresholds(lg_sc.reshape(_NW, N * 16))
    thr4 = thr.reshape(BSZ, 4, 1, E_H)
    preds3, div2, cov2, sdl2, beta2 = _run_b2(
        ht3, hs3, lg_sc, xroute, thr4, params)
    preds = preds3.reshape(BSZ, N)
    inv = 1.0 / BSZ
    return (preds, jnp.sum(div2) * inv, jnp.sum(cov2) * inv,
            jnp.sum(sdl2) * inv, jnp.sum(beta2) * inv)

# --- scband reference (transcript-rebuilt; emitter-appended) ---
"""Pipeline reference for scband-projection-space-routing-hyper-net-53206054863472 (READ-ONLY COPY).

The authoritative reference and input builder live on the scoring server;
editing this copy changes nothing except your own understanding.
"""

import jax, jax.numpy as jnp
import numpy as np

BSZ, N, STEPS, FDIM = 2, 512, 96, 16
SDIM, H, E_H, NSP, TOPK = 32, 256, 64, 3, 2
RATIO, MINE, MAXE, NLAYERS = 0.1, 8, 64, 2

def _lin(key, din, dout):
    k1, k2 = jax.random.split(key)
    s = 1.0 / np.sqrt(din)
    return {'w': jax.random.uniform(k1, (din, dout), minval=-s, maxval=s),
            'b': jax.random.uniform(k2, (dout,), minval=-s, maxval=s)}

def make_params(key):
    ks = jax.random.split(key, 24)
    p = {}
    p['static1'] = _lin(ks[0], SDIM, H); p['static2'] = _lin(ks[1], H, H)
    p['gru_wih'] = jax.random.normal(ks[2], (FDIM, 3 * H)) * 0.05
    p['gru_whh'] = jax.random.normal(ks[3], (H, 3 * H)) * 0.05
    p['gru_bih'] = jnp.zeros((3 * H,)); p['gru_bhh'] = jnp.zeros((3 * H,))
    p['joint1'] = _lin(ks[4], 2 * H, H); p['joint2'] = _lin(ks[5], H, H)
    p['delta1'] = _lin(ks[6], 2 * H, H); p['delta2'] = _lin(ks[7], H, H)
    for i in range(4):
        p['gen%d_proj' % i] = _lin(ks[8 + i], H, H)
        p['gen%d_edges' % i] = jax.random.normal(ks[12 + i], (E_H, H)) * 0.05
    p['gate1'] = _lin(ks[16], 3 * H, H); p['gate2'] = _lin(ks[17], H, NSP)
    p['dev1'] = _lin(ks[18], 3 * H, H // 2); p['dev2'] = _lin(ks[19], H // 2, 1)
    for l in range(NLAYERS):
        p['conv%d' % l] = _lin(ks[20 + l], H, H)
    p['pred1'] = _lin(ks[22], 2 * H, H); p['pred2'] = _lin(ks[23], H, 1)
    return p

def lin(p, x):
    return x @ p['w'] + p['b']

def gelu(x):
    return jax.nn.gelu(x, approximate=False)

def static_enc(p, s):
    return lin(p['static2'], gelu(lin(p['static1'], s)))

def gru(p, x, h0):
    def step(h, xt):
        gi = xt @ p['gru_wih'] + p['gru_bih']
        gh = h @ p['gru_whh'] + p['gru_bhh']
        ir, iz, inn = jnp.split(gi, 3, axis=-1)
        hr, hz, hn = jnp.split(gh, 3, axis=-1)
        r = jax.nn.sigmoid(ir + hr)
        z = jax.nn.sigmoid(iz + hz)
        n = jnp.tanh(inn + r * hn)
        return (1.0 - z) * n + z * h, None
    hT, _ = jax.lax.scan(step, h0, jnp.swapaxes(x, 0, 1))
    return hT

def generator(pproj, pedges, view):
    n = view.shape[0]
    k_sz = int(np.clip(int(n * RATIO), MINE, MAXE))
    q = gelu(lin(pproj, view))
    logits = pedges @ q.T
    vals, idx = jax.lax.top_k(logits, k_sz)
    sm = jax.nn.softmax(vals, axis=-1)
    inc_t = jnp.zeros((E_H, n)).at[jnp.arange(E_H)[:, None], idx].set(sm)
    inc = inc_t.T
    cols = inc / (jnp.linalg.norm(inc, axis=0, keepdims=True) + 1e-8)
    sim = cols.T @ cols
    mask = 1.0 - jnp.eye(E_H)
    div = (sim * mask).sum() / mask.sum()
    cov = inc.sum(axis=1)
    covloss = ((1.0 - jnp.clip(cov, 0.0, 1.0)) ** 2).mean()
    return inc, div, covloss

def hgconv(p, z, inc):
    de = inc.sum(0) + 1e-6
    dv = inc.sum(1) + 1e-6
    m = (inc.T @ z) / de[:, None]
    out = (inc @ m) / dv[:, None]
    return gelu(lin(p, out))

def route(params, sm, tm, dis):
    x = jnp.concatenate([sm, tm, dis], axis=-1)
    logits = lin(params['gate2'], gelu(lin(params['gate1'], x)))
    vals, idx = jax.lax.top_k(logits, TOPK)
    sparse = jnp.full_like(logits, -1000000000.0).at[idx].set(vals)
    probs = jax.nn.softmax(sparse, axis=-1)
    beta = jax.nn.sigmoid(lin(params['dev2'], gelu(lin(params['dev1'], x))))[0]
    return probs, beta

def _forward(params, forcing, static_attrs):
    bsz, n, steps, fdim = forcing.shape
    h_s = static_enc(params, static_attrs)
    h_t = gru(params, forcing.reshape(bsz * n, steps, fdim), h_s.reshape(bsz * n, H)).reshape(bsz, n, H)
    preds = []
    div_l = 0.0; cov_l = 0.0; sdl_l = 0.0; beta_l = 0.0
    for b in range(bsz):
        ht, hs = h_t[b], h_s[b]
        joint = lin(params['joint2'], gelu(lin(params['joint1'], jnp.concatenate([ht, hs], -1))))
        delta = lin(params['delta2'], gelu(lin(params['delta1'], jnp.concatenate([jnp.abs(ht - hs), ht * hs], -1))))
        static_view = hs
        views = [ht, joint, delta]
        shared, sdiv, scov = generator(params['gen0_proj'], params['gen0_edges'], static_view)
        spaces = []; divs = []; covs = []
        for i, v in enumerate(views):
            hinc, d, c = generator(params['gen%d_proj' % (i + 1)], params['gen%d_edges' % (i + 1)], v)
            spaces.append(hinc); divs.append(d); covs.append(c)
        spaces = jnp.stack(spaces, 0)
        static_mean = static_view.mean(0)
        temporal_mean = views[0].mean(0)
        disagreement = jnp.stack([jnp.abs(v.mean(0) - static_mean) for v in views]).mean(0)
        probs, beta = route(params, static_mean, temporal_mean, disagreement)
        routed = (spaces * probs[:, None, None]).sum(0)
        inc = (1.0 - beta) * shared + beta * routed
        z = ht
        for l in range(NLAYERS):
            z = hgconv(params['conv%d' % l], z, inc)
        preds.append(lin(params['pred2'], gelu(lin(params['pred1'], jnp.concatenate([z, hs], -1))))[..., 0])
        flat = spaces.reshape(spaces.shape[0], -1)
        flat = flat / (jnp.linalg.norm(flat, axis=-1, keepdims=True) + 1e-8)
        sim = flat @ flat.T
        mask = 1.0 - jnp.eye(sim.shape[0])
        sdl = (sim * mask).sum() / jnp.maximum(mask.sum(), 1.0)
        div_l = div_l + sdiv + jnp.stack(divs).mean()
        cov_l = cov_l + scov + jnp.stack(covs).mean()
        sdl_l = sdl_l + sdl
        beta_l = beta_l + beta
    preds = jnp.stack(preds, 0)
    return preds, div_l / bsz, cov_l / bsz, sdl_l / bsz, beta_l / bsz

def setup_inputs(seed: int = 0):
    key = jax.random.key(seed)
    k1, k2, k3 = jax.random.split(key, 3)
    forcing = jax.random.normal(k1, (BSZ, N, STEPS, FDIM), dtype=jnp.float32)
    static_attrs = jax.random.normal(k2, (BSZ, N, SDIM), dtype=jnp.float32)
    params = make_params(k3)
    return {'forcing': forcing, 'static_attrs': static_attrs, 'params': params}

def reference(forcing, static_attrs, params):
    return _forward(params, forcing, static_attrs)

if __name__ == "__main__":
    import jax
    _d = setup_inputs()
    print(jax.jit(kernel)(*tuple(_d.values())))

</pallas_src>

<mosaic_0001>
#map = affine_map<(d0, d1) -> (0, 0)>
module attributes {stable_mosaic.version = 14 : i64} {
  func.func @k(%arg0: i32, %arg1: i32, %arg2: memref<32x8192xf32, #tpu.memory_space<hbm>>, %arg3: memref<32x16xf32, #tpu.memory_space<hbm>>, %arg4: memref<8192xf32, #tpu.memory_space<vmem>>, %arg5: memref<8192xi32, #tpu.memory_space<vmem>>, %arg6: memref<16xf32, #tpu.memory_space<vmem>>) attributes {dimension_semantics = [#tpu.dimension_semantics<core_parallel>, #tpu.dimension_semantics<subcore_parallel>], iteration_bounds = array<i64: 2, 16>, scalar_prefetch = 0 : i64, scratch_operands = 3 : i64, tpu.core_type = #tpu.core_type<sc_vector_subcore>, window_params = [{transform_indices = #map}, {transform_indices = #map}]} {
    %mul3A = arith.constant 2 : i32
    %mul3A_0 = arith.muli %arg1, %mul3A : i32
    %add3A = arith.addi %mul3A_0, %arg0 : i32
    "tpu.region"() ({
      %run_scoped3A = tpu.sem_alloc : memref<!tpu.dma_semaphore, #tpu.memory_space<semaphore_mem>>
      %dma_start3A = arith.constant 0 : i32
      %dma_start3A_28 = tpu.memref_slice %arg2[%add3A, %dma_start3A] : memref<32x8192xf32, #tpu.memory_space<hbm>> -> memref<1x8192xf32, #tpu.memory_space<hbm>>
      %dma_start3A_29 = tpu.memref_squeeze %dma_start3A_28 : memref<1x8192xf32, #tpu.memory_space<hbm>> -> memref<8192xf32, #tpu.memory_space<hbm>>
      %dma_start3A_30 = arith.constant 0 : i32
      %dma_start3A_31 = tpu.memref_slice %arg2[%add3A, %dma_start3A_30] : memref<32x8192xf32, #tpu.memory_space<hbm>> -> memref<1x8192xf32, #tpu.memory_space<hbm>>
      %dma_start3A_32 = tpu.memref_squeeze %dma_start3A_31 : memref<1x8192xf32, #tpu.memory_space<hbm>> -> memref<8192xf32, #tpu.memory_space<hbm>>
      tpu.enqueue_dma source(%dma_start3A_32 : memref<8192xf32, #tpu.memory_space<hbm>>) target(%arg4 : memref<8192xf32, #tpu.memory_space<vmem>>) target_semaphore(%run_scoped3A : memref<!tpu.dma_semaphore, #tpu.memory_space<semaphore_mem>>)
      %dma_wait3A = arith.constant 0 : i32
      %dma_wait3A_33 = tpu.memref_slice %arg2[%add3A, %dma_wait3A] : memref<32x8192xf32, #tpu.memory_space<hbm>> -> memref<1x8192xf32, #tpu.memory_space<hbm>>
      %dma_wait3A_34 = tpu.memref_squeeze %dma_wait3A_33 : memref<1x8192xf32, #tpu.memory_space<hbm>> -> memref<8192xf32, #tpu.memory_space<hbm>>
      %dma_wait3A_35 = arith.constant 0 : i32
      %dma_wait3A_36 = tpu.memref_slice %arg2[%add3A, %dma_wait3A_35] : memref<32x8192xf32, #tpu.memory_space<hbm>> -> memref<1x8192xf32, #tpu.memory_space<hbm>>
      %dma_wait3A_37 = tpu.memref_squeeze %dma_wait3A_36 : memref<1x8192xf32, #tpu.memory_space<hbm>> -> memref<8192xf32, #tpu.memory_space<hbm>>
      tpu.wait_dma2 semaphore(%run_scoped3A : memref<!tpu.dma_semaphore, #tpu.memory_space<semaphore_mem>>) src(%dma_wait3A_37 : memref<8192xf32, #tpu.memory_space<hbm>>) dst(%arg4 : memref<8192xf32, #tpu.memory_space<vmem>>)
      tpu.yield
    }) : () -> ()
    %broadcast_in_dim3A = arith.constant 2147483647 : i32
    %broadcast_in_dim3A_1 = vector.broadcast %broadcast_in_dim3A : i32 to vector<16xi32>
    %broadcast_in_dim3A_2 = arith.constant 0 : i32
    %broadcast_in_dim3A_3 = vector.broadcast %broadcast_in_dim3A_2 : i32 to vector<16xi32>
    %broadcast_in_dim3A_4 = arith.constant 1 : i32
    %broadcast_in_dim3A_5 = vector.broadcast %broadcast_in_dim3A_4 : i32 to vector<16xi32>
    %broadcast_in_dim3A_6 = arith.constant 51 : i32
    %broadcast_in_dim3A_7 = vector.broadcast %broadcast_in_dim3A_6 : i32 to vector<16xi32>
    %broadcast_in_dim3A_8 = arith.constant -2147483648 : i32
    %broadcast_in_dim3A_9 = vector.broadcast %broadcast_in_dim3A_8 : i32 to vector<16xi32>
    %scan3A = arith.constant 0 : i32
    %scan3A_10 = arith.constant 0 : i32
    %scan3A_11 = arith.constant 32 : i32
    %scan3A_12 = arith.addi %scan3A_10, %scan3A_11 : i32
    %scan3A_13 = arith.constant 1 : i32
    scf.for %scan3A_28 = %scan3A_10 to %scan3A_12 step %scan3A_13  : i32 {
      %mul3A_29 = arith.constant 256 : i32
      %mul3A_30 = arith.muli %scan3A_28, %mul3A_29 : i32
      %add3A_31 = arith.constant 0 : i32
      %add3A_32 = arith.addi %mul3A_30, %add3A_31 : i32
      %get3A = arith.index_cast %add3A_32 : i32 to index
      %get3A_33 = tpu.vector_load %arg4[%get3A] {strides = array<i32>} : memref<8192xf32, #tpu.memory_space<vmem>>, vector<16xf32>,
      %get3A_34 = vector.shape_cast %get3A_33 : vector<16xf32> to vector<16xf32>
      %bitcast_convert_type3A_35 = tpu.bitcast %get3A_34 : vector<16xf32> -> vector<16xi32>
      %lt3A_36 = arith.cmpi slt, %bitcast_convert_type3A_35, %broadcast_in_dim3A_3 : vector<16xi32>
      %and3A = arith.andi %bitcast_convert_type3A_35, %broadcast_in_dim3A_1 : vector<16xi32>
      %sub3A_37 = arith.subi %broadcast_in_dim3A_3, %and3A : vector<16xi32>
      %select_n3A_38 = arith.select %lt3A_36, %sub3A_37, %bitcast_convert_type3A_35 : vector<16xi1>, vector<16xi32>
      %add3A_39 = arith.constant 0 : i32
      %add3A_40 = arith.addi %mul3A_30, %add3A_39 : i32
      %swap3A_41 = arith.index_cast %add3A_40 : i32 to index
      %swap3A_42 = tpu.vector_load %arg5[%swap3A_41] {strides = array<i32>} : memref<8192xi32, #tpu.memory_space<vmem>>, vector<16xi32>,
      %swap3A_43 = vector.shape_cast %swap3A_42 : vector<16xi32> to vector<16xi32>
      %swap3A_44 = vector.shape_cast %select_n3A_38 : vector<16xi32> to vector<16xi32>
      tpu.vector_store %arg5[%swap3A_41], %swap3A_44 {strides = array<i32>} : memref<8192xi32, #tpu.memory_space<vmem>>, vector<16xi32>,
      %add3A_45 = arith.constant 16 : i32
      %add3A_46 = arith.addi %mul3A_30, %add3A_45 : i32
      %get3A_47 = arith.index_cast %add3A_46 : i32 to index
      %get3A_48 = tpu.vector_load %arg4[%get3A_47] {strides = array<i32>} : memref<8192xf32, #tpu.memory_space<vmem>>, vector<16xf32>,
      %get3A_49 = vector.shape_cast %get3A_48 : vector<16xf32> to vector<16xf32>
      %bitcast_convert_type3A_50 = tpu.bitcast %get3A_49 : vector<16xf32> -> vector<16xi32>
      %lt3A_51 = arith.cmpi slt, %bitcast_convert_type3A_50, %broadcast_in_dim3A_3 : vector<16xi32>
      %and3A_52 = arith.andi %bitcast_convert_type3A_50, %broadcast_in_dim3A_1 : vector<16xi32>
      %sub3A_53 = arith.subi %broadcast_in_dim3A_3, %and3A_52 : vector<16xi32>
      %select_n3A_54 = arith.select %lt3A_51, %sub3A_53, %bitcast_convert_type3A_50 : vector<16xi1>, vector<16xi32>
      %add3A_55 = arith.constant 16 : i32
      %add3A_56 = arith.addi %mul3A_30, %add3A_55 : i32
      %swap3A_57 = arith.index_cast %add3A_56 : i32 to index
      %swap3A_58 = tpu.vector_load %arg5[%swap3A_57] {strides = array<i32>} : memref<8192xi32, #tpu.memory_space<vmem>>, vector<16xi32>,
      %swap3A_59 = vector.shape_cast %swap3A_58 : vector<16xi32> to vector<16xi32>
      %swap3A_60 = vector.shape_cast %select_n3A_54 : vector<16xi32> to vector<16xi32>
      tpu.vector_store %arg5[%swap3A_57], %swap3A_60 {strides = array<i32>} : memref<8192xi32, #tpu.memory_space<vmem>>, vector<16xi32>,
      %add3A_61 = arith.constant 32 : i32
      %add3A_62 = arith.addi %mul3A_30, %add3A_61 : i32
      %get3A_63 = arith.index_cast %add3A_62 : i32 to index
      %get3A_64 = tpu.vector_load %arg4[%get3A_63] {strides = array<i32>} : memref<8192xf32, #tpu.memory_space<vmem>>, vector<16xf32>,
      %get3A_65 = vector.shape_cast %get3A_64 : vector<16xf32> to vector<16xf32>
      %bitcast_convert_type3A_66 = tpu.bitcast %get3A_65 : vector<16xf32> -> vector<16xi32>
      %lt3A_67 = arith.cmpi slt, %bitcast_convert_type3A_66, %broadcast_in_dim3A_3 : vector<16xi32>
      %and3A_68 = arith.andi %bitcast_convert_type3A_66, %broadcast_in_dim3A_1 : vector<16xi32>
      %sub3A_69 = arith.subi %broadcast_in_dim3A_3, %and3A_68 : vector<16xi32>
      %select_n3A_70 = arith.select %lt3A_67, %sub3A_69, %bitcast_convert_type3A_66 : vector<16xi1>, vector<16xi32>
      %add3A_71 = arith.constant 32 : i32
      %add3A_72 = arith.addi %mul3A_30, %add3A_71 : i32
      %swap3A_73 = arith.index_cast %add3A_72 : i32 to index
      %swap3A_74 = tpu.vector_load %arg5[%swap3A_73] {strides = array<i32>} : memref<8192xi32, #tpu.memory_space<vmem>>, vector<16xi32>,
      %swap3A_75 = vector.shape_cast %swap3A_74 : vector<16xi32> to vector<16xi32>
      %swap3A_76 = vector.shape_cast %select_n3A_70 : vector<16xi32> to vector<16xi32>
      tpu.vector_store %arg5[%swap3A_73], %swap3A_76 {strides = array<i32>} : memref<8192xi32, #tpu.memory_space<vmem>>, vector<16xi32>,
      %add3A_77 = arith.constant 48 : i32
      %add3A_78 = arith.addi %mul3A_30, %add3A_77 : i32
      %get3A_79 = arith.index_cast %add3A_78 : i32 to index
      %get3A_80 = tpu.vector_load %arg4[%get3A_79] {strides = array<i32>} : memref<8192xf32, #tpu.memory_space<vmem>>, vector<16xf32>,
      %get3A_81 = vector.shape_cast %get3A_80 : vector<16xf32> to vector<16xf32>
      %bitcast_convert_type3A_82 = tpu.bitcast %get3A_81 : vector<16xf32> -> vector<16xi32>
      %lt3A_83 = arith.cmpi slt, %bitcast_convert_type3A_82, %broadcast_in_dim3A_3 : vector<16xi32>
      %and3A_84 = arith.andi %bitcast_convert_type3A_82, %broadcast_in_dim3A_1 : vector<16xi32>
      %sub3A_85 = arith.subi %broadcast_in_dim3A_3, %and3A_84 : vector<16xi32>
      %select_n3A_86 = arith.select %lt3A_83, %sub3A_85, %bitcast_convert_type3A_82 : vector<16xi1>, vector<16xi32>
      %add3A_87 = arith.constant 48 : i32
      %add3A_88 = arith.addi %mul3A_30, %add3A_87 : i32
      %swap3A_89 = arith.index_cast %add3A_88 : i32 to index
      %swap3A_90 = tpu.vector_load %arg5[%swap3A_89] {strides = array<i32>} : memref<8192xi32, #tpu.memory_space<vmem>>, vector<16xi32>,
      %swap3A_91 = vector.shape_cast %swap3A_90 : vector<16xi32> to vector<16xi32>
      %swap3A_92 = vector.shape_cast %select_n3A_86 : vector<16xi32> to vector<16xi32>
      tpu.vector_store %arg5[%swap3A_89], %swap3A_92 {strides = array<i32>} : memref<8192xi32, #tpu.memory_space<vmem>>, vector<16xi32>,
      %add3A_93 = arith.constant 64 : i32
      %add3A_94 = arith.addi %mul3A_30, %add3A_93 : i32
      %get3A_95 = arith.index_cast %add3A_94 : i32 to index
      %get3A_96 = tpu.vector_load %arg4[%get3A_95] {strides = array<i32>} : memref<8192xf32, #tpu.memory_space<vmem>>, vector<16xf32>,
      %get3A_97 = vector.shape_cast %get3A_96 : vector<16xf32> to vector<16xf32>
      %bitcast_convert_type3A_98 = tpu.bitcast %get3A_97 : vector<16xf32> -> vector<16xi32>
      %lt3A_99 = arith.cmpi slt, %bitcast_convert_type3A_98, %broadcast_in_dim3A_3 : vector<16xi32>
      %and3A_100 = arith.andi %bitcast_convert_type3A_98, %broadcast_in_dim3A_1 : vector<16xi32>
      %sub3A_101 = arith.subi %broadcast_in_dim3A_3, %and3A_100 : vector<16xi32>
      %select_n3A_102 = arith.select %lt3A_99, %sub3A_101, %bitcast_convert_type3A_98 : vector<16xi1>, vector<16xi32>
      %add3A_103 = arith.constant 64 : i32
      %add3A_104 = arith.addi %mul3A_30, %add3A_103 : i32
      %swap3A_105 = arith.index_cast %add3A_104 : i32 to index
      %swap3A_106 = tpu.vector_load %arg5[%swap3A_105] {strides = array<i32>} : memref<8192xi32, #tpu.memory_space<vmem>>, vector<16xi32>,
      %swap3A_107 = vector.shape_cast %swap3A_106 : vector<16xi32> to vector<16xi32>
      %swap3A_108 = vector.shape_cast %select_n3A_102 : vector<16xi32> to vector<16xi32>
      tpu.vector_store %arg5[%swap3A_105], %swap3A_108 {strides = array<i32>} : memref<8192xi32, #tpu.memory_space<vmem>>, vector<16xi32>,
      %add3A_109 = arith.constant 80 : i32
      %add3A_110 = arith.addi %mul3A_30, %add3A_109 : i32
      %get3A_111 = arith.index_cast %add3A_110 : i32 to index
      %get3A_112 = tpu.vector_load %arg4[%get3A_111] {strides = array<i32>} : memref<8192xf32, #tpu.memory_space<vmem>>, vector<16xf32>,
      %get3A_113 = vector.shape_cast %get3A_112 : vector<16xf32> to vector<16xf32>
      %bitcast_convert_type3A_114 = tpu.bitcast %get3A_113 : vector<16xf32> -> vector<16xi32>
      %lt3A_115 = arith.cmpi slt, %bitcast_convert_type3A_114, %broadcast_in_dim3A_3 : vector<16xi32>
      %and3A_116 = arith.andi %bitcast_convert_type3A_114, %broadcast_in_dim3A_1 : vector<16xi32>
      %sub3A_117 = arith.subi %broadcast_in_dim3A_3, %and3A_116 : vector<16xi32>
      %select_n3A_118 = arith.select %lt3A_115, %sub3A_117, %bitcast_convert_type3A_114 : vector<16xi1>, vector<16xi32>
      %add3A_119 = arith.constant 80 : i32
      %add3A_120 = arith.addi %mul3A_30, %add3A_119 : i32
      %swap3A_121 = arith.index_cast %add3A_120 : i32 to index
      %swap3A_122 = tpu.vector_load %arg5[%swap3A_121] {strides = array<i32>} : memref<8192xi32, #tpu.memory_space<vmem>>, vector<16xi32>,
      %swap3A_123 = vector.shape_cast %swap3A_122 : vector<16xi32> to vector<16xi32>
      %swap3A_124 = vector.shape_cast %select_n3A_118 : vector<16xi32> to vector<16xi32>
      tpu.vector_store %arg5[%swap3A_121], %swap3A_124 {strides = array<i32>} : memref<8192xi32, #tpu.memory_space<vmem>>, vector<16xi32>,
      %add3A_125 = arith.constant 96 : i32
      %add3A_126 = arith.addi %mul3A_30, %add3A_125 : i32
      %get3A_127 = arith.index_cast %add3A_126 : i32 to index
      %get3A_128 = tpu.vector_load %arg4[%get3A_127] {strides = array<i32>} : memref<8192xf32, #tpu.memory_space<vmem>>, vector<16xf32>,
      %get3A_129 = vector.shape_cast %get3A_128 : vector<16xf32> to vector<16xf32>
      %bitcast_convert_type3A_130 = tpu.bitcast %get3A_129 : vector<16xf32> -> vector<16xi32>
      %lt3A_131 = arith.cmpi slt, %bitcast_convert_type3A_130, %broadcast_in_dim3A_3 : vector<16xi32>
      %and3A_132 = arith.andi %bitcast_convert_type3A_130, %broadcast_in_dim3A_1 : vector<16xi32>
      %sub3A_133 = arith.subi %broadcast_in_dim3A_3, %and3A_132 : vector<16xi32>
      %select_n3A_134 = arith.select %lt3A_131, %sub3A_133, %bitcast_convert_type3A_130 : vector<16xi1>, vector<16xi32>
      %add3A_135 = arith.constant 96 : i32
      %add3A_136 = arith.addi %mul3A_30, %add3A_135 : i32
      %swap3A_137 = arith.index_cast %add3A_136 : i32 to index
      %swap3A_138 = tpu.vector_load %arg5[%swap3A_137] {strides = array<i32>} : memref<8192xi32, #tpu.memory_space<vmem>>, vector<16xi32>,
      %swap3A_139 = vector.shape_cast %swap3A_138 : vector<16xi32> to vector<16xi32>
      %swap3A_140 = vector.shape_cast %select_n3A_134 : vector<16xi32> to vector<16xi32>
      tpu.vector_store %arg5[%swap3A_137], %swap3A_140 {strides = array<i32>} : memref<8192xi32, #tpu.memory_space<vmem>>, vector<16xi32>,
      %add3A_141 = arith.constant 112 : i32
      %add3A_142 = arith.addi %mul3A_30, %add3A_141 : i32
      %get3A_143 = arith.index_cast %add3A_142 : i32 to index
      %get3A_144 = tpu.vector_load %arg4[%get3A_143] {strides = array<i32>} : memref<8192xf32, #tpu.memory_space<vmem>>, vector<16xf32>,
      %get3A_145 = vector.shape_cast %get3A_144 : vector<16xf32> to vector<16xf32>
      %bitcast_convert_type3A_146 = tpu.bitcast %get3A_145 : vector<16xf32> -> vector<16xi32>
      %lt3A_147 = arith.cmpi slt, %bitcast_convert_type3A_146, %broadcast_in_dim3A_3 : vector<16xi32>
      %and3A_148 = arith.andi %bitcast_convert_type3A_146, %broadcast_in_dim3A_1 : vector<16xi32>
      %sub3A_149 = arith.subi %broadcast_in_dim3A_3, %and3A_148 : vector<16xi32>
      %select_n3A_150 = arith.select %lt3A_147, %sub3A_149, %bitcast_convert_type3A_146 : vector<16xi1>, vector<16xi32>
      %add3A_151 = arith.constant 112 : i32
      %add3A_152 = arith.addi %mul3A_30, %add3A_151 : i32
      %swap3A_153 = arith.index_cast %add3A_152 : i32 to index
      %swap3A_154 = tpu.vector_load %arg5[%swap3A_153] {strides = array<i32>} : memref<8192xi32, #tpu.memory_space<vmem>>, vector<16xi32>,
      %swap3A_155 = vector.shape_cast %swap3A_154 : vector<16xi32> to vector<16xi32>
      %swap3A_156 = vector.shape_cast %select_n3A_150 : vector<16xi32> to vector<16xi32>
      tpu.vector_store %arg5[%swap3A_153], %swap3A_156 {strides = array<i32>} : memref<8192xi32, #tpu.memory_space<vmem>>, vector<16xi32>,
      %add3A_157 = arith.constant 128 : i32
      %add3A_158 = arith.addi %mul3A_30, %add3A_157 : i32
      %get3A_159 = arith.index_cast %add3A_158 : i32 to index
      %get3A_160 = tpu.vector_load %arg4[%get3A_159] {strides = array<i32>} : memref<8192xf32, #tpu.memory_space<vmem>>, vector<16xf32>,
      %get3A_161 = vector.shape_cast %get3A_160 : vector<16xf32> to vector<16xf32>
      %bitcast_convert_type3A_162 = tpu.bitcast %get3A_161 : vector<16xf32> -> vector<16xi32>
      %lt3A_163 = arith.cmpi slt, %bitcast_convert_type3A_162, %broadcast_in_dim3A_3 : vector<16xi32>
      %and3A_164 = arith.andi %bitcast_convert_type3A_162, %broadcast_in_dim3A_1 : vector<16xi32>
      %sub3A_165 = arith.subi %broadcast_in_dim3A_3, %and3A_164 : vector<16xi32>
      %select_n3A_166 = arith.select %lt3A_163, %sub3A_165, %bitcast_convert_type3A_162 : vector<16xi1>, vector<16xi32>
      %add3A_167 = arith.constant 128 : i32
      %add3A_168 = arith.addi %mul3A_30, %add3A_167 : i32
      %swap3A_169 = arith.index_cast %add3A_168 : i32 to index
      %swap3A_170 = tpu.vector_load %arg5[%swap3A_169] {strides = array<i32>} : memref<8192xi32, #tpu.memory_space<vmem>>, vector<16xi32>,
      %swap3A_171 = vector.shape_cast %swap3A_170 : vector<16xi32> to vector<16xi32>
      %swap3A_172 = vector.shape_cast %select_n3A_166 : vector<16xi32> to vector<16xi32>
      tpu.vector_store %arg5[%swap3A_169], %swap3A_172 {strides = array<i32>} : memref<8192xi32, #tpu.memory_space<vmem>>, vector<16xi32>,
      %add3A_173 = arith.constant 144 : i32
      %add3A_174 = arith.addi %mul3A_30, %add3A_173 : i32
      %get3A_175 = arith.index_cast %add3A_174 : i32 to index
      %get3A_176 = tpu.vector_load %arg4[%get3A_175] {strides = array<i32>} : memref<8192xf32, #tpu.memory_space<vmem>>, vector<16xf32>,
      %get3A_177 = vector.shape_cast %get3A_176 : vector<16xf32> to vector<16xf32>
      %bitcast_convert_type3A_178 = tpu.bitcast %get3A_177 : vector<16xf32> -> vector<16xi32>
      %lt3A_179 = arith.cmpi slt, %bitcast_convert_type3A_178, %broadcast_in_dim3A_3 : vector<16xi32>
      %and3A_180 = arith.andi %bitcast_convert_type3A_178, %broadcast_in_dim3A_1 : vector<16xi32>
      %sub3A_181 = arith.subi %broadcast_in_dim3A_3, %and3A_180 : vector<16xi32>
      %select_n3A_182 = arith.select %lt3A_179, %sub3A_181, %bitcast_convert_type3A_178 : vector<16xi1>, vector<16xi32>
      %add3A_183 = arith.constant 144 : i32
      %add3A_184 = arith.addi %mul3A_30, %add3A_183 : i32
      %swap3A_185 = arith.index_cast %add3A_184 : i32 to index
      %swap3A_186 = tpu.vector_load %arg5[%swap3A_185] {strides = array<i32>} : memref<8192xi32, #tpu.memory_space<vmem>>, vector<16xi32>,
      %swap3A_187 = vector.shape_cast %swap3A_186 : vector<16xi32> to vector<16xi32>
      %swap3A_188 = vector.shape_cast %select_n3A_182 : vector<16xi32> to vector<16xi32>
      tpu.vector_store %arg5[%swap3A_185], %swap3A_188 {strides = array<i32>} : memref<8192xi32, #tpu.memory_space<vmem>>, vector<16xi32>,
      %add3A_189 = arith.constant 160 : i32
      %add3A_190 = arith.addi %mul3A_30, %add3A_189 : i32
      %get3A_191 = arith.index_cast %add3A_190 : i32 to index
      %get3A_192 = tpu.vector_load %arg4[%get3A_191] {strides = array<i32>} : memref<8192xf32, #tpu.memory_space<vmem>>, vector<16xf32>,
      %get3A_193 = vector.shape_cast %get3A_192 : vector<16xf32> to vector<16xf32>
      %bitcast_convert_type3A_194 = tpu.bitcast %get3A_193 : vector<16xf32> -> vector<16xi32>
      %lt3A_195 = arith.cmpi slt, %bitcast_convert_type3A_194, %broadcast_in_dim3A_3 : vector<16xi32>
      %and3A_196 = arith.andi %bitcast_convert_type3A_194, %broadcast_in_dim3A_1 : vector<16xi32>
      %sub3A_197 = arith.subi %broadcast_in_dim3A_3, %and3A_196 : vector<16xi32>
      %select_n3A_198 = arith.select %lt3A_195, %sub3A_197, %bitcast_convert_type3A_194 : vector<16xi1>, vector<16xi32>
      %add3A_199 = arith.constant 160 : i32
      %add3A_200 = arith.addi %mul3A_30, %add3A_199 : i32
      %swap3A_201 = arith.index_cast %add3A_200 : i32 to index
      %swap3A_202 = tpu.vector_load %arg5[%swap3A_201] {strides = array<i32>} : memref<8192xi32, #tpu.memory_space<vmem>>, vector<16xi32>,
      %swap3A_203 = vector.shape_cast %swap3A_202 : vector<16xi32> to vector<16xi32>
      %swap3A_204 = vector.shape_cast %select_n3A_198 : vector<16xi32> to vector<16xi32>
      tpu.vector_store %arg5[%swap3A_201], %swap3A_204 {strides = array<i32>} : memref<8192xi32, #tpu.memory_space<vmem>>, vector<16xi32>,
      %add3A_205 = arith.constant 176 : i32
      %add3A_206 = arith.addi %mul3A_30, %add3A_205 : i32
      %get3A_207 = arith.index_cast %add3A_206 : i32 to index
      %get3A_208 = tpu.vector_load %arg4[%get3A_207] {strides = array<i32>} : memref<8192xf32, #tpu.memory_space<vmem>>, vector<16xf32>,
      %get3A_209 = vector.shape_cast %get3A_208 : vector<16xf32> to vector<16xf32>
      %bitcast_convert_type3A_210 = tpu.bitcast %get3A_209 : vector<16xf32> -> vector<16xi32>
      %lt3A_211 = arith.cmpi slt, %bitcast_convert_type3A_210, %broadcast_in_dim3A_3 : vector<16xi32>
      %and3A_212 = arith.andi %bitcast_convert_type3A_210, %broadcast_in_dim3A_1 : vector<16xi32>
      %sub3A_213 = arith.subi %broadcast_in_dim3A_3, %and3A_212 : vector<16xi32>
      %select_n3A_214 = arith.select %lt3A_211, %sub3A_213, %bitcast_convert_type3A_210 : vector<16xi1>, vector<16xi32>
      %add3A_215 = arith.constant 176 : i32
      %add3A_216 = arith.addi %mul3A_30, %add3A_215 : i32
      %swap3A_217 = arith.index_cast %add3A_216 : i32 to index
      %swap3A_218 = tpu.vector_load %arg5[%swap3A_217] {strides = array<i32>} : memref<8192xi32, #tpu.memory_space<vmem>>, vector<16xi32>,
      %swap3A_219 = vector.shape_cast %swap3A_218 : vector<16xi32> to vector<16xi32>
      %swap3A_220 = vector.shape_cast %select_n3A_214 : vector<16xi32> to vector<16xi32>
      tpu.vector_store %arg5[%swap3A_217], %swap3A_220 {strides = array<i32>} : memref<8192xi32, #tpu.memory_space<vmem>>, vector<16xi32>,
      %add3A_221 = arith.constant 192 : i32
      %add3A_222 = arith.addi %mul3A_30, %add3A_221 : i32
      %get3A_223 = arith.index_cast %add3A_222 : i32 to index
      %get3A_224 = tpu.vector_load %arg4[%get3A_223] {strides = array<i32>} : memref<8192xf32, #tpu.memory_space<vmem>>, vector<16xf32>,
      %get3A_225 = vector.shape_cast %get3A_224 : vector<16xf32> to vector<16xf32>
      %bitcast_convert_type3A_226 = tpu.bitcast %get3A_225 : vector<16xf32> -> vector<16xi32>
      %lt3A_227 = arith.cmpi slt, %bitcast_convert_type3A_226, %broadcast_in_dim3A_3 : vector<16xi32>
      %and3A_228 = arith.andi %bitcast_convert_type3A_226, %broadcast_in_dim3A_1 : vector<16xi32>
      %sub3A_229 = arith.subi %broadcast_in_dim3A_3, %and3A_228 : vector<16xi32>
      %select_n3A_230 = arith.select %lt3A_227, %sub3A_229, %bitcast_convert_type3A_226 : vector<16xi1>, vector<16xi32>
      %add3A_231 = arith.constant 192 : i32
      %add3A_232 = arith.addi %mul3A_30, %add3A_231 : i32
      %swap3A_233 = arith.index_cast %add3A_232 : i32 to index
      %swap3A_234 = tpu.vector_load %arg5[%swap3A_233] {strides = array<i32>} : memref<8192xi32, #tpu.memory_space<vmem>>, vector<16xi32>,
      %swap3A_235 = vector.shape_cast %swap3A_234 : vector<16xi32> to vector<16xi32>
      %swap3A_236 = vector.shape_cast %select_n3A_230 : vector<16xi32> to vector<16xi32>
      tpu.vector_store %arg5[%swap3A_233], %swap3A_236 {strides = array<i32>} : memref<8192xi32, #tpu.memory_space<vmem>>, vector<16xi32>,
      %add3A_237 = arith.constant 208 : i32
      %add3A_238 = arith.addi %mul3A_30, %add3A_237 : i32
      %get3A_239 = arith.index_cast %add3A_238 : i32 to index
      %get3A_240 = tpu.vector_load %arg4[%get3A_239] {strides = array<i32>} : memref<8192xf32, #tpu.memory_space<vmem>>, vector<16xf32>,
      %get3A_241 = vector.shape_cast %get3A_240 : vector<16xf32> to vector<16xf32>
      %bitcast_convert_type3A_242 = tpu.bitcast %get3A_241 : vector<16xf32> -> vector<16xi32>
      %lt3A_243 = arith.cmpi slt, %bitcast_convert_type3A_242, %broadcast_in_dim3A_3 : vector<16xi32>
      %and3A_244 = arith.andi %bitcast_convert_type3A_242, %broadcast_in_dim3A_1 : vector<16xi32>
      %sub3A_245 = arith.subi %broadcast_in_dim3A_3, %and3A_244 : vector<16xi32>
      %select_n3A_246 = arith.select %lt3A_243, %sub3A_245, %bitcast_convert_type3A_242 : vector<16xi1>, vector<16xi32>
      %add3A_247 = arith.constant 208 : i32
      %add3A_248 = arith.addi %mul3A_30, %add3A_247 : i32
      %swap3A_249 = arith.index_cast %add3A_248 : i32 to index
      %swap3A_250 = tpu.vector_load %arg5[%swap3A_249] {strides = array<i32>} : memref<8192xi32, #tpu.memory_space<vmem>>, vector<16xi32>,
      %swap3A_251 = vector.shape_cast %swap3A_250 : vector<16xi32> to vector<16xi32>
      %swap3A_252 = vector.shape_cast %select_n3A_246 : vector<16xi32> to vector<16xi32>
      tpu.vector_store %arg5[%swap3A_249], %swap3A_252 {strides = array<i32>} : memref<8192xi32, #tpu.memory_space<vmem>>, vector<16xi32>,
      %add3A_253 = arith.constant 224 : i32
      %add3A_254 = arith.addi %mul3A_30, %add3A_253 : i32
      %get3A_255 = arith.index_cast %add3A_254 : i32 to index
      %get3A_256 = tpu.vector_load %arg4[%get3A_255] {strides = array<i32>} : memref<8192xf32, #tpu.memory_space<vmem>>, vector<16xf32>,
      %get3A_257 = vector.shape_cast %get3A_256 : vector<16xf32> to vector<16xf32>
      %bitcast_convert_type3A_258 = tpu.bitcast %get3A_257 : vector<16xf32> -> vector<16xi32>
      %lt3A_259 = arith.cmpi slt, %bitcast_convert_type3A_258, %broadcast_in_dim3A_3 : vector<16xi32>
      %and3A_260 = arith.andi %bitcast_convert_type3A_258, %broadcast_in_dim3A_1 : vector<16xi32>
      %sub3A_261 = arith.subi %broadcast_in_dim3A_3, %and3A_260 : vector<16xi32>
      %select_n3A_262 = arith.select %lt3A_259, %sub3A_261, %bitcast_convert_type3A_258 : vector<16xi1>, vector<16xi32>
      %add3A_263 = arith.constant 224 : i32
      %add3A_264 = arith.addi %mul3A_30, %add3A_263 : i32
      %swap3A_265 = arith.index_cast %add3A_264 : i32 to index
      %swap3A_266 = tpu.vector_load %arg5[%swap3A_265] {strides = array<i32>} : memref<8192xi32, #tpu.memory_space<vmem>>, vector<16xi32>,
      %swap3A_267 = vector.shape_cast %swap3A_266 : vector<16xi32> to vector<16xi32>
      %swap3A_268 = vector.shape_cast %select_n3A_262 : vector<16xi32> to vector<16xi32>
      tpu.vector_store %arg5[%swap3A_265], %swap3A_268 {strides = array<i32>} : memref<8192xi32, #tpu.memory_space<vmem>>, vector<16xi32>,
      %add3A_269 = arith.constant 240 : i32
      %add3A_270 = arith.addi %mul3A_30, %add3A_269 : i32
      %get3A_271 = arith.index_cast %add3A_270 : i32 to index
      %get3A_272 = tpu.vector_load %arg4[%get3A_271] {strides = array<i32>} : memref<8192xf32, #tpu.memory_space<vmem>>, vector<16xf32>,
      %get3A_273 = vector.shape_cast %get3A_272 : vector<16xf32> to vector<16xf32>
      %bitcast_convert_type3A_274 = tpu.bitcast %get3A_273 : vector<16xf32> -> vector<16xi32>
      %lt3A_275 = arith.cmpi slt, %bitcast_convert_type3A_274, %broadcast_in_dim3A_3 : vector<16xi32>
      %and3A_276 = arith.andi %bitcast_convert_type3A_274, %broadcast_in_dim3A_1 : vector<16xi32>
      %sub3A_277 = arith.subi %broadcast_in_dim3A_3, %and3A_276 : vector<16xi32>
      %select_n3A_278 = arith.select %lt3A_275, %sub3A_277, %bitcast_convert_type3A_274 : vector<16xi1>, vector<16xi32>
      %add3A_279 = arith.constant 240 : i32
      %add3A_280 = arith.addi %mul3A_30, %add3A_279 : i32
      %swap3A_281 = arith.index_cast %add3A_280 : i32 to index
      %swap3A_282 = tpu.vector_load %arg5[%swap3A_281] {strides = array<i32>} : memref<8192xi32, #tpu.memory_space<vmem>>, vector<16xi32>,
      %swap3A_283 = vector.shape_cast %swap3A_282 : vector<16xi32> to vector<16xi32>
      %swap3A_284 = vector.shape_cast %select_n3A_278 : vector<16xi32> to vector<16xi32>
      tpu.vector_store %arg5[%swap3A_281], %swap3A_284 {strides = array<i32>} : memref<8192xi32, #tpu.memory_space<vmem>>, vector<16xi32>,
    }
    %scan3A_14 = arith.constant 32 : i32
    %broadcast_in_dim3A_15 = arith.constant -2139095041 : i32
    %broadcast_in_dim3A_16 = vector.broadcast %broadcast_in_dim3A_15 : i32 to vector<16xi32>
    %broadcast_in_dim3A_17 = arith.constant 2139095041 : i32
    %broadcast_in_dim3A_18 = vector.broadcast %broadcast_in_dim3A_17 : i32 to vector<16xi32>
    %scan3A_19 = arith.constant 0 : i32
    %scan3A_20 = arith.constant 33 : i32
    %scan3A_21 = arith.addi %scan3A_19, %scan3A_20 : i32
    %scan3A_22 = arith.constant 1 : i32
    %scan3A_23:2 = scf.for %scan3A_28 = %scan3A_19 to %scan3A_21 step %scan3A_22 iter_args(%scan3A_29 = %broadcast_in_dim3A_16, %scan3A_30 = %broadcast_in_dim3A_18) -> (vector<16xi32>, vector<16xi32>)  : i32 {
      %and3A = arith.andi %scan3A_29, %scan3A_30 : vector<16xi32>
      %xor3A = arith.xori %scan3A_29, %scan3A_30 : vector<16xi32>
      %shift_right_arithmetic3A = arith.shrsi %xor3A, %broadcast_in_dim3A_5 : vector<16xi32>
      %add3A_31 = arith.addi %and3A, %shift_right_arithmetic3A : vector<16xi32>
      %scan3A_32 = arith.constant 0 : i32
      %scan3A_33 = arith.constant 32 : i32
      %scan3A_34 = arith.addi %scan3A_32, %scan3A_33 : i32
      %scan3A_35 = arith.constant 1 : i32
      %scan3A_36 = scf.for %scan3A_40 = %scan3A_32 to %scan3A_34 step %scan3A_35 iter_args(%scan3A_41 = %broadcast_in_dim3A_3) -> (vector<16xi32>)  : i32 {
        %mul3A_42 = arith.constant 256 : i32
        %mul3A_43 = arith.muli %scan3A_40, %mul3A_42 : i32
        %add3A_44 = arith.constant 0 : i32
        %add3A_45 = arith.addi %mul3A_43, %add3A_44 : i32
        %get3A = arith.index_cast %add3A_45 : i32 to index
        %get3A_46 = tpu.vector_load %arg5[%get3A] {strides = array<i32>} : memref<8192xi32, #tpu.memory_space<vmem>>, vector<16xi32>,
        %get3A_47 = vector.shape_cast %get3A_46 : vector<16xi32> to vector<16xi32>
        %ge3A_48 = arith.cmpi sge, %get3A_47, %add3A_31 : vector<16xi32>
        %select_n3A_49 = arith.select %ge3A_48, %broadcast_in_dim3A_5, %broadcast_in_dim3A_3 : vector<16xi1>, vector<16xi32>
        %add3A_50 = arith.addi %scan3A_41, %select_n3A_49 : vector<16xi32>
        %add3A_51 = arith.constant 16 : i32
        %add3A_52 = arith.addi %mul3A_43, %add3A_51 : i32
        %get3A_53 = arith.index_cast %add3A_52 : i32 to index
        %get3A_54 = tpu.vector_load %arg5[%get3A_53] {strides = array<i32>} : memref<8192xi32, #tpu.memory_space<vmem>>, vector<16xi32>,
        %get3A_55 = vector.shape_cast %get3A_54 : vector<16xi32> to vector<16xi32>
        %ge3A_56 = arith.cmpi sge, %get3A_55, %add3A_31 : vector<16xi32>
        %select_n3A_57 = arith.select %ge3A_56, %broadcast_in_dim3A_5, %broadcast_in_dim3A_3 : vector<16xi1>, vector<16xi32>
        %add3A_58 = arith.addi %add3A_50, %select_n3A_57 : vector<16xi32>
        %add3A_59 = arith.constant 32 : i32
        %add3A_60 = arith.addi %mul3A_43, %add3A_59 : i32
        %get3A_61 = arith.index_cast %add3A_60 : i32 to index
        %get3A_62 = tpu.vector_load %arg5[%get3A_61] {strides = array<i32>} : memref<8192xi32, #tpu.memory_space<vmem>>, vector<16xi32>,
        %get3A_63 = vector.shape_cast %get3A_62 : vector<16xi32> to vector<16xi32>
        %ge3A_64 = arith.cmpi sge, %get3A_63, %add3A_31 : vector<16xi32>
        %select_n3A_65 = arith.select %ge3A_64, %broadcast_in_dim3A_5, %broadcast_in_dim3A_3 : vector<16xi1>, vector<16xi32>
        %add3A_66 = arith.addi %add3A_58, %select_n3A_65 : vector<16xi32>
        %add3A_67 = arith.constant 48 : i32
        %add3A_68 = arith.addi %mul3A_43, %add3A_67 : i32
        %get3A_69 = arith.index_cast %add3A_68 : i32 to index
        %get3A_70 = tpu.vector_load %arg5[%get3A_69] {strides = array<i32>} : memref<8192xi32, #tpu.memory_space<vmem>>, vector<16xi32>,
        %get3A_71 = vector.shape_cast %get3A_70 : vector<16xi32> to vector<16xi32>
        %ge3A_72 = arith.cmpi sge, %get3A_71, %add3A_31 : vector<16xi32>
        %select_n3A_73 = arith.select %ge3A_72, %broadcast_in_dim3A_5, %broadcast_in_dim3A_3 : vector<16xi1>, vector<16xi32>
        %add3A_74 = arith.addi %add3A_66, %select_n3A_73 : vector<16xi32>
        %add3A_75 = arith.constant 64 : i32
        %add3A_76 = arith.addi %mul3A_43, %add3A_75 : i32
        %get3A_77 = arith.index_cast %add3A_76 : i32 to index
        %get3A_78 = tpu.vector_load %arg5[%get3A_77] {strides = array<i32>} : memref<8192xi32, #tpu.memory_space<vmem>>, vector<16xi32>,
        %get3A_79 = vector.shape_cast %get3A_78 : vector<16xi32> to vector<16xi32>
        %ge3A_80 = arith.cmpi sge, %get3A_79, %add3A_31 : vector<16xi32>
        %select_n3A_81 = arith.select %ge3A_80, %broadcast_in_dim3A_5, %broadcast_in_dim3A_3 : vector<16xi1>, vector<16xi32>
        %add3A_82 = arith.addi %add3A_74, %select_n3A_81 : vector<16xi32>
        %add3A_83 = arith.constant 80 : i32
        %add3A_84 = arith.addi %mul3A_43, %add3A_83 : i32
        %get3A_85 = arith.index_cast %add3A_84 : i32 to index
        %get3A_86 = tpu.vector_load %arg5[%get3A_85] {strides = array<i32>} : memref<8192xi32, #tpu.memory_space<vmem>>, vector<16xi32>,
        %get3A_87 = vector.shape_cast %get3A_86 : vector<16xi32> to vector<16xi32>
        %ge3A_88 = arith.cmpi sge, %get3A_87, %add3A_31 : vector<16xi32>
        %select_n3A_89 = arith.select %ge3A_88, %broadcast_in_dim3A_5, %broadcast_in_dim3A_3 : vector<16xi1>, vector<16xi32>
        %add3A_90 = arith.addi %add3A_82, %select_n3A_89 : vector<16xi32>
        %add3A_91 = arith.constant 96 : i32
        %add3A_92 = arith.addi %mul3A_43, %add3A_91 : i32
        %get3A_93 = arith.index_cast %add3A_92 : i32 to index
        %get3A_94 = tpu.vector_load %arg5[%get3A_93] {strides = array<i32>} : memref<8192xi32, #tpu.memory_space<vmem>>, vector<16xi32>,
        %get3A_95 = vector.shape_cast %get3A_94 : vector<16xi32> to vector<16xi32>
        %ge3A_96 = arith.cmpi sge, %get3A_95, %add3A_31 : vector<16xi32>
        %select_n3A_97 = arith.select %ge3A_96, %broadcast_in_dim3A_5, %broadcast_in_dim3A_3 : vector<16xi1>, vector<16xi32>
        %add3A_98 = arith.addi %add3A_90, %select_n3A_97 : vector<16xi32>
        %add3A_99 = arith.constant 112 : i32
        %add3A_100 = arith.addi %mul3A_43, %add3A_99 : i32
        %get3A_101 = arith.index_cast %add3A_100 : i32 to index
        %get3A_102 = tpu.vector_load %arg5[%get3A_101] {strides = array<i32>} : memref<8192xi32, #tpu.memory_space<vmem>>, vector<16xi32>,
        %get3A_103 = vector.shape_cast %get3A_102 : vector<16xi32> to vector<16xi32>
        %ge3A_104 = arith.cmpi sge, %get3A_103, %add3A_31 : vector<16xi32>
        %select_n3A_105 = arith.select %ge3A_104, %broadcast_in_dim3A_5, %broadcast_in_dim3A_3 : vector<16xi1>, vector<16xi32>
        %add3A_106 = arith.addi %add3A_98, %select_n3A_105 : vector<16xi32>
        %add3A_107 = arith.constant 128 : i32
        %add3A_108 = arith.addi %mul3A_43, %add3A_107 : i32
        %get3A_109 = arith.index_cast %add3A_108 : i32 to index
        %get3A_110 = tpu.vector_load %arg5[%get3A_109] {strides = array<i32>} : memref<8192xi32, #tpu.memory_space<vmem>>, vector<16xi32>,
        %get3A_111 = vector.shape_cast %get3A_110 : vector<16xi32> to vector<16xi32>
        %ge3A_112 = arith.cmpi sge, %get3A_111, %add3A_31 : vector<16xi32>
        %select_n3A_113 = arith.select %ge3A_112, %broadcast_in_dim3A_5, %broadcast_in_dim3A_3 : vector<16xi1>, vector<16xi32>
        %add3A_114 = arith.addi %add3A_106, %select_n3A_113 : vector<16xi32>
        %add3A_115 = arith.constant 144 : i32
        %add3A_116 = arith.addi %mul3A_43, %add3A_115 : i32
        %get3A_117 = arith.index_cast %add3A_116 : i32 to index
        %get3A_118 = tpu.vector_load %arg5[%get3A_117] {strides = array<i32>} : memref<8192xi32, #tpu.memory_space<vmem>>, vector<16xi32>,
        %get3A_119 = vector.shape_cast %get3A_118 : vector<16xi32> to vector<16xi32>
        %ge3A_120 = arith.cmpi sge, %get3A_119, %add3A_31 : vector<16xi32>
        %select_n3A_121 = arith.select %ge3A_120, %broadcast_in_dim3A_5, %broadcast_in_dim3A_3 : vector<16xi1>, vector<16xi32>
        %add3A_122 = arith.addi %add3A_114, %select_n3A_121 : vector<16xi32>
        %add3A_123 = arith.constant 160 : i32
        %add3A_124 = arith.addi %mul3A_43, %add3A_123 : i32
        %get3A_125 = arith.index_cast %add3A_124 : i32 to index
        %get3A_126 = tpu.vector_load %arg5[%get3A_125] {strides = array<i32>} : memref<8192xi32, #tpu.memory_space<vmem>>, vector<16xi32>,
        %get3A_127 = vector.shape_cast %get3A_126 : vector<16xi32> to vector<16xi32>
        %ge3A_128 = arith.cmpi sge, %get3A_127, %add3A_31 : vector<16xi32>
        %select_n3A_129 = arith.select %ge3A_128, %broadcast_in_dim3A_5, %broadcast_in_dim3A_3 : vector<16xi1>, vector<16xi32>
        %add3A_130 = arith.addi %add3A_122, %select_n3A_129 : vector<16xi32>
        %add3A_131 = arith.constant 176 : i32
        %add3A_132 = arith.addi %mul3A_43, %add3A_131 : i32
        %get3A_133 = arith.index_cast %add3A_132 : i32 to index
        %get3A_134 = tpu.vector_load %arg5[%get3A_133] {strides = array<i32>} : memref<8192xi32, #tpu.memory_space<vmem>>, vector<16xi32>,
        %get3A_135 = vector.shape_cast %get3A_134 : vector<16xi32> to vector<16xi32>
        %ge3A_136 = arith.cmpi sge, %get3A_135, %add3A_31 : vector<16xi32>
        %select_n3A_137 = arith.select %ge3A_136, %broadcast_in_dim3A_5, %broadcast_in_dim3A_3 : vector<16xi1>, vector<16xi32>
        %add3A_138 = arith.addi %add3A_130, %select_n3A_137 : vector<16xi32>
        %add3A_139 = arith.constant 192 : i32
        %add3A_140 = arith.addi %mul3A_43, %add3A_139 : i32
        %get3A_141 = arith.index_cast %add3A_140 : i32 to index
        %get3A_142 = tpu.vector_load %arg5[%get3A_141] {strides = array<i32>} : memref<8192xi32, #tpu.memory_space<vmem>>, vector<16xi32>,
        %get3A_143 = vector.shape_cast %get3A_142 : vector<16xi32> to vector<16xi32>
        %ge3A_144 = arith.cmpi sge, %get3A_143, %add3A_31 : vector<16xi32>
        %select_n3A_145 = arith.select %ge3A_144, %broadcast_in_dim3A_5, %broadcast_in_dim3A_3 : vector<16xi1>, vector<16xi32>
        %add3A_146 = arith.addi %add3A_138, %select_n3A_145 : vector<16xi32>
        %add3A_147 = arith.constant 208 : i32
        %add3A_148 = arith.addi %mul3A_43, %add3A_147 : i32
        %get3A_149 = arith.index_cast %add3A_148 : i32 to index
        %get3A_150 = tpu.vector_load %arg5[%get3A_149] {strides = array<i32>} : memref<8192xi32, #tpu.memory_space<vmem>>, vector<16xi32>,
        %get3A_151 = vector.shape_cast %get3A_150 : vector<16xi32> to vector<16xi32>
        %ge3A_152 = arith.cmpi sge, %get3A_151, %add3A_31 : vector<16xi32>
        %select_n3A_153 = arith.select %ge3A_152, %broadcast_in_dim3A_5, %broadcast_in_dim3A_3 : vector<16xi1>, vector<16xi32>
        %add3A_154 = arith.addi %add3A_146, %select_n3A_153 : vector<16xi32>
        %add3A_155 = arith.constant 224 : i32
        %add3A_156 = arith.addi %mul3A_43, %add3A_155 : i32
        %get3A_157 = arith.index_cast %add3A_156 : i32 to index
        %get3A_158 = tpu.vector_load %arg5[%get3A_157] {strides = array<i32>} : memref<8192xi32, #tpu.memory_space<vmem>>, vector<16xi32>,
        %get3A_159 = vector.shape_cast %get3A_158 : vector<16xi32> to vector<16xi32>
        %ge3A_160 = arith.cmpi sge, %get3A_159, %add3A_31 : vector<16xi32>
        %select_n3A_161 = arith.select %ge3A_160, %broadcast_in_dim3A_5, %broadcast_in_dim3A_3 : vector<16xi1>, vector<16xi32>
        %add3A_162 = arith.addi %add3A_154, %select_n3A_161 : vector<16xi32>
        %add3A_163 = arith.constant 240 : i32
        %add3A_164 = arith.addi %mul3A_43, %add3A_163 : i32
        %get3A_165 = arith.index_cast %add3A_164 : i32 to index
        %get3A_166 = tpu.vector_load %arg5[%get3A_165] {strides = array<i32>} : memref<8192xi32, #tpu.memory_space<vmem>>, vector<16xi32>,
        %get3A_167 = vector.shape_cast %get3A_166 : vector<16xi32> to vector<16xi32>
        %ge3A_168 = arith.cmpi sge, %get3A_167, %add3A_31 : vector<16xi32>
        %select_n3A_169 = arith.select %ge3A_168, %broadcast_in_dim3A_5, %broadcast_in_dim3A_3 : vector<16xi1>, vector<16xi32>
        %add3A_170 = arith.addi %add3A_162, %select_n3A_169 : vector<16xi32>
        scf.yield %add3A_170 : vector<16xi32>
      }
      %scan3A_37 = arith.constant 32 : i32
      %ge3A = arith.cmpi sge, %scan3A_36, %broadcast_in_dim3A_7 : vector<16xi32>
      %select_n3A_38 = arith.select %ge3A, %add3A_31, %scan3A_29 : vector<16xi1>, vector<16xi32>
      %select_n3A_39 = arith.select %ge3A, %scan3A_30, %add3A_31 : vector<16xi1>, vector<16xi32>
      scf.yield %select_n3A_38, %select_n3A_39 : vector<16xi32>, vector<16xi32>
    }
    %scan3A_24 = arith.constant 33 : i32
    %lt3A = arith.cmpi slt, %scan3A_23#0, %broadcast_in_dim3A_3 : vector<16xi32>
    %sub3A = arith.subi %broadcast_in_dim3A_9, %scan3A_23#0 : vector<16xi32>
    %select_n3A = arith.select %lt3A, %sub3A, %scan3A_23#0 : vector<16xi1>, vector<16xi32>
    %bitcast_convert_type3A = tpu.bitcast %select_n3A : vector<16xi32> -> vector<16xf32>
    %swap3A = arith.constant 0 : index
    %swap3A_25 = tpu.vector_load %arg6[%swap3A] {strides = array<i32>} : memref<16xf32, #tpu.memory_space<vmem>>, vector<16xf32>,
    %swap3A_26 = vector.shape_cast %swap3A_25 : vector<16xf32> to vector<16xf32>
    %swap3A_27 = vector.shape_cast %bitcast_convert_type3A : vector<16xf32> to vector<16xf32>
    tpu.vector_store %arg6[%swap3A], %swap3A_27 {strides = array<i32>} : memref<16xf32, #tpu.memory_space<vmem>>, vector<16xf32>,
    "tpu.region"() ({
      %run_scoped3A = tpu.sem_alloc : memref<!tpu.dma_semaphore, #tpu.memory_space<semaphore_mem>>
      %dma_start3A = arith.constant 0 : i32
      %dma_start3A_28 = tpu.memref_slice %arg3[%add3A, %dma_start3A] : memref<32x16xf32, #tpu.memory_space<hbm>> -> memref<1x16xf32, #tpu.memory_space<hbm>>
      %dma_start3A_29 = tpu.memref_squeeze %dma_start3A_28 : memref<1x16xf32, #tpu.memory_space<hbm>> -> memref<16xf32, #tpu.memory_space<hbm>>
      %dma_start3A_30 = arith.constant 0 : i32
      %dma_start3A_31 = tpu.memref_slice %arg3[%add3A, %dma_start3A_30] : memref<32x16xf32, #tpu.memory_space<hbm>> -> memref<1x16xf32, #tpu.memory_space<hbm>>
      %dma_start3A_32 = tpu.memref_squeeze %dma_start3A_31 : memref<1x16xf32, #tpu.memory_space<hbm>> -> memref<16xf32, #tpu.memory_space<hbm>>
      tpu.enqueue_dma source(%arg6 : memref<16xf32, #tpu.memory_space<vmem>>) target(%dma_start3A_32 : memref<16xf32, #tpu.memory_space<hbm>>) target_semaphore(%run_scoped3A : memref<!tpu.dma_semaphore, #tpu.memory_space<semaphore_mem>>)
      %dma_wait3A = arith.constant 0 : i32
      %dma_wait3A_33 = tpu.memref_slice %arg3[%add3A, %dma_wait3A] : memref<32x16xf32, #tpu.memory_space<hbm>> -> memref<1x16xf32, #tpu.memory_space<hbm>>
      %dma_wait3A_34 = tpu.memref_squeeze %dma_wait3A_33 : memref<1x16xf32, #tpu.memory_space<hbm>> -> memref<16xf32, #tpu.memory_space<hbm>>
      %dma_wait3A_35 = arith.constant 0 : i32
      %dma_wait3A_36 = tpu.memref_slice %arg3[%add3A, %dma_wait3A_35] : memref<32x16xf32, #tpu.memory_space<hbm>> -> memref<1x16xf32, #tpu.memory_space<hbm>>
      %dma_wait3A_37 = tpu.memref_squeeze %dma_wait3A_36 : memref<1x16xf32, #tpu.memory_space<hbm>> -> memref<16xf32, #tpu.memory_space<hbm>>
      tpu.wait_dma2 semaphore(%run_scoped3A : memref<!tpu.dma_semaphore, #tpu.memory_space<semaphore_mem>>) src(%arg6 : memref<16xf32, #tpu.memory_space<vmem>>) dst(%dma_wait3A_37 : memref<16xf32, #tpu.memory_space<hbm>>)
      tpu.yield
    }) : () -> ()
    return
  }
}

module attributes {stable_mosaic.version = 14 : i64} {
  func.func @_b1_body(%arg0: i32, %arg1: memref<1x512x256xf32, #tpu.memory_space<vmem>>, %arg2: memref<1x512x256xf32, #tpu.memory_space<vmem>>, %arg3: memref<512x256xf32, #tpu.memory_space<vmem>>, %arg4: memref<1x256xf32, #tpu.memory_space<vmem>>, %arg5: memref<256x256xf32, #tpu.memory_space<vmem>>, %arg6: memref<1x256xf32, #tpu.memory_space<vmem>>, %arg7: memref<512x256xf32, #tpu.memory_space<vmem>>, %arg8: memref<1x256xf32, #tpu.memory_space<vmem>>, %arg9: memref<256x256xf32, #tpu.memory_space<vmem>>, %arg10: memref<1x256xf32, #tpu.memory_space<vmem>>, %arg11: memref<256x256xf32, #tpu.memory_space<vmem>>, %arg12: memref<1x256xf32, #tpu.memory_space<vmem>>, %arg13: memref<256x64xf32, #tpu.memory_space<vmem>>, %arg14: memref<256x256xf32, #tpu.memory_space<vmem>>, %arg15: memref<1x256xf32, #tpu.memory_space<vmem>>, %arg16: memref<256x64xf32, #tpu.memory_space<vmem>>, %arg17: memref<256x256xf32, #tpu.memory_space<vmem>>, %arg18: memref<1x256xf32, #tpu.memory_space<vmem>>, %arg19: memref<256x64xf32, #tpu.memory_space<vmem>>, %arg20: memref<256x256xf32, #tpu.memory_space<vmem>>, %arg21: memref<1x256xf32, #tpu.memory_space<vmem>>, %arg22: memref<256x64xf32, #tpu.memory_space<vmem>>, %arg23: memref<16x512x16xf32, #tpu.memory_space<vmem>>, %arg24: memref<1x1x768xf32, #tpu.memory_space<vmem>>) attributes {dimension_semantics = [#tpu.dimension_semantics<arbitrary>], iteration_bounds = array<i64: 2>, scalar_prefetch = 0 : i64, scratch_operands = 0 : i64, tpu.core_type = #tpu.core_type<tc>, window_params = [{transform_indices = @transform_0, window_bounds = array<i64: 1, 512, 256>}, {transform_indices = @transform_1, window_bounds = array<i64: 1, 512, 256>}, {pipeline_mode = #tpu.pipeline_mode<synchronous>, transform_indices = @transform_2, window_bounds = array<i64: 512, 256>}, {pipeline_mode = #tpu.pipeline_mode<synchronous>, transform_indices = @transform_3, window_bounds = array<i64: 1, 256>}, {pipeline_mode = #tpu.pipeline_mode<synchronous>, transform_indices = @transform_4, window_bounds = array<i64: 256, 256>}, {pipeline_mode = #tpu.pipeline_mode<synchronous>, transform_indices = @transform_5, window_bounds = array<i64: 1, 256>}, {pipeline_mode = #tpu.pipeline_mode<synchronous>, transform_indices = @transform_6, window_bounds = array<i64: 512, 256>}, {pipeline_mode = #tpu.pipeline_mode<synchronous>, transform_indices = @transform_7, window_bounds = array<i64: 1, 256>}, {pipeline_mode = #tpu.pipeline_mode<synchronous>, transform_indices = @transform_8, window_bounds = array<i64: 256, 256>}, {pipeline_mode = #tpu.pipeline_mode<synchronous>, transform_indices = @transform_9, window_bounds = array<i64: 1, 256>}, {pipeline_mode = #tpu.pipeline_mode<synchronous>, transform_indices = @transform_10, window_bounds = array<i64: 256, 256>}, {pipeline_mode = #tpu.pipeline_mode<synchronous>, transform_indices = @transform_11, window_bounds = array<i64: 1, 256>}, {pipeline_mode = #tpu.pipeline_mode<synchronous>, transform_indices = @transform_12, window_bounds = array<i64: 256, 64>}, {pipeline_mode = #tpu.pipeline_mode<synchronous>, transform_indices = @transform_13, window_bounds = array<i64: 256, 256>}, {pipeline_mode = #tpu.pipeline_mode<synchronous>, transform_indices = @transform_14, window_bounds = array<i64: 1, 256>}, {pipeline_mode = #tpu.pipeline_mode<synchronous>, transform_indices = @transform_15, window_bounds = array<i64: 256, 64>}, {pipeline_mode = #tpu.pipeline_mode<synchronous>, transform_indices = @transform_16, window_bounds = array<i64: 256, 256>}, {pipeline_mode = #tpu.pipeline_mode<synchronous>, transform_indices = @transform_17, window_bounds = array<i64: 1, 256>}, {pipeline_mode = #tpu.pipeline_mode<synchronous>, transform_indices = @transform_18, window_bounds = array<i64: 256, 64>}, {pipeline_mode = #tpu.pipeline_mode<synchronous>, transform_indices = @transform_19, window_bounds = array<i64: 256, 256>}, {pipeline_mode = #tpu.pipeline_mode<synchronous>, transform_indices = @transform_20, window_bounds = array<i64: 1, 256>}, {pipeline_mode = #tpu.pipeline_mode<synchronous>, transform_indices = @transform_21, window_bounds = array<i64: 256, 64>}, {transform_indices = @transform_22, window_bounds = array<i64: 16, 512, 16>}, {transform_indices = @transform_23, window_bounds = array<i64: 1, 1, 768>}]} {
    %get3A = arith.constant 0 : index
    %get3A_0 = arith.constant 0 : index
    %get3A_1 = arith.constant 0 : index
    %get3A_2 = vector.load %arg1[%get3A, %get3A_0, %get3A_1] : memref<1x512x256xf32, #tpu.memory_space<vmem>>, vector<1x512x256xf32>
    %get3A_3 = vector.shape_cast %get3A_2 : vector<1x512x256xf32> to vector<512x256xf32>
    %get3A_4 = arith.constant 0 : index
    %get3A_5 = arith.constant 0 : index
    %get3A_6 = arith.constant 0 : index
    %get3A_7 = vector.load %arg2[%get3A_4, %get3A_5, %get3A_6] : memref<1x512x256xf32, #tpu.memory_space<vmem>>, vector<1x512x256xf32>
    %get3A_8 = vector.shape_cast %get3A_7 : vector<1x512x256xf32> to vector<512x256xf32>
    %get3A_9 = arith.constant 0 : index
    %get3A_10 = arith.constant 0 : index
    %get3A_11 = vector.load %arg3[%get3A_9, %get3A_10] : memref<512x256xf32, #tpu.memory_space<vmem>>, vector<256x256xf32>
    %dot_general3A = arith.constant dense<0.000000e+00> : vector<512x256xf32>
    %dot_general3A_12 = tpu.matmul %get3A_3, %get3A_11, %dot_general3A {dimension_numbers = #tpu.dot_dimension_numbers<[1], [0], [0], [1], [0, 0, 1, 1], [], []>, transpose_lhs_hint = false} : vector<512x256xf32>, vector<256x256xf32>, vector<512x256xf32> -> vector<512x256xf32>
    %get3A_13 = arith.constant 256 : index
    %get3A_14 = arith.constant 0 : index
    %get3A_15 = vector.load %arg3[%get3A_13, %get3A_14] : memref<512x256xf32, #tpu.memory_space<vmem>>, vector<256x256xf32>
    %dot_general3A_16 = arith.constant dense<0.000000e+00> : vector<512x256xf32>
    %dot_general3A_17 = tpu.matmul %get3A_8, %get3A_15, %dot_general3A_16 {dimension_numbers = #tpu.dot_dimension_numbers<[1], [0], [0], [1], [0, 0, 1, 1], [], []>, transpose_lhs_hint = false} : vector<512x256xf32>, vector<256x256xf32>, vector<512x256xf32> -> vector<512x256xf32>
    %add3A = arith.addf %dot_general3A_12, %dot_general3A_17 : vector<512x256xf32>
    %get3A_18 = arith.constant 0 : index
    %get3A_19 = arith.constant 0 : index
    %get3A_20 = vector.load %arg4[%get3A_18, %get3A_19] : memref<1x256xf32, #tpu.memory_space<vmem>>, vector<1x256xf32>
    %add3A_21 = vector.broadcast %get3A_20 : vector<1x256xf32> to vector<512x256xf32>
    %add3A_22 = arith.addf %add3A, %add3A_21 : vector<512x256xf32>
    %mul3A = arith.constant 5.000000e-01 : f32
    %mul3A_23 = vector.broadcast %mul3A : f32 to vector<512x256xf32>
    %mul3A_24 = arith.mulf %mul3A_23, %add3A_22 : vector<512x256xf32>
    %mul3A_25 = arith.constant 0.707106769 : f32
    %mul3A_26 = vector.broadcast %mul3A_25 : f32 to vector<512x256xf32>
    %mul3A_27 = arith.mulf %add3A_22, %mul3A_26 : vector<512x256xf32>
    %erf3A = math.erf %mul3A_27 : vector<512x256xf32>
    %add3A_28 = arith.constant 1.000000e+00 : f32
    %add3A_29 = vector.broadcast %add3A_28 : f32 to vector<512x256xf32>
    %add3A_30 = arith.addf %add3A_29, %erf3A : vector<512x256xf32>
    %mul3A_31 = arith.mulf %mul3A_24, %add3A_30 : vector<512x256xf32>
    %get3A_32 = arith.constant 0 : index
    %get3A_33 = arith.constant 0 : index
    %get3A_34 = vector.load %arg5[%get3A_32, %get3A_33] : memref<256x256xf32, #tpu.memory_space<vmem>>, vector<256x256xf32>
    %dot_general3A_35 = arith.constant dense<0.000000e+00> : vector<512x256xf32>
    %dot_general3A_36 = tpu.matmul %mul3A_31, %get3A_34, %dot_general3A_35 {dimension_numbers = #tpu.dot_dimension_numbers<[1], [0], [0], [1], [0, 0, 1, 1], [], []>, transpose_lhs_hint = false} : vector<512x256xf32>, vector<256x256xf32>, vector<512x256xf32> -> vector<512x256xf32>
    %get3A_37 = arith.constant 0 : index
    %get3A_38 = arith.constant 0 : index
    %get3A_39 = vector.load %arg6[%get3A_37, %get3A_38] : memref<1x256xf32, #tpu.memory_space<vmem>>, vector<1x256xf32>
    %add3A_40 = vector.broadcast %get3A_39 : vector<1x256xf32> to vector<512x256xf32>
    %add3A_41 = arith.addf %dot_general3A_36, %add3A_40 : vector<512x256xf32>
    %sub3A = arith.subf %get3A_3, %get3A_8 : vector<512x256xf32>
    %abs3A = math.absf %sub3A : vector<512x256xf32>
    %get3A_42 = arith.constant 0 : index
    %get3A_43 = arith.constant 0 : index
    %get3A_44 = vector.load %arg7[%get3A_42, %get3A_43] : memref<512x256xf32, #tpu.memory_space<vmem>>, vector<256x256xf32>
    %dot_general3A_45 = arith.constant dense<0.000000e+00> : vector<512x256xf32>
    %dot_general3A_46 = tpu.matmul %abs3A, %get3A_44, %dot_general3A_45 {dimension_numbers = #tpu.dot_dimension_numbers<[1], [0], [0], [1], [0, 0, 1, 1], [], []>, transpose_lhs_hint = false} : vector<512x256xf32>, vector<256x256xf32>, vector<512x256xf32> -> vector<512x256xf32>
    %mul3A_47 = arith.mulf %get3A_3, %get3A_8 : vector<512x256xf32>
    %get3A_48 = arith.constant 256 : index
    %get3A_49 = arith.constant 0 : index
    %get3A_50 = vector.load %arg7[%get3A_48, %get3A_49] : memref<512x256xf32, #tpu.memory_space<vmem>>, vector<256x256xf32>
    %dot_general3A_51 = arith.constant dense<0.000000e+00> : vector<512x256xf32>
    %dot_general3A_52 = tpu.matmul %mul3A_47, %get3A_50, %dot_general3A_51 {dimension_numbers = #tpu.dot_dimension_numbers<[1], [0], [0], [1], [0, 0, 1, 1], [], []>, transpose_lhs_hint = false} : vector<512x256xf32>, vector<256x256xf32>, vector<512x256xf32> -> vector<512x256xf32>
    %add3A_53 = arith.addf %dot_general3A_46, %dot_general3A_52 : vector<512x256xf32>
    %get3A_54 = arith.constant 0 : index
    %get3A_55 = arith.constant 0 : index
    %get3A_56 = vector.load %arg8[%get3A_54, %get3A_55] : memref<1x256xf32, #tpu.memory_space<vmem>>, vector<1x256xf32>
    %add3A_57 = vector.broadcast %get3A_56 : vector<1x256xf32> to vector<512x256xf32>
    %add3A_58 = arith.addf %add3A_53, %add3A_57 : vector<512x256xf32>
    %mul3A_59 = arith.constant 5.000000e-01 : f32
    %mul3A_60 = vector.broadcast %mul3A_59 : f32 to vector<512x256xf32>
    %mul3A_61 = arith.mulf %mul3A_60, %add3A_58 : vector<512x256xf32>
    %mul3A_62 = arith.constant 0.707106769 : f32
    %mul3A_63 = vector.broadcast %mul3A_62 : f32 to vector<512x256xf32>
    %mul3A_64 = arith.mulf %add3A_58, %mul3A_63 : vector<512x256xf32>
    %erf3A_65 = math.erf %mul3A_64 : vector<512x256xf32>
    %add3A_66 = arith.constant 1.000000e+00 : f32
    %add3A_67 = vector.broadcast %add3A_66 : f32 to vector<512x256xf32>
    %add3A_68 = arith.addf %add3A_67, %erf3A_65 : vector<512x256xf32>
    %mul3A_69 = arith.mulf %mul3A_61, %add3A_68 : vector<512x256xf32>
    %get3A_70 = arith.constant 0 : index
    %get3A_71 = arith.constant 0 : index
    %get3A_72 = vector.load %arg9[%get3A_70, %get3A_71] : memref<256x256xf32, #tpu.memory_space<vmem>>, vector<256x256xf32>
    %dot_general3A_73 = arith.constant dense<0.000000e+00> : vector<512x256xf32>
    %dot_general3A_74 = tpu.matmul %mul3A_69, %get3A_72, %dot_general3A_73 {dimension_numbers = #tpu.dot_dimension_numbers<[1], [0], [0], [1], [0, 0, 1, 1], [], []>, transpose_lhs_hint = false} : vector<512x256xf32>, vector<256x256xf32>, vector<512x256xf32> -> vector<512x256xf32>
    %get3A_75 = arith.constant 0 : index
    %get3A_76 = arith.constant 0 : index
    %get3A_77 = vector.load %arg10[%get3A_75, %get3A_76] : memref<1x256xf32, #tpu.memory_space<vmem>>, vector<1x256xf32>
    %add3A_78 = vector.broadcast %get3A_77 : vector<1x256xf32> to vector<512x256xf32>
    %add3A_79 = arith.addf %dot_general3A_74, %add3A_78 : vector<512x256xf32>
    %get3A_80 = arith.constant 0 : index
    %get3A_81 = arith.constant 0 : index
    %get3A_82 = vector.load %arg11[%get3A_80, %get3A_81] : memref<256x256xf32, #tpu.memory_space<vmem>>, vector<256x256xf32>
    %dot_general3A_83 = arith.constant dense<0.000000e+00> : vector<512x256xf32>
    %dot_general3A_84 = tpu.matmul %get3A_8, %get3A_82, %dot_general3A_83 {dimension_numbers = #tpu.dot_dimension_numbers<[1], [0], [0], [1], [0, 0, 1, 1], [], []>, transpose_lhs_hint = false} : vector<512x256xf32>, vector<256x256xf32>, vector<512x256xf32> -> vector<512x256xf32>
    %get3A_85 = arith.constant 0 : index
    %get3A_86 = arith.constant 0 : index
    %get3A_87 = vector.load %arg12[%get3A_85, %get3A_86] : memref<1x256xf32, #tpu.memory_space<vmem>>, vector<1x256xf32>
    %add3A_88 = vector.broadcast %get3A_87 : vector<1x256xf32> to vector<512x256xf32>
    %add3A_89 = arith.addf %dot_general3A_84, %add3A_88 : vector<512x256xf32>
    %mul3A_90 = arith.constant 5.000000e-01 : f32
    %mul3A_91 = vector.broadcast %mul3A_90 : f32 to vector<512x256xf32>
    %mul3A_92 = arith.mulf %mul3A_91, %add3A_89 : vector<512x256xf32>
    %mul3A_93 = arith.constant 0.707106769 : f32
    %mul3A_94 = vector.broadcast %mul3A_93 : f32 to vector<512x256xf32>
    %mul3A_95 = arith.mulf %add3A_89, %mul3A_94 : vector<512x256xf32>
    %erf3A_96 = math.erf %mul3A_95 : vector<512x256xf32>
    %add3A_97 = arith.constant 1.000000e+00 : f32
    %add3A_98 = vector.broadcast %add3A_97 : f32 to vector<512x256xf32>
    %add3A_99 = arith.addf %add3A_98, %erf3A_96 : vector<512x256xf32>
    %mul3A_100 = arith.mulf %mul3A_92, %add3A_99 : vector<512x256xf32>
    %get3A_101 = arith.constant 0 : index
    %get3A_102 = arith.constant 0 : index
    %get3A_103 = vector.load %arg13[%get3A_101, %get3A_102] : memref<256x64xf32, #tpu.memory_space<vmem>>, vector<256x64xf32>
    %dot_general3A_104 = arith.constant dense<0.000000e+00> : vector<512x64xf32>
    %dot_general3A_105 = tpu.matmul %mul3A_100, %get3A_103, %dot_general3A_104 {dimension_numbers = #tpu.dot_dimension_numbers<[1], [0], [0], [1], [0, 0, 1, 1], [], []>, transpose_lhs_hint = false} : vector<512x256xf32>, vector<256x64xf32>, vector<512x64xf32> -> vector<512x64xf32>
    %slice3A = vector.extract_strided_slice %dot_general3A_105 {offsets = [0, 0], sizes = [512, 16], strides = [1, 1]} : vector<512x64xf32> to vector<512x16xf32>
    %swap3A = arith.constant 0 : index
    %swap3A_106 = arith.constant 0 : index
    %swap3A_107 = arith.constant 0 : index
    %swap3A_108 = vector.load %arg23[%swap3A, %swap3A_106, %swap3A_107] : memref<16x512x16xf32, #tpu.memory_space<vmem>>, vector<1x512x16xf32>
    %swap3A_109 = vector.shape_cast %swap3A_108 : vector<1x512x16xf32> to vector<512x16xf32>
    %swap3A_110 = vector.shape_cast %slice3A : vector<512x16xf32> to vector<1x512x16xf32>
    tpu.vector_store %arg23[%swap3A, %swap3A_106, %swap3A_107], %swap3A_110 {strides = array<i32>} : memref<16x512x16xf32, #tpu.memory_space<vmem>>, vector<1x512x16xf32>,
    %slice3A_111 = vector.extract_strided_slice %dot_general3A_105 {offsets = [0, 16], sizes = [512, 16], strides = [1, 1]} : vector<512x64xf32> to vector<512x16xf32>
    %swap3A_112 = arith.constant 1 : index
    %swap3A_113 = arith.constant 0 : index
    %swap3A_114 = arith.constant 0 : index
    %swap3A_115 = vector.load %arg23[%swap3A_112, %swap3A_113, %swap3A_114] : memref<16x512x16xf32, #tpu.memory_space<vmem>>, vector<1x512x16xf32>
    %swap3A_116 = vector.shape_cast %swap3A_115 : vector<1x512x16xf32> to vector<512x16xf32>
    %swap3A_117 = vector.shape_cast %slice3A_111 : vector<512x16xf32> to vector<1x512x16xf32>
    tpu.vector_store %arg23[%swap3A_112, %swap3A_113, %swap3A_114], %swap3A_117 {strides = array<i32>} : memref<16x512x16xf32, #tpu.memory_space<vmem>>, vector<1x512x16xf32>,
    %slice3A_118 = vector.extract_strided_slice %dot_general3A_105 {offsets = [0, 32], sizes = [512, 16], strides = [1, 1]} : vector<512x64xf32> to vector<512x16xf32>
    %swap3A_119 = arith.constant 2 : index
    %swap3A_120 = arith.constant 0 : index
    %swap3A_121 = arith.constant 0 : index
    %swap3A_122 = vector.load %arg23[%swap3A_119, %swap3A_120, %swap3A_121] : memref<16x512x16xf32, #tpu.memory_space<vmem>>, vector<1x512x16xf32>
    %swap3A_123 = vector.shape_cast %swap3A_122 : vector<1x512x16xf32> to vector<512x16xf32>
    %swap3A_124 = vector.shape_cast %slice3A_118 : vector<512x16xf32> to vector<1x512x16xf32>
    tpu.vector_store %arg23[%swap3A_119, %swap3A_120, %swap3A_121], %swap3A_124 {strides = array<i32>} : memref<16x512x16xf32, #tpu.memory_space<vmem>>, vector<1x512x16xf32>,
    %slice3A_125 = vector.extract_strided_slice %dot_general3A_105 {offsets = [0, 48], sizes = [512, 16], strides = [1, 1]} : vector<512x64xf32> to vector<512x16xf32>
    %swap3A_126 = arith.constant 3 : index
    %swap3A_127 = arith.constant 0 : index
    %swap3A_128 = arith.constant 0 : index
    %swap3A_129 = vector.load %arg23[%swap3A_126, %swap3A_127, %swap3A_128] : memref<16x512x16xf32, #tpu.memory_space<vmem>>, vector<1x512x16xf32>
    %swap3A_130 = vector.shape_cast %swap3A_129 : vector<1x512x16xf32> to vector<512x16xf32>
    %swap3A_131 = vector.shape_cast %slice3A_125 : vector<512x16xf32> to vector<1x512x16xf32>
    tpu.vector_store %arg23[%swap3A_126, %swap3A_127, %swap3A_128], %swap3A_131 {strides = array<i32>} : memref<16x512x16xf32, #tpu.memory_space<vmem>>, vector<1x512x16xf32>,
    %get3A_132 = arith.constant 0 : index
    %get3A_133 = arith.constant 0 : index
    %get3A_134 = vector.load %arg14[%get3A_132, %get3A_133] : memref<256x256xf32, #tpu.memory_space<vmem>>, vector<256x256xf32>
    %dot_general3A_135 = arith.constant dense<0.000000e+00> : vector<512x256xf32>
    %dot_general3A_136 = tpu.matmul %get3A_3, %get3A_134, %dot_general3A_135 {dimension_numbers = #tpu.dot_dimension_numbers<[1], [0], [0], [1], [0, 0, 1, 1], [], []>, transpose_lhs_hint = false} : vector<512x256xf32>, vector<256x256xf32>, vector<512x256xf32> -> vector<512x256xf32>
    %get3A_137 = arith.constant 0 : index
    %get3A_138 = arith.constant 0 : index
    %get3A_139 = vector.load %arg15[%get3A_137, %get3A_138] : memref<1x256xf32, #tpu.memory_space<vmem>>, vector<1x256xf32>
    %add3A_140 = vector.broadcast %get3A_139 : vector<1x256xf32> to vector<512x256xf32>
    %add3A_141 = arith.addf %dot_general3A_136, %add3A_140 : vector<512x256xf32>
    %mul3A_142 = arith.constant 5.000000e-01 : f32
    %mul3A_143 = vector.broadcast %mul3A_142 : f32 to vector<512x256xf32>
    %mul3A_144 = arith.mulf %mul3A_143, %add3A_141 : vector<512x256xf32>
    %mul3A_145 = arith.constant 0.707106769 : f32
    %mul3A_146 = vector.broadcast %mul3A_145 : f32 to vector<512x256xf32>
    %mul3A_147 = arith.mulf %add3A_141, %mul3A_146 : vector<512x256xf32>
    %erf3A_148 = math.erf %mul3A_147 : vector<512x256xf32>
    %add3A_149 = arith.constant 1.000000e+00 : f32
    %add3A_150 = vector.broadcast %add3A_149 : f32 to vector<512x256xf32>
    %add3A_151 = arith.addf %add3A_150, %erf3A_148 : vector<512x256xf32>
    %mul3A_152 = arith.mulf %mul3A_144, %add3A_151 : vector<512x256xf32>
    %get3A_153 = arith.constant 0 : index
    %get3A_154 = arith.constant 0 : index
    %get3A_155 = vector.load %arg16[%get3A_153, %get3A_154] : memref<256x64xf32, #tpu.memory_space<vmem>>, vector<256x64xf32>
    %dot_general3A_156 = arith.constant dense<0.000000e+00> : vector<512x64xf32>
    %dot_general3A_157 = tpu.matmul %mul3A_152, %get3A_155, %dot_general3A_156 {dimension_numbers = #tpu.dot_dimension_numbers<[1], [0], [0], [1], [0, 0, 1, 1], [], []>, transpose_lhs_hint = false} : vector<512x256xf32>, vector<256x64xf32>, vector<512x64xf32> -> vector<512x64xf32>
    %slice3A_158 = vector.extract_strided_slice %dot_general3A_157 {offsets = [0, 0], sizes = [512, 16], strides = [1, 1]} : vector<512x64xf32> to vector<512x16xf32>
    %swap3A_159 = arith.constant 4 : index
    %swap3A_160 = arith.constant 0 : index
    %swap3A_161 = arith.constant 0 : index
    %swap3A_162 = vector.load %arg23[%swap3A_159, %swap3A_160, %swap3A_161] : memref<16x512x16xf32, #tpu.memory_space<vmem>>, vector<1x512x16xf32>
    %swap3A_163 = vector.shape_cast %swap3A_162 : vector<1x512x16xf32> to vector<512x16xf32>
    %swap3A_164 = vector.shape_cast %slice3A_158 : vector<512x16xf32> to vector<1x512x16xf32>
    tpu.vector_store %arg23[%swap3A_159, %swap3A_160, %swap3A_161], %swap3A_164 {strides = array<i32>} : memref<16x512x16xf32, #tpu.memory_space<vmem>>, vector<1x512x16xf32>,
    %slice3A_165 = vector.extract_strided_slice %dot_general3A_157 {offsets = [0, 16], sizes = [512, 16], strides = [1, 1]} : vector<512x64xf32> to vector<512x16xf32>
    %swap3A_166 = arith.constant 5 : index
    %swap3A_167 = arith.constant 0 : index
    %swap3A_168 = arith.constant 0 : index
    %swap3A_169 = vector.load %arg23[%swap3A_166, %swap3A_167, %swap3A_168] : memref<16x512x16xf32, #tpu.memory_space<vmem>>, vector<1x512x16xf32>
    %swap3A_170 = vector.shape_cast %swap3A_169 : vector<1x512x16xf32> to vector<512x16xf32>
    %swap3A_171 = vector.shape_cast %slice3A_165 : vector<512x16xf32> to vector<1x512x16xf32>
    tpu.vector_store %arg23[%swap3A_166, %swap3A_167, %swap3A_168], %swap3A_171 {strides = array<i32>} : memref<16x512x16xf32, #tpu.memory_space<vmem>>, vector<1x512x16xf32>,
    %slice3A_172 = vector.extract_strided_slice %dot_general3A_157 {offsets = [0, 32], sizes = [512, 16], strides = [1, 1]} : vector<512x64xf32> to vector<512x16xf32>
    %swap3A_173 = arith.constant 6 : index
    %swap3A_174 = arith.constant 0 : index
    %swap3A_175 = arith.constant 0 : index
    %swap3A_176 = vector.load %arg23[%swap3A_173, %swap3A_174, %swap3A_175] : memref<16x512x16xf32, #tpu.memory_space<vmem>>, vector<1x512x16xf32>
    %swap3A_177 = vector.shape_cast %swap3A_176 : vector<1x512x16xf32> to vector<512x16xf32>
    %swap3A_178 = vector.shape_cast %slice3A_172 : vector<512x16xf32> to vector<1x512x16xf32>
    tpu.vector_store %arg23[%swap3A_173, %swap3A_174, %swap3A_175], %swap3A_178 {strides = array<i32>} : memref<16x512x16xf32, #tpu.memory_space<vmem>>, vector<1x512x16xf32>,
    %slice3A_179 = vector.extract_strided_slice %dot_general3A_157 {offsets = [0, 48], sizes = [512, 16], strides = [1, 1]} : vector<512x64xf32> to vector<512x16xf32>
    %swap3A_180 = arith.constant 7 : index
    %swap3A_181 = arith.constant 0 : index
    %swap3A_182 = arith.constant 0 : index
    %swap3A_183 = vector.load %arg23[%swap3A_180, %swap3A_181, %swap3A_182] : memref<16x512x16xf32, #tpu.memory_space<vmem>>, vector<1x512x16xf32>
    %swap3A_184 = vector.shape_cast %swap3A_183 : vector<1x512x16xf32> to vector<512x16xf32>
    %swap3A_185 = vector.shape_cast %slice3A_179 : vector<512x16xf32> to vector<1x512x16xf32>
    tpu.vector_store %arg23[%swap3A_180, %swap3A_181, %swap3A_182], %swap3A_185 {strides = array<i32>} : memref<16x512x16xf32, #tpu.memory_space<vmem>>, vector<1x512x16xf32>,
    %get3A_186 = arith.constant 0 : index
    %get3A_187 = arith.constant 0 : index
    %get3A_188 = vector.load %arg17[%get3A_186, %get3A_187] : memref<256x256xf32, #tpu.memory_space<vmem>>, vector<256x256xf32>
    %dot_general3A_189 = arith.constant dense<0.000000e+00> : vector<512x256xf32>
    %dot_general3A_190 = tpu.matmul %add3A_41, %get3A_188, %dot_general3A_189 {dimension_numbers = #tpu.dot_dimension_numbers<[1], [0], [0], [1], [0, 0, 1, 1], [], []>, transpose_lhs_hint = false} : vector<512x256xf32>, vector<256x256xf32>, vector<512x256xf32> -> vector<512x256xf32>
    %get3A_191 = arith.constant 0 : index
    %get3A_192 = arith.constant 0 : index
    %get3A_193 = vector.load %arg18[%get3A_191, %get3A_192] : memref<1x256xf32, #tpu.memory_space<vmem>>, vector<1x256xf32>
    %add3A_194 = vector.broadcast %get3A_193 : vector<1x256xf32> to vector<512x256xf32>
    %add3A_195 = arith.addf %dot_general3A_190, %add3A_194 : vector<512x256xf32>
    %mul3A_196 = arith.constant 5.000000e-01 : f32
    %mul3A_197 = vector.broadcast %mul3A_196 : f32 to vector<512x256xf32>
    %mul3A_198 = arith.mulf %mul3A_197, %add3A_195 : vector<512x256xf32>
    %mul3A_199 = arith.constant 0.707106769 : f32
    %mul3A_200 = vector.broadcast %mul3A_199 : f32 to vector<512x256xf32>
    %mul3A_201 = arith.mulf %add3A_195, %mul3A_200 : vector<512x256xf32>
    %erf3A_202 = math.erf %mul3A_201 : vector<512x256xf32>
    %add3A_203 = arith.constant 1.000000e+00 : f32
    %add3A_204 = vector.broadcast %add3A_203 : f32 to vector<512x256xf32>
    %add3A_205 = arith.addf %add3A_204, %erf3A_202 : vector<512x256xf32>
    %mul3A_206 = arith.mulf %mul3A_198, %add3A_205 : vector<512x256xf32>
    %get3A_207 = arith.constant 0 : index
    %get3A_208 = arith.constant 0 : index
    %get3A_209 = vector.load %arg19[%get3A_207, %get3A_208] : memref<256x64xf32, #tpu.memory_space<vmem>>, vector<256x64xf32>
    %dot_general3A_210 = arith.constant dense<0.000000e+00> : vector<512x64xf32>
    %dot_general3A_211 = tpu.matmul %mul3A_206, %get3A_209, %dot_general3A_210 {dimension_numbers = #tpu.dot_dimension_numbers<[1], [0], [0], [1], [0, 0, 1, 1], [], []>, transpose_lhs_hint = false} : vector<512x256xf32>, vector<256x64xf32>, vector<512x64xf32> -> vector<512x64xf32>
    %slice3A_212 = vector.extract_strided_slice %dot_general3A_211 {offsets = [0, 0], sizes = [512, 16], strides = [1, 1]} : vector<512x64xf32> to vector<512x16xf32>
    %swap3A_213 = arith.constant 8 : index
    %swap3A_214 = arith.constant 0 : index
    %swap3A_215 = arith.constant 0 : index
    %swap3A_216 = vector.load %arg23[%swap3A_213, %swap3A_214, %swap3A_215] : memref<16x512x16xf32, #tpu.memory_space<vmem>>, vector<1x512x16xf32>
    %swap3A_217 = vector.shape_cast %swap3A_216 : vector<1x512x16xf32> to vector<512x16xf32>
    %swap3A_218 = vector.shape_cast %slice3A_212 : vector<512x16xf32> to vector<1x512x16xf32>
    tpu.vector_store %arg23[%swap3A_213, %swap3A_214, %swap3A_215], %swap3A_218 {strides = array<i32>} : memref<16x512x16xf32, #tpu.memory_space<vmem>>, vector<1x512x16xf32>,
    %slice3A_219 = vector.extract_strided_slice %dot_general3A_211 {offsets = [0, 16], sizes = [512, 16], strides = [1, 1]} : vector<512x64xf32> to vector<512x16xf32>
    %swap3A_220 = arith.constant 9 : index
    %swap3A_221 = arith.constant 0 : index
    %swap3A_222 = arith.constant 0 : index
    %swap3A_223 = vector.load %arg23[%swap3A_220, %swap3A_221, %swap3A_222] : memref<16x512x16xf32, #tpu.memory_space<vmem>>, vector<1x512x16xf32>
    %swap3A_224 = vector.shape_cast %swap3A_223 : vector<1x512x16xf32> to vector<512x16xf32>
    %swap3A_225 = vector.shape_cast %slice3A_219 : vector<512x16xf32> to vector<1x512x16xf32>
    tpu.vector_store %arg23[%swap3A_220, %swap3A_221, %swap3A_222], %swap3A_225 {strides = array<i32>} : memref<16x512x16xf32, #tpu.memory_space<vmem>>, vector<1x512x16xf32>,
    %slice3A_226 = vector.extract_strided_slice %dot_general3A_211 {offsets = [0, 32], sizes = [512, 16], strides = [1, 1]} : vector<512x64xf32> to vector<512x16xf32>
    %swap3A_227 = arith.constant 10 : index
    %swap3A_228 = arith.constant 0 : index
    %swap3A_229 = arith.constant 0 : index
    %swap3A_230 = vector.load %arg23[%swap3A_227, %swap3A_228, %swap3A_229] : memref<16x512x16xf32, #tpu.memory_space<vmem>>, vector<1x512x16xf32>
    %swap3A_231 = vector.shape_cast %swap3A_230 : vector<1x512x16xf32> to vector<512x16xf32>
    %swap3A_232 = vector.shape_cast %slice3A_226 : vector<512x16xf32> to vector<1x512x16xf32>
    tpu.vector_store %arg23[%swap3A_227, %swap3A_228, %swap3A_229], %swap3A_232 {strides = array<i32>} : memref<16x512x16xf32, #tpu.memory_space<vmem>>, vector<1x512x16xf32>,
    %slice3A_233 = vector.extract_strided_slice %dot_general3A_211 {offsets = [0, 48], sizes = [512, 16], strides = [1, 1]} : vector<512x64xf32> to vector<512x16xf32>
    %swap3A_234 = arith.constant 11 : index
    %swap3A_235 = arith.constant 0 : index
    %swap3A_236 = arith.constant 0 : index
    %swap3A_237 = vector.load %arg23[%swap3A_234, %swap3A_235, %swap3A_236] : memref<16x512x16xf32, #tpu.memory_space<vmem>>, vector<1x512x16xf32>
    %swap3A_238 = vector.shape_cast %swap3A_237 : vector<1x512x16xf32> to vector<512x16xf32>
    %swap3A_239 = vector.shape_cast %slice3A_233 : vector<512x16xf32> to vector<1x512x16xf32>
    tpu.vector_store %arg23[%swap3A_234, %swap3A_235, %swap3A_236], %swap3A_239 {strides = array<i32>} : memref<16x512x16xf32, #tpu.memory_space<vmem>>, vector<1x512x16xf32>,
    %get3A_240 = arith.constant 0 : index
    %get3A_241 = arith.constant 0 : index
    %get3A_242 = vector.load %arg20[%get3A_240, %get3A_241] : memref<256x256xf32, #tpu.memory_space<vmem>>, vector<256x256xf32>
    %dot_general3A_243 = arith.constant dense<0.000000e+00> : vector<512x256xf32>
    %dot_general3A_244 = tpu.matmul %add3A_79, %get3A_242, %dot_general3A_243 {dimension_numbers = #tpu.dot_dimension_numbers<[1], [0], [0], [1], [0, 0, 1, 1], [], []>, transpose_lhs_hint = false} : vector<512x256xf32>, vector<256x256xf32>, vector<512x256xf32> -> vector<512x256xf32>
    %get3A_245 = arith.constant 0 : index
    %get3A_246 = arith.constant 0 : index
    %get3A_247 = vector.load %arg21[%get3A_245, %get3A_246] : memref<1x256xf32, #tpu.memory_space<vmem>>, vector<1x256xf32>
    %add3A_248 = vector.broadcast %get3A_247 : vector<1x256xf32> to vector<512x256xf32>
    %add3A_249 = arith.addf %dot_general3A_244, %add3A_248 : vector<512x256xf32>
    %mul3A_250 = arith.constant 5.000000e-01 : f32
    %mul3A_251 = vector.broadcast %mul3A_250 : f32 to vector<512x256xf32>
    %mul3A_252 = arith.mulf %mul3A_251, %add3A_249 : vector<512x256xf32>
    %mul3A_253 = arith.constant 0.707106769 : f32
    %mul3A_254 = vector.broadcast %mul3A_253 : f32 to vector<512x256xf32>
    %mul3A_255 = arith.mulf %add3A_249, %mul3A_254 : vector<512x256xf32>
    %erf3A_256 = math.erf %mul3A_255 : vector<512x256xf32>
    %add3A_257 = arith.constant 1.000000e+00 : f32
    %add3A_258 = vector.broadcast %add3A_257 : f32 to vector<512x256xf32>
    %add3A_259 = arith.addf %add3A_258, %erf3A_256 : vector<512x256xf32>
    %mul3A_260 = arith.mulf %mul3A_252, %add3A_259 : vector<512x256xf32>
    %get3A_261 = arith.constant 0 : index
    %get3A_262 = arith.constant 0 : index
    %get3A_263 = vector.load %arg22[%get3A_261, %get3A_262] : memref<256x64xf32, #tpu.memory_space<vmem>>, vector<256x64xf32>
    %dot_general3A_264 = arith.constant dense<0.000000e+00> : vector<512x64xf32>
    %dot_general3A_265 = tpu.matmul %mul3A_260, %get3A_263, %dot_general3A_264 {dimension_numbers = #tpu.dot_dimension_numbers<[1], [0], [0], [1], [0, 0, 1, 1], [], []>, transpose_lhs_hint = false} : vector<512x256xf32>, vector<256x64xf32>, vector<512x64xf32> -> vector<512x64xf32>
    %slice3A_266 = vector.extract_strided_slice %dot_general3A_265 {offsets = [0, 0], sizes = [512, 16], strides = [1, 1]} : vector<512x64xf32> to vector<512x16xf32>
    %swap3A_267 = arith.constant 12 : index
    %swap3A_268 = arith.constant 0 : index
    %swap3A_269 = arith.constant 0 : index
    %swap3A_270 = vector.load %arg23[%swap3A_267, %swap3A_268, %swap3A_269] : memref<16x512x16xf32, #tpu.memory_space<vmem>>, vector<1x512x16xf32>
    %swap3A_271 = vector.shape_cast %swap3A_270 : vector<1x512x16xf32> to vector<512x16xf32>
    %swap3A_272 = vector.shape_cast %slice3A_266 : vector<512x16xf32> to vector<1x512x16xf32>
    tpu.vector_store %arg23[%swap3A_267, %swap3A_268, %swap3A_269], %swap3A_272 {strides = array<i32>} : memref<16x512x16xf32, #tpu.memory_space<vmem>>, vector<1x512x16xf32>,
    %slice3A_273 = vector.extract_strided_slice %dot_general3A_265 {offsets = [0, 16], sizes = [512, 16], strides = [1, 1]} : vector<512x64xf32> to vector<512x16xf32>
    %swap3A_274 = arith.constant 13 : index
    %swap3A_275 = arith.constant 0 : index
    %swap3A_276 = arith.constant 0 : index
    %swap3A_277 = vector.load %arg23[%swap3A_274, %swap3A_275, %swap3A_276] : memref<16x512x16xf32, #tpu.memory_space<vmem>>, vector<1x512x16xf32>
    %swap3A_278 = vector.shape_cast %swap3A_277 : vector<1x512x16xf32> to vector<512x16xf32>
    %swap3A_279 = vector.shape_cast %slice3A_273 : vector<512x16xf32> to vector<1x512x16xf32>
    tpu.vector_store %arg23[%swap3A_274, %swap3A_275, %swap3A_276], %swap3A_279 {strides = array<i32>} : memref<16x512x16xf32, #tpu.memory_space<vmem>>, vector<1x512x16xf32>,
    %slice3A_280 = vector.extract_strided_slice %dot_general3A_265 {offsets = [0, 32], sizes = [512, 16], strides = [1, 1]} : vector<512x64xf32> to vector<512x16xf32>
    %swap3A_281 = arith.constant 14 : index
    %swap3A_282 = arith.constant 0 : index
    %swap3A_283 = arith.constant 0 : index
    %swap3A_284 = vector.load %arg23[%swap3A_281, %swap3A_282, %swap3A_283] : memref<16x512x16xf32, #tpu.memory_space<vmem>>, vector<1x512x16xf32>
    %swap3A_285 = vector.shape_cast %swap3A_284 : vector<1x512x16xf32> to vector<512x16xf32>
    %swap3A_286 = vector.shape_cast %slice3A_280 : vector<512x16xf32> to vector<1x512x16xf32>
    tpu.vector_store %arg23[%swap3A_281, %swap3A_282, %swap3A_283], %swap3A_286 {strides = array<i32>} : memref<16x512x16xf32, #tpu.memory_space<vmem>>, vector<1x512x16xf32>,
    %slice3A_287 = vector.extract_strided_slice %dot_general3A_265 {offsets = [0, 48], sizes = [512, 16], strides = [1, 1]} : vector<512x64xf32> to vector<512x16xf32>
    %swap3A_288 = arith.constant 15 : index
    %swap3A_289 = arith.constant 0 : index
    %swap3A_290 = arith.constant 0 : index
    %swap3A_291 = vector.load %arg23[%swap3A_288, %swap3A_289, %swap3A_290] : memref<16x512x16xf32, #tpu.memory_space<vmem>>, vector<1x512x16xf32>
    %swap3A_292 = vector.shape_cast %swap3A_291 : vector<1x512x16xf32> to vector<512x16xf32>
    %swap3A_293 = vector.shape_cast %slice3A_287 : vector<512x16xf32> to vector<1x512x16xf32>
    tpu.vector_store %arg23[%swap3A_288, %swap3A_289, %swap3A_290], %swap3A_293 {strides = array<i32>} : memref<16x512x16xf32, #tpu.memory_space<vmem>>, vector<1x512x16xf32>,
    %reduce_sum3A = arith.constant dense<0.000000e+00> : vector<256xf32>
    %reduce_sum3A_294 = vector.multi_reduction <add>, %get3A_8, %reduce_sum3A [0] : vector<512x256xf32> to vector<256xf32>
    %broadcast_in_dim3A = vector.shape_cast %reduce_sum3A_294 : vector<256xf32> to vector<1x256xf32>
    %div3A = arith.constant 5.120000e+02 : f32
    %div3A_295 = vector.broadcast %div3A : f32 to vector<1x256xf32>
    %div3A_296 = arith.divf %broadcast_in_dim3A, %div3A_295 : vector<1x256xf32>
    %reduce_sum3A_297 = arith.constant dense<0.000000e+00> : vector<256xf32>
    %reduce_sum3A_298 = vector.multi_reduction <add>, %get3A_3, %reduce_sum3A_297 [0] : vector<512x256xf32> to vector<256xf32>
    %broadcast_in_dim3A_299 = vector.shape_cast %reduce_sum3A_298 : vector<256xf32> to vector<1x256xf32>
    %div3A_300 = arith.constant 5.120000e+02 : f32
    %div3A_301 = vector.broadcast %div3A_300 : f32 to vector<1x256xf32>
    %div3A_302 = arith.divf %broadcast_in_dim3A_299, %div3A_301 : vector<1x256xf32>
    %reduce_sum3A_303 = arith.constant dense<0.000000e+00> : vector<256xf32>
    %reduce_sum3A_304 = vector.multi_reduction <add>, %add3A_41, %reduce_sum3A_303 [0] : vector<512x256xf32> to vector<256xf32>
    %broadcast_in_dim3A_305 = vector.shape_cast %reduce_sum3A_304 : vector<256xf32> to vector<1x256xf32>
    %div3A_306 = arith.constant 5.120000e+02 : f32
    %div3A_307 = vector.broadcast %div3A_306 : f32 to vector<1x256xf32>
    %div3A_308 = arith.divf %broadcast_in_dim3A_305, %div3A_307 : vector<1x256xf32>
    %reduce_sum3A_309 = arith.constant dense<0.000000e+00> : vector<256xf32>
    %reduce_sum3A_310 = vector.multi_reduction <add>, %add3A_79, %reduce_sum3A_309 [0] : vector<512x256xf32> to vector<256xf32>
    %broadcast_in_dim3A_311 = vector.shape_cast %reduce_sum3A_310 : vector<256xf32> to vector<1x256xf32>
    %div3A_312 = arith.constant 5.120000e+02 : f32
    %div3A_313 = vector.broadcast %div3A_312 : f32 to vector<1x256xf32>
    %div3A_314 = arith.divf %broadcast_in_dim3A_311, %div3A_313 : vector<1x256xf32>
    %sub3A_315 = arith.subf %div3A_302, %div3A_296 : vector<1x256xf32>
    %abs3A_316 = math.absf %sub3A_315 : vector<1x256xf32>
    %sub3A_317 = arith.subf %div3A_308, %div3A_296 : vector<1x256xf32>
    %abs3A_318 = math.absf %sub3A_317 : vector<1x256xf32>
    %add3A_319 = arith.addf %abs3A_316, %abs3A_318 : vector<1x256xf32>
    %sub3A_320 = arith.subf %div3A_314, %div3A_296 : vector<1x256xf32>
    %abs3A_321 = math.absf %sub3A_320 : vector<1x256xf32>
    %add3A_322 = arith.addf %add3A_319, %abs3A_321 : vector<1x256xf32>
    %div3A_323 = arith.constant 3.000000e+00 : f32
    %div3A_324 = vector.broadcast %div3A_323 : f32 to vector<1x256xf32>
    %div3A_325 = arith.divf %add3A_322, %div3A_324 : vector<1x256xf32>
    %concatenate3A = tpu.concatenate %div3A_296, %div3A_302, %div3A_325 in 1 : vector<1x256xf32>, vector<1x256xf32>, vector<1x256xf32> -> vector<1x768xf32>
    %broadcast_in_dim3A_326 = vector.shape_cast %concatenate3A : vector<1x768xf32> to vector<1x1x768xf32>
    %swap3A_327 = arith.constant 0 : index
    %swap3A_328 = arith.constant 0 : index
    %swap3A_329 = arith.constant 0 : index
    %swap3A_330 = vector.load %arg24[%swap3A_327, %swap3A_328, %swap3A_329] : memref<1x1x768xf32, #tpu.memory_space<vmem>>, vector<1x1x768xf32>
    tpu.vector_store %arg24[%swap3A_327, %swap3A_328, %swap3A_329], %broadcast_in_dim3A_326 {strides = array<i32>} : memref<1x1x768xf32, #tpu.memory_space<vmem>>, vector<1x1x768xf32>,
    return
  }
  func.func @transform_0(%arg0: i32) -> (i32, i32, i32) {
    %c0_i32 = arith.constant 0 : i32
    %c0_i32_0 = arith.constant 0 : i32
    %c0_i32_1 = arith.constant 0 : i32
    return %arg0, %c0_i32, %c0_i32_0 : i32, i32, i32
  }
  func.func @transform_1(%arg0: i32) -> (i32, i32, i32) {
    %c0_i32 = arith.constant 0 : i32
    %c0_i32_0 = arith.constant 0 : i32
    %c0_i32_1 = arith.constant 0 : i32
    return %arg0, %c0_i32, %c0_i32_0 : i32, i32, i32
  }
  func.func @transform_2(%arg0: i32) -> (i32, i32) {
    %c0_i32 = arith.constant 0 : i32
    %c0_i32_0 = arith.constant 0 : i32
    %c0_i32_1 = arith.constant 0 : i32
    return %c0_i32, %c0_i32_0 : i32, i32
  }
  func.func @transform_3(%arg0: i32) -> (i32, i32) {
    %c0_i32 = arith.constant 0 : i32
    %c0_i32_0 = arith.constant 0 : i32
    %c0_i32_1 = arith.constant 0 : i32
    return %c0_i32, %c0_i32_0 : i32, i32
  }
  func.func @transform_4(%arg0: i32) -> (i32, i32) {
    %c0_i32 = arith.constant 0 : i32
    %c0_i32_0 = arith.constant 0 : i32
    %c0_i32_1 = arith.constant 0 : i32
    return %c0_i32, %c0_i32_0 : i32, i32
  }
  func.func @transform_5(%arg0: i32) -> (i32, i32) {
    %c0_i32 = arith.constant 0 : i32
    %c0_i32_0 = arith.constant 0 : i32
    %c0_i32_1 = arith.constant 0 : i32
    return %c0_i32, %c0_i32_0 : i32, i32
  }
  func.func @transform_6(%arg0: i32) -> (i32, i32) {
    %c0_i32 = arith.constant 0 : i32
    %c0_i32_0 = arith.constant 0 : i32
    %c0_i32_1 = arith.constant 0 : i32
    return %c0_i32, %c0_i32_0 : i32, i32
  }
  func.func @transform_7(%arg0: i32) -> (i32, i32) {
    %c0_i32 = arith.constant 0 : i32
    %c0_i32_0 = arith.constant 0 : i32
    %c0_i32_1 = arith.constant 0 : i32
    return %c0_i32, %c0_i32_0 : i32, i32
  }
  func.func @transform_8(%arg0: i32) -> (i32, i32) {
    %c0_i32 = arith.constant 0 : i32
    %c0_i32_0 = arith.constant 0 : i32
    %c0_i32_1 = arith.constant 0 : i32
    return %c0_i32, %c0_i32_0 : i32, i32
  }
  func.func @transform_9(%arg0: i32) -> (i32, i32) {
    %c0_i32 = arith.constant 0 : i32
    %c0_i32_0 = arith.constant 0 : i32
    %c0_i32_1 = arith.constant 0 : i32
    return %c0_i32, %c0_i32_0 : i32, i32
  }
  func.func @transform_10(%arg0: i32) -> (i32, i32) {
    %c0_i32 = arith.constant 0 : i32
    %c0_i32_0 = arith.constant 0 : i32
    %c0_i32_1 = arith.constant 0 : i32
    return %c0_i32, %c0_i32_0 : i32, i32
  }
  func.func @transform_11(%arg0: i32) -> (i32, i32) {
    %c0_i32 = arith.constant 0 : i32
    %c0_i32_0 = arith.constant 0 : i32
    %c0_i32_1 = arith.constant 0 : i32
    return %c0_i32, %c0_i32_0 : i32, i32
  }
  func.func @transform_12(%arg0: i32) -> (i32, i32) {
    %c0_i32 = arith.constant 0 : i32
    %c0_i32_0 = arith.constant 0 : i32
    %c0_i32_1 = arith.constant 0 : i32
    return %c0_i32, %c0_i32_0 : i32, i32
  }
  func.func @transform_13(%arg0: i32) -> (i32, i32) {
    %c0_i32 = arith.constant 0 : i32
    %c0_i32_0 = arith.constant 0 : i32
    %c0_i32_1 = arith.constant 0 : i32
    return %c0_i32, %c0_i32_0 : i32, i32
  }
  func.func @transform_14(%arg0: i32) -> (i32, i32) {
    %c0_i32 = arith.constant 0 : i32
    %c0_i32_0 = arith.constant 0 : i32
    %c0_i32_1 = arith.constant 0 : i32
    return %c0_i32, %c0_i32_0 : i32, i32
  }
  func.func @transform_15(%arg0: i32) -> (i32, i32) {
    %c0_i32 = arith.constant 0 : i32
    %c0_i32_0 = arith.constant 0 : i32
    %c0_i32_1 = arith.constant 0 : i32
    return %c0_i32, %c0_i32_0 : i32, i32
  }
  func.func @transform_16(%arg0: i32) -> (i32, i32) {
    %c0_i32 = arith.constant 0 : i32
    %c0_i32_0 = arith.constant 0 : i32
    %c0_i32_1 = arith.constant 0 : i32
    return %c0_i32, %c0_i32_0 : i32, i32
  }
  func.func @transform_17(%arg0: i32) -> (i32, i32) {
    %c0_i32 = arith.constant 0 : i32
    %c0_i32_0 = arith.constant 0 : i32
    %c0_i32_1 = arith.constant 0 : i32
    return %c0_i32, %c0_i32_0 : i32, i32
  }
  func.func @transform_18(%arg0: i32) -> (i32, i32) {
    %c0_i32 = arith.constant 0 : i32
    %c0_i32_0 = arith.constant 0 : i32
    %c0_i32_1 = arith.constant 0 : i32
    return %c0_i32, %c0_i32_0 : i32, i32
  }
  func.func @transform_19(%arg0: i32) -> (i32, i32) {
    %c0_i32 = arith.constant 0 : i32
    %c0_i32_0 = arith.constant 0 : i32
    %c0_i32_1 = arith.constant 0 : i32
    return %c0_i32, %c0_i32_0 : i32, i32
  }
  func.func @transform_20(%arg0: i32) -> (i32, i32) {
    %c0_i32 = arith.constant 0 : i32
    %c0_i32_0 = arith.constant 0 : i32
    %c0_i32_1 = arith.constant 0 : i32
    return %c0_i32, %c0_i32_0 : i32, i32
  }
  func.func @transform_21(%arg0: i32) -> (i32, i32) {
    %c0_i32 = arith.constant 0 : i32
    %c0_i32_0 = arith.constant 0 : i32
    %c0_i32_1 = arith.constant 0 : i32
    return %c0_i32, %c0_i32_0 : i32, i32
  }
  func.func @transform_22(%arg0: i32) -> (i32, i32, i32) {
    %c0_i32 = arith.constant 0 : i32
    %c0_i32_0 = arith.constant 0 : i32
    %c0_i32_1 = arith.constant 0 : i32
    return %arg0, %c0_i32, %c0_i32_0 : i32, i32, i32
  }
  func.func @transform_23(%arg0: i32) -> (i32, i32, i32) {
    %c0_i32 = arith.constant 0 : i32
    %c0_i32_0 = arith.constant 0 : i32
    %c0_i32_1 = arith.constant 0 : i32
    return %arg0, %c0_i32, %c0_i32_0 : i32, i32, i32
  }
}

module attributes {stable_mosaic.version = 14 : i64} {
  func.func @_gru_body(%arg0: i32, %arg1: memref<8x1024x16xf32, #tpu.memory_space<vmem>>, %arg2: memref<1024x32xf32, #tpu.memory_space<vmem>>, %arg3: memref<32x256xf32, #tpu.memory_space<vmem>>, %arg4: memref<1x256xf32, #tpu.memory_space<vmem>>, %arg5: memref<256x256xf32, #tpu.memory_space<vmem>>, %arg6: memref<1x256xf32, #tpu.memory_space<vmem>>, %arg7: memref<16x768xf32, #tpu.memory_space<vmem>>, %arg8: memref<256x768xf32, #tpu.memory_space<vmem>>, %arg9: memref<1x512xf32, #tpu.memory_space<vmem>>, %arg10: memref<1x256xf32, #tpu.memory_space<vmem>>, %arg11: memref<1x256xf32, #tpu.memory_space<vmem>>, %arg12: memref<1024x256xf32, #tpu.memory_space<vmem>>, %arg13: memref<1024x256xf32, #tpu.memory_space<vmem>>, %arg14: memref<512x256xf32, #tpu.memory_space<vmem>>, %arg15: memref<512x256xf32, #tpu.memory_space<vmem>>) attributes {dimension_semantics = [#tpu.dimension_semantics<arbitrary>], iteration_bounds = array<i64: 12>, scalar_prefetch = 0 : i64, scratch_operands = 2 : i64, tpu.core_type = #tpu.core_type<tc>, window_params = [{transform_indices = @transform_0, window_bounds = array<i64: 8, 1024, 16>}, {pipeline_mode = #tpu.pipeline_mode<synchronous>, transform_indices = @transform_1, window_bounds = array<i64: 1024, 32>}, {pipeline_mode = #tpu.pipeline_mode<synchronous>, transform_indices = @transform_2, window_bounds = array<i64: 32, 256>}, {pipeline_mode = #tpu.pipeline_mode<synchronous>, transform_indices = @transform_3, window_bounds = array<i64: 1, 256>}, {pipeline_mode = #tpu.pipeline_mode<synchronous>, transform_indices = @transform_4, window_bounds = array<i64: 256, 256>}, {pipeline_mode = #tpu.pipeline_mode<synchronous>, transform_indices = @transform_5, window_bounds = array<i64: 1, 256>}, {pipeline_mode = #tpu.pipeline_mode<synchronous>, transform_indices = @transform_6, window_bounds = array<i64: 16, 768>}, {pipeline_mode = #tpu.pipeline_mode<synchronous>, transform_indices = @transform_7, window_bounds = array<i64: 256, 768>}, {pipeline_mode = #tpu.pipeline_mode<synchronous>, transform_indices = @transform_8, window_bounds = array<i64: 1, 512>}, {pipeline_mode = #tpu.pipeline_mode<synchronous>, transform_indices = @transform_9, window_bounds = array<i64: 1, 256>}, {pipeline_mode = #tpu.pipeline_mode<synchronous>, transform_indices = @transform_10, window_bounds = array<i64: 1, 256>}, {pipeline_mode = #tpu.pipeline_mode<synchronous>, transform_indices = @transform_11, window_bounds = array<i64: 1024, 256>}, {pipeline_mode = #tpu.pipeline_mode<synchronous>, transform_indices = @transform_12, window_bounds = array<i64: 1024, 256>}]} {
    %eq3A = arith.constant 0 : i32
    %eq3A_0 = arith.cmpi eq, %arg0, %eq3A : i32
    %convert_element_type3A = arith.extui %eq3A_0 : i1 to i32
    %cond3A = arith.constant 0 : i32
    %cond3A_1 = arith.cmpi ne, %convert_element_type3A, %cond3A : i32
    scf.if %cond3A_1 {
      %get3A_569 = arith.constant 0 : index
      %get3A_570 = arith.constant 0 : index
      %get3A_571 = vector.load %arg2[%get3A_569, %get3A_570] : memref<1024x32xf32, #tpu.memory_space<vmem>>, vector<1024x32xf32>
      %get3A_572 = arith.constant 0 : index
      %get3A_573 = arith.constant 0 : index
      %get3A_574 = vector.load %arg3[%get3A_572, %get3A_573] : memref<32x256xf32, #tpu.memory_space<vmem>>, vector<32x256xf32>
      %dot_general3A_575 = arith.constant dense<0.000000e+00> : vector<1024x256xf32>
      %dot_general3A_576 = tpu.matmul %get3A_571, %get3A_574, %dot_general3A_575 {dimension_numbers = #tpu.dot_dimension_numbers<[1], [0], [0], [1], [0, 0, 1, 1], [], []>, transpose_lhs_hint = false} : vector<1024x32xf32>, vector<32x256xf32>, vector<1024x256xf32> -> vector<1024x256xf32>
      %get3A_577 = arith.constant 0 : index
      %get3A_578 = arith.constant 0 : index
      %get3A_579 = vector.load %arg4[%get3A_577, %get3A_578] : memref<1x256xf32, #tpu.memory_space<vmem>>, vector<1x256xf32>
      %add3A_580 = vector.broadcast %get3A_579 : vector<1x256xf32> to vector<1024x256xf32>
      %add3A_581 = arith.addf %dot_general3A_576, %add3A_580 : vector<1024x256xf32>
      %mul3A_582 = arith.constant 5.000000e-01 : f32
      %mul3A_583 = vector.broadcast %mul3A_582 : f32 to vector<1024x256xf32>
      %mul3A_584 = arith.mulf %mul3A_583, %add3A_581 : vector<1024x256xf32>
      %mul3A_585 = arith.constant 0.707106769 : f32
      %mul3A_586 = vector.broadcast %mul3A_585 : f32 to vector<1024x256xf32>
      %mul3A_587 = arith.mulf %add3A_581, %mul3A_586 : vector<1024x256xf32>
      %erf3A = math.erf %mul3A_587 : vector<1024x256xf32>
      %add3A_588 = arith.constant 1.000000e+00 : f32
      %add3A_589 = vector.broadcast %add3A_588 : f32 to vector<1024x256xf32>
      %add3A_590 = arith.addf %add3A_589, %erf3A : vector<1024x256xf32>
      %mul3A_591 = arith.mulf %mul3A_584, %add3A_590 : vector<1024x256xf32>
      %get3A_592 = arith.constant 0 : index
      %get3A_593 = arith.constant 0 : index
      %get3A_594 = vector.load %arg5[%get3A_592, %get3A_593] : memref<256x256xf32, #tpu.memory_space<vmem>>, vector<256x256xf32>
      %dot_general3A_595 = arith.constant dense<0.000000e+00> : vector<1024x256xf32>
      %dot_general3A_596 = tpu.matmul %mul3A_591, %get3A_594, %dot_general3A_595 {dimension_numbers = #tpu.dot_dimension_numbers<[1], [0], [0], [1], [0, 0, 1, 1], [], []>, transpose_lhs_hint = false} : vector<1024x256xf32>, vector<256x256xf32>, vector<1024x256xf32> -> vector<1024x256xf32>
      %get3A_597 = arith.constant 0 : index
      %get3A_598 = arith.constant 0 : index
      %get3A_599 = vector.load %arg6[%get3A_597, %get3A_598] : memref<1x256xf32, #tpu.memory_space<vmem>>, vector<1x256xf32>
      %add3A_600 = vector.broadcast %get3A_599 : vector<1x256xf32> to vector<1024x256xf32>
      %add3A_601 = arith.addf %dot_general3A_596, %add3A_600 : vector<1024x256xf32>
      %swap3A_602 = arith.constant 0 : index
      %swap3A_603 = arith.constant 0 : index
      %swap3A_604 = vector.load %arg12[%swap3A_602, %swap3A_603] : memref<1024x256xf32, #tpu.memory_space<vmem>>, vector<1024x256xf32>
      tpu.vector_store %arg12[%swap3A_602, %swap3A_603], %add3A_601 {strides = array<i32>} : memref<1024x256xf32, #tpu.memory_space<vmem>>, vector<1024x256xf32>,
      %slice3A_605 = vector.extract_strided_slice %add3A_601 {offsets = [0, 0], sizes = [512, 256], strides = [1, 1]} : vector<1024x256xf32> to vector<512x256xf32>
      %swap3A_606 = arith.constant 0 : index
      %swap3A_607 = arith.constant 0 : index
      %swap3A_608 = vector.load %arg14[%swap3A_606, %swap3A_607] : memref<512x256xf32, #tpu.memory_space<vmem>>, vector<512x256xf32>
      tpu.vector_store %arg14[%swap3A_606, %swap3A_607], %slice3A_605 {strides = array<i32>} : memref<512x256xf32, #tpu.memory_space<vmem>>, vector<512x256xf32>,
      %slice3A_609 = vector.extract_strided_slice %add3A_601 {offsets = [512, 0], sizes = [512, 256], strides = [1, 1]} : vector<1024x256xf32> to vector<512x256xf32>
      %swap3A_610 = arith.constant 0 : index
      %swap3A_611 = arith.constant 0 : index
      %swap3A_612 = vector.load %arg15[%swap3A_610, %swap3A_611] : memref<512x256xf32, #tpu.memory_space<vmem>>, vector<512x256xf32>
      tpu.vector_store %arg15[%swap3A_610, %swap3A_611], %slice3A_609 {strides = array<i32>} : memref<512x256xf32, #tpu.memory_space<vmem>>, vector<512x256xf32>,
    } else {
    }
    %get3A = arith.constant 0 : index
    %get3A_2 = arith.constant 0 : index
    %get3A_3 = vector.load %arg7[%get3A, %get3A_2] : memref<16x768xf32, #tpu.memory_space<vmem>>, vector<16x768xf32>
    %get3A_4 = arith.constant 0 : index
    %get3A_5 = arith.constant 0 : index
    %get3A_6 = vector.load %arg8[%get3A_4, %get3A_5] : memref<256x768xf32, #tpu.memory_space<vmem>>, vector<256x768xf32>
    %get3A_7 = arith.constant 0 : index
    %get3A_8 = arith.constant 0 : index
    %get3A_9 = vector.load %arg9[%get3A_7, %get3A_8] : memref<1x512xf32, #tpu.memory_space<vmem>>, vector<1x512xf32>
    %get3A_10 = arith.constant 0 : index
    %get3A_11 = arith.constant 0 : index
    %get3A_12 = vector.load %arg10[%get3A_10, %get3A_11] : memref<1x256xf32, #tpu.memory_space<vmem>>, vector<1x256xf32>
    %get3A_13 = arith.constant 0 : index
    %get3A_14 = arith.constant 0 : index
    %get3A_15 = vector.load %arg11[%get3A_13, %get3A_14] : memref<1x256xf32, #tpu.memory_space<vmem>>, vector<1x256xf32>
    %get3A_16 = arith.constant 0 : index
    %get3A_17 = arith.constant 0 : index
    %get3A_18 = vector.load %arg14[%get3A_16, %get3A_17] : memref<512x256xf32, #tpu.memory_space<vmem>>, vector<512x256xf32>
    %get3A_19 = arith.constant 0 : index
    %get3A_20 = arith.constant 0 : index
    %get3A_21 = vector.load %arg15[%get3A_19, %get3A_20] : memref<512x256xf32, #tpu.memory_space<vmem>>, vector<512x256xf32>
    %get3A_22 = arith.constant 0 : index
    %get3A_23 = arith.constant 0 : index
    %get3A_24 = arith.constant 0 : index
    %get3A_25 = vector.load %arg1[%get3A_22, %get3A_23, %get3A_24] : memref<8x1024x16xf32, #tpu.memory_space<vmem>>, vector<1x512x16xf32>
    %get3A_26 = vector.shape_cast %get3A_25 : vector<1x512x16xf32> to vector<512x16xf32>
    %dot_general3A = arith.constant dense<0.000000e+00> : vector<512x768xf32>
    %dot_general3A_27 = tpu.matmul %get3A_26, %get3A_3, %dot_general3A {dimension_numbers = #tpu.dot_dimension_numbers<[1], [0], [0], [1], [0, 0, 1, 1], [], []>, transpose_lhs_hint = false} : vector<512x16xf32>, vector<16x768xf32>, vector<512x768xf32> -> vector<512x768xf32>
    %dot_general3A_28 = arith.constant dense<0.000000e+00> : vector<512x768xf32>
    %dot_general3A_29 = tpu.matmul %get3A_18, %get3A_6, %dot_general3A_28 {dimension_numbers = #tpu.dot_dimension_numbers<[1], [0], [0], [1], [0, 0, 1, 1], [], []>, transpose_lhs_hint = false} : vector<512x256xf32>, vector<256x768xf32>, vector<512x768xf32> -> vector<512x768xf32>
    %slice3A = vector.extract_strided_slice %dot_general3A_27 {offsets = [0, 0], sizes = [512, 512], strides = [1, 1]} : vector<512x768xf32> to vector<512x512xf32>
    %slice3A_30 = vector.extract_strided_slice %dot_general3A_29 {offsets = [0, 0], sizes = [512, 512], strides = [1, 1]} : vector<512x768xf32> to vector<512x512xf32>
    %add3A = arith.addf %slice3A, %slice3A_30 : vector<512x512xf32>
    %add3A_31 = vector.broadcast %get3A_9 : vector<1x512xf32> to vector<512x512xf32>
    %add3A_32 = arith.addf %add3A, %add3A_31 : vector<512x512xf32>
    %logistic3A = arith.negf %add3A_32 : vector<512x512xf32>
    %logistic3A_33 = math.exp %logistic3A : vector<512x512xf32>
    %logistic3A_34 = arith.constant 1.000000e+00 : f32
    %logistic3A_35 = vector.broadcast %logistic3A_34 : f32 to vector<512x512xf32>
    %logistic3A_36 = arith.addf %logistic3A_35, %logistic3A_33 : vector<512x512xf32>
    %logistic3A_37 = arith.divf %logistic3A_35, %logistic3A_36 : vector<512x512xf32>
    %slice3A_38 = vector.extract_strided_slice %logistic3A_37 {offsets = [0, 0], sizes = [512, 256], strides = [1, 1]} : vector<512x512xf32> to vector<512x256xf32>
    %slice3A_39 = vector.extract_strided_slice %logistic3A_37 {offsets = [0, 256], sizes = [512, 256], strides = [1, 1]} : vector<512x512xf32> to vector<512x256xf32>
    %slice3A_40 = vector.extract_strided_slice %dot_general3A_27 {offsets = [0, 512], sizes = [512, 256], strides = [1, 1]} : vector<512x768xf32> to vector<512x256xf32>
    %add3A_41 = vector.broadcast %get3A_12 : vector<1x256xf32> to vector<512x256xf32>
    %add3A_42 = arith.addf %slice3A_40, %add3A_41 : vector<512x256xf32>
    %slice3A_43 = vector.extract_strided_slice %dot_general3A_29 {offsets = [0, 512], sizes = [512, 256], strides = [1, 1]} : vector<512x768xf32> to vector<512x256xf32>
    %add3A_44 = vector.broadcast %get3A_15 : vector<1x256xf32> to vector<512x256xf32>
    %add3A_45 = arith.addf %slice3A_43, %add3A_44 : vector<512x256xf32>
    %mul3A = arith.mulf %slice3A_38, %add3A_45 : vector<512x256xf32>
    %add3A_46 = arith.addf %add3A_42, %mul3A : vector<512x256xf32>
    %tanh3A = math.tanh %add3A_46 : vector<512x256xf32>
    %sub3A = arith.subf %get3A_18, %tanh3A : vector<512x256xf32>
    %mul3A_47 = arith.mulf %slice3A_39, %sub3A : vector<512x256xf32>
    %add3A_48 = arith.addf %tanh3A, %mul3A_47 : vector<512x256xf32>
    %get3A_49 = arith.constant 0 : index
    %get3A_50 = arith.constant 512 : index
    %get3A_51 = arith.constant 0 : index
    %get3A_52 = vector.load %arg1[%get3A_49, %get3A_50, %get3A_51] : memref<8x1024x16xf32, #tpu.memory_space<vmem>>, vector<1x512x16xf32>
    %get3A_53 = vector.shape_cast %get3A_52 : vector<1x512x16xf32> to vector<512x16xf32>
    %dot_general3A_54 = arith.constant dense<0.000000e+00> : vector<512x768xf32>
    %dot_general3A_55 = tpu.matmul %get3A_53, %get3A_3, %dot_general3A_54 {dimension_numbers = #tpu.dot_dimension_numbers<[1], [0], [0], [1], [0, 0, 1, 1], [], []>, transpose_lhs_hint = false} : vector<512x16xf32>, vector<16x768xf32>, vector<512x768xf32> -> vector<512x768xf32>
    %dot_general3A_56 = arith.constant dense<0.000000e+00> : vector<512x768xf32>
    %dot_general3A_57 = tpu.matmul %get3A_21, %get3A_6, %dot_general3A_56 {dimension_numbers = #tpu.dot_dimension_numbers<[1], [0], [0], [1], [0, 0, 1, 1], [], []>, transpose_lhs_hint = false} : vector<512x256xf32>, vector<256x768xf32>, vector<512x768xf32> -> vector<512x768xf32>
    %slice3A_58 = vector.extract_strided_slice %dot_general3A_55 {offsets = [0, 0], sizes = [512, 512], strides = [1, 1]} : vector<512x768xf32> to vector<512x512xf32>
    %slice3A_59 = vector.extract_strided_slice %dot_general3A_57 {offsets = [0, 0], sizes = [512, 512], strides = [1, 1]} : vector<512x768xf32> to vector<512x512xf32>
    %add3A_60 = arith.addf %slice3A_58, %slice3A_59 : vector<512x512xf32>
    %add3A_61 = vector.broadcast %get3A_9 : vector<1x512xf32> to vector<512x512xf32>
    %add3A_62 = arith.addf %add3A_60, %add3A_61 : vector<512x512xf32>
    %logistic3A_63 = arith.negf %add3A_62 : vector<512x512xf32>
    %logistic3A_64 = math.exp %logistic3A_63 : vector<512x512xf32>
    %logistic3A_65 = arith.constant 1.000000e+00 : f32
    %logistic3A_66 = vector.broadcast %logistic3A_65 : f32 to vector<512x512xf32>
    %logistic3A_67 = arith.addf %logistic3A_66, %logistic3A_64 : vector<512x512xf32>
    %logistic3A_68 = arith.divf %logistic3A_66, %logistic3A_67 : vector<512x512xf32>
    %slice3A_69 = vector.extract_strided_slice %logistic3A_68 {offsets = [0, 0], sizes = [512, 256], strides = [1, 1]} : vector<512x512xf32> to vector<512x256xf32>
    %slice3A_70 = vector.extract_strided_slice %logistic3A_68 {offsets = [0, 256], sizes = [512, 256], strides = [1, 1]} : vector<512x512xf32> to vector<512x256xf32>
    %slice3A_71 = vector.extract_strided_slice %dot_general3A_55 {offsets = [0, 512], sizes = [512, 256], strides = [1, 1]} : vector<512x768xf32> to vector<512x256xf32>
    %add3A_72 = vector.broadcast %get3A_12 : vector<1x256xf32> to vector<512x256xf32>
    %add3A_73 = arith.addf %slice3A_71, %add3A_72 : vector<512x256xf32>
    %slice3A_74 = vector.extract_strided_slice %dot_general3A_57 {offsets = [0, 512], sizes = [512, 256], strides = [1, 1]} : vector<512x768xf32> to vector<512x256xf32>
    %add3A_75 = vector.broadcast %get3A_15 : vector<1x256xf32> to vector<512x256xf32>
    %add3A_76 = arith.addf %slice3A_74, %add3A_75 : vector<512x256xf32>
    %mul3A_77 = arith.mulf %slice3A_69, %add3A_76 : vector<512x256xf32>
    %add3A_78 = arith.addf %add3A_73, %mul3A_77 : vector<512x256xf32>
    %tanh3A_79 = math.tanh %add3A_78 : vector<512x256xf32>
    %sub3A_80 = arith.subf %get3A_21, %tanh3A_79 : vector<512x256xf32>
    %mul3A_81 = arith.mulf %slice3A_70, %sub3A_80 : vector<512x256xf32>
    %add3A_82 = arith.addf %tanh3A_79, %mul3A_81 : vector<512x256xf32>
    %get3A_83 = arith.constant 1 : index
    %get3A_84 = arith.constant 0 : index
    %get3A_85 = arith.constant 0 : index
    %get3A_86 = vector.load %arg1[%get3A_83, %get3A_84, %get3A_85] : memref<8x1024x16xf32, #tpu.memory_space<vmem>>, vector<1x512x16xf32>
    %get3A_87 = vector.shape_cast %get3A_86 : vector<1x512x16xf32> to vector<512x16xf32>
    %dot_general3A_88 = arith.constant dense<0.000000e+00> : vector<512x768xf32>
    %dot_general3A_89 = tpu.matmul %get3A_87, %get3A_3, %dot_general3A_88 {dimension_numbers = #tpu.dot_dimension_numbers<[1], [0], [0], [1], [0, 0, 1, 1], [], []>, transpose_lhs_hint = false} : vector<512x16xf32>, vector<16x768xf32>, vector<512x768xf32> -> vector<512x768xf32>
    %dot_general3A_90 = arith.constant dense<0.000000e+00> : vector<512x768xf32>
    %dot_general3A_91 = tpu.matmul %add3A_48, %get3A_6, %dot_general3A_90 {dimension_numbers = #tpu.dot_dimension_numbers<[1], [0], [0], [1], [0, 0, 1, 1], [], []>, transpose_lhs_hint = false} : vector<512x256xf32>, vector<256x768xf32>, vector<512x768xf32> -> vector<512x768xf32>
    %slice3A_92 = vector.extract_strided_slice %dot_general3A_89 {offsets = [0, 0], sizes = [512, 512], strides = [1, 1]} : vector<512x768xf32> to vector<512x512xf32>
    %slice3A_93 = vector.extract_strided_slice %dot_general3A_91 {offsets = [0, 0], sizes = [512, 512], strides = [1, 1]} : vector<512x768xf32> to vector<512x512xf32>
    %add3A_94 = arith.addf %slice3A_92, %slice3A_93 : vector<512x512xf32>
    %add3A_95 = vector.broadcast %get3A_9 : vector<1x512xf32> to vector<512x512xf32>
    %add3A_96 = arith.addf %add3A_94, %add3A_95 : vector<512x512xf32>
    %logistic3A_97 = arith.negf %add3A_96 : vector<512x512xf32>
    %logistic3A_98 = math.exp %logistic3A_97 : vector<512x512xf32>
    %logistic3A_99 = arith.constant 1.000000e+00 : f32
    %logistic3A_100 = vector.broadcast %logistic3A_99 : f32 to vector<512x512xf32>
    %logistic3A_101 = arith.addf %logistic3A_100, %logistic3A_98 : vector<512x512xf32>
    %logistic3A_102 = arith.divf %logistic3A_100, %logistic3A_101 : vector<512x512xf32>
    %slice3A_103 = vector.extract_strided_slice %logistic3A_102 {offsets = [0, 0], sizes = [512, 256], strides = [1, 1]} : vector<512x512xf32> to vector<512x256xf32>
    %slice3A_104 = vector.extract_strided_slice %logistic3A_102 {offsets = [0, 256], sizes = [512, 256], strides = [1, 1]} : vector<512x512xf32> to vector<512x256xf32>
    %slice3A_105 = vector.extract_strided_slice %dot_general3A_89 {offsets = [0, 512], sizes = [512, 256], strides = [1, 1]} : vector<512x768xf32> to vector<512x256xf32>
    %add3A_106 = vector.broadcast %get3A_12 : vector<1x256xf32> to vector<512x256xf32>
    %add3A_107 = arith.addf %slice3A_105, %add3A_106 : vector<512x256xf32>
    %slice3A_108 = vector.extract_strided_slice %dot_general3A_91 {offsets = [0, 512], sizes = [512, 256], strides = [1, 1]} : vector<512x768xf32> to vector<512x256xf32>
    %add3A_109 = vector.broadcast %get3A_15 : vector<1x256xf32> to vector<512x256xf32>
    %add3A_110 = arith.addf %slice3A_108, %add3A_109 : vector<512x256xf32>
    %mul3A_111 = arith.mulf %slice3A_103, %add3A_110 : vector<512x256xf32>
    %add3A_112 = arith.addf %add3A_107, %mul3A_111 : vector<512x256xf32>
    %tanh3A_113 = math.tanh %add3A_112 : vector<512x256xf32>
    %sub3A_114 = arith.subf %add3A_48, %tanh3A_113 : vector<512x256xf32>
    %mul3A_115 = arith.mulf %slice3A_104, %sub3A_114 : vector<512x256xf32>
    %add3A_116 = arith.addf %tanh3A_113, %mul3A_115 : vector<512x256xf32>
    %get3A_117 = arith.constant 1 : index
    %get3A_118 = arith.constant 512 : index
    %get3A_119 = arith.constant 0 : index
    %get3A_120 = vector.load %arg1[%get3A_117, %get3A_118, %get3A_119] : memref<8x1024x16xf32, #tpu.memory_space<vmem>>, vector<1x512x16xf32>
    %get3A_121 = vector.shape_cast %get3A_120 : vector<1x512x16xf32> to vector<512x16xf32>
    %dot_general3A_122 = arith.constant dense<0.000000e+00> : vector<512x768xf32>
    %dot_general3A_123 = tpu.matmul %get3A_121, %get3A_3, %dot_general3A_122 {dimension_numbers = #tpu.dot_dimension_numbers<[1], [0], [0], [1], [0, 0, 1, 1], [], []>, transpose_lhs_hint = false} : vector<512x16xf32>, vector<16x768xf32>, vector<512x768xf32> -> vector<512x768xf32>
    %dot_general3A_124 = arith.constant dense<0.000000e+00> : vector<512x768xf32>
    %dot_general3A_125 = tpu.matmul %add3A_82, %get3A_6, %dot_general3A_124 {dimension_numbers = #tpu.dot_dimension_numbers<[1], [0], [0], [1], [0, 0, 1, 1], [], []>, transpose_lhs_hint = false} : vector<512x256xf32>, vector<256x768xf32>, vector<512x768xf32> -> vector<512x768xf32>
    %slice3A_126 = vector.extract_strided_slice %dot_general3A_123 {offsets = [0, 0], sizes = [512, 512], strides = [1, 1]} : vector<512x768xf32> to vector<512x512xf32>
    %slice3A_127 = vector.extract_strided_slice %dot_general3A_125 {offsets = [0, 0], sizes = [512, 512], strides = [1, 1]} : vector<512x768xf32> to vector<512x512xf32>
    %add3A_128 = arith.addf %slice3A_126, %slice3A_127 : vector<512x512xf32>
    %add3A_129 = vector.broadcast %get3A_9 : vector<1x512xf32> to vector<512x512xf32>
    %add3A_130 = arith.addf %add3A_128, %add3A_129 : vector<512x512xf32>
    %logistic3A_131 = arith.negf %add3A_130 : vector<512x512xf32>
    %logistic3A_132 = math.exp %logistic3A_131 : vector<512x512xf32>
    %logistic3A_133 = arith.constant 1.000000e+00 : f32
    %logistic3A_134 = vector.broadcast %logistic3A_133 : f32 to vector<512x512xf32>
    %logistic3A_135 = arith.addf %logistic3A_134, %logistic3A_132 : vector<512x512xf32>
    %logistic3A_136 = arith.divf %logistic3A_134, %logistic3A_135 : vector<512x512xf32>
    %slice3A_137 = vector.extract_strided_slice %logistic3A_136 {offsets = [0, 0], sizes = [512, 256], strides = [1, 1]} : vector<512x512xf32> to vector<512x256xf32>
    %slice3A_138 = vector.extract_strided_slice %logistic3A_136 {offsets = [0, 256], sizes = [512, 256], strides = [1, 1]} : vector<512x512xf32> to vector<512x256xf32>
    %slice3A_139 = vector.extract_strided_slice %dot_general3A_123 {offsets = [0, 512], sizes = [512, 256], strides = [1, 1]} : vector<512x768xf32> to vector<512x256xf32>
    %add3A_140 = vector.broadcast %get3A_12 : vector<1x256xf32> to vector<512x256xf32>
    %add3A_141 = arith.addf %slice3A_139, %add3A_140 : vector<512x256xf32>
    %slice3A_142 = vector.extract_strided_slice %dot_general3A_125 {offsets = [0, 512], sizes = [512, 256], strides = [1, 1]} : vector<512x768xf32> to vector<512x256xf32>
    %add3A_143 = vector.broadcast %get3A_15 : vector<1x256xf32> to vector<512x256xf32>
    %add3A_144 = arith.addf %slice3A_142, %add3A_143 : vector<512x256xf32>
    %mul3A_145 = arith.mulf %slice3A_137, %add3A_144 : vector<512x256xf32>
    %add3A_146 = arith.addf %add3A_141, %mul3A_145 : vector<512x256xf32>
    %tanh3A_147 = math.tanh %add3A_146 : vector<512x256xf32>
    %sub3A_148 = arith.subf %add3A_82, %tanh3A_147 : vector<512x256xf32>
    %mul3A_149 = arith.mulf %slice3A_138, %sub3A_148 : vector<512x256xf32>
    %add3A_150 = arith.addf %tanh3A_147, %mul3A_149 : vector<512x256xf32>
    %get3A_151 = arith.constant 2 : index
    %get3A_152 = arith.constant 0 : index
    %get3A_153 = arith.constant 0 : index
    %get3A_154 = vector.load %arg1[%get3A_151, %get3A_152, %get3A_153] : memref<8x1024x16xf32, #tpu.memory_space<vmem>>, vector<1x512x16xf32>
    %get3A_155 = vector.shape_cast %get3A_154 : vector<1x512x16xf32> to vector<512x16xf32>
    %dot_general3A_156 = arith.constant dense<0.000000e+00> : vector<512x768xf32>
    %dot_general3A_157 = tpu.matmul %get3A_155, %get3A_3, %dot_general3A_156 {dimension_numbers = #tpu.dot_dimension_numbers<[1], [0], [0], [1], [0, 0, 1, 1], [], []>, transpose_lhs_hint = false} : vector<512x16xf32>, vector<16x768xf32>, vector<512x768xf32> -> vector<512x768xf32>
    %dot_general3A_158 = arith.constant dense<0.000000e+00> : vector<512x768xf32>
    %dot_general3A_159 = tpu.matmul %add3A_116, %get3A_6, %dot_general3A_158 {dimension_numbers = #tpu.dot_dimension_numbers<[1], [0], [0], [1], [0, 0, 1, 1], [], []>, transpose_lhs_hint = false} : vector<512x256xf32>, vector<256x768xf32>, vector<512x768xf32> -> vector<512x768xf32>
    %slice3A_160 = vector.extract_strided_slice %dot_general3A_157 {offsets = [0, 0], sizes = [512, 512], strides = [1, 1]} : vector<512x768xf32> to vector<512x512xf32>
    %slice3A_161 = vector.extract_strided_slice %dot_general3A_159 {offsets = [0, 0], sizes = [512, 512], strides = [1, 1]} : vector<512x768xf32> to vector<512x512xf32>
    %add3A_162 = arith.addf %slice3A_160, %slice3A_161 : vector<512x512xf32>
    %add3A_163 = vector.broadcast %get3A_9 : vector<1x512xf32> to vector<512x512xf32>
    %add3A_164 = arith.addf %add3A_162, %add3A_163 : vector<512x512xf32>
    %logistic3A_165 = arith.negf %add3A_164 : vector<512x512xf32>
    %logistic3A_166 = math.exp %logistic3A_165 : vector<512x512xf32>
    %logistic3A_167 = arith.constant 1.000000e+00 : f32
    %logistic3A_168 = vector.broadcast %logistic3A_167 : f32 to vector<512x512xf32>
    %logistic3A_169 = arith.addf %logistic3A_168, %logistic3A_166 : vector<512x512xf32>
    %logistic3A_170 = arith.divf %logistic3A_168, %logistic3A_169 : vector<512x512xf32>
    %slice3A_171 = vector.extract_strided_slice %logistic3A_170 {offsets = [0, 0], sizes = [512, 256], strides = [1, 1]} : vector<512x512xf32> to vector<512x256xf32>
    %slice3A_172 = vector.extract_strided_slice %logistic3A_170 {offsets = [0, 256], sizes = [512, 256], strides = [1, 1]} : vector<512x512xf32> to vector<512x256xf32>
    %slice3A_173 = vector.extract_strided_slice %dot_general3A_157 {offsets = [0, 512], sizes = [512, 256], strides = [1, 1]} : vector<512x768xf32> to vector<512x256xf32>
    %add3A_174 = vector.broadcast %get3A_12 : vector<1x256xf32> to vector<512x256xf32>
    %add3A_175 = arith.addf %slice3A_173, %add3A_174 : vector<512x256xf32>
    %slice3A_176 = vector.extract_strided_slice %dot_general3A_159 {offsets = [0, 512], sizes = [512, 256], strides = [1, 1]} : vector<512x768xf32> to vector<512x256xf32>
    %add3A_177 = vector.broadcast %get3A_15 : vector<1x256xf32> to vector<512x256xf32>
    %add3A_178 = arith.addf %slice3A_176, %add3A_177 : vector<512x256xf32>
    %mul3A_179 = arith.mulf %slice3A_171, %add3A_178 : vector<512x256xf32>
    %add3A_180 = arith.addf %add3A_175, %mul3A_179 : vector<512x256xf32>
    %tanh3A_181 = math.tanh %add3A_180 : vector<512x256xf32>
    %sub3A_182 = arith.subf %add3A_116, %tanh3A_181 : vector<512x256xf32>
    %mul3A_183 = arith.mulf %slice3A_172, %sub3A_182 : vector<512x256xf32>
    %add3A_184 = arith.addf %tanh3A_181, %mul3A_183 : vector<512x256xf32>
    %get3A_185 = arith.constant 2 : index
    %get3A_186 = arith.constant 512 : index
    %get3A_187 = arith.constant 0 : index
    %get3A_188 = vector.load %arg1[%get3A_185, %get3A_186, %get3A_187] : memref<8x1024x16xf32, #tpu.memory_space<vmem>>, vector<1x512x16xf32>
    %get3A_189 = vector.shape_cast %get3A_188 : vector<1x512x16xf32> to vector<512x16xf32>
    %dot_general3A_190 = arith.constant dense<0.000000e+00> : vector<512x768xf32>
    %dot_general3A_191 = tpu.matmul %get3A_189, %get3A_3, %dot_general3A_190 {dimension_numbers = #tpu.dot_dimension_numbers<[1], [0], [0], [1], [0, 0, 1, 1], [], []>, transpose_lhs_hint = false} : vector<512x16xf32>, vector<16x768xf32>, vector<512x768xf32> -> vector<512x768xf32>
    %dot_general3A_192 = arith.constant dense<0.000000e+00> : vector<512x768xf32>
    %dot_general3A_193 = tpu.matmul %add3A_150, %get3A_6, %dot_general3A_192 {dimension_numbers = #tpu.dot_dimension_numbers<[1], [0], [0], [1], [0, 0, 1, 1], [], []>, transpose_lhs_hint = false} : vector<512x256xf32>, vector<256x768xf32>, vector<512x768xf32> -> vector<512x768xf32>
    %slice3A_194 = vector.extract_strided_slice %dot_general3A_191 {offsets = [0, 0], sizes = [512, 512], strides = [1, 1]} : vector<512x768xf32> to vector<512x512xf32>
    %slice3A_195 = vector.extract_strided_slice %dot_general3A_193 {offsets = [0, 0], sizes = [512, 512], strides = [1, 1]} : vector<512x768xf32> to vector<512x512xf32>
    %add3A_196 = arith.addf %slice3A_194, %slice3A_195 : vector<512x512xf32>
    %add3A_197 = vector.broadcast %get3A_9 : vector<1x512xf32> to vector<512x512xf32>
    %add3A_198 = arith.addf %add3A_196, %add3A_197 : vector<512x512xf32>
    %logistic3A_199 = arith.negf %add3A_198 : vector<512x512xf32>
    %logistic3A_200 = math.exp %logistic3A_199 : vector<512x512xf32>
    %logistic3A_201 = arith.constant 1.000000e+00 : f32
    %logistic3A_202 = vector.broadcast %logistic3A_201 : f32 to vector<512x512xf32>
    %logistic3A_203 = arith.addf %logistic3A_202, %logistic3A_200 : vector<512x512xf32>
    %logistic3A_204 = arith.divf %logistic3A_202, %logistic3A_203 : vector<512x512xf32>
    %slice3A_205 = vector.extract_strided_slice %logistic3A_204 {offsets = [0, 0], sizes = [512, 256], strides = [1, 1]} : vector<512x512xf32> to vector<512x256xf32>
    %slice3A_206 = vector.extract_strided_slice %logistic3A_204 {offsets = [0, 256], sizes = [512, 256], strides = [1, 1]} : vector<512x512xf32> to vector<512x256xf32>
    %slice3A_207 = vector.extract_strided_slice %dot_general3A_191 {offsets = [0, 512], sizes = [512, 256], strides = [1, 1]} : vector<512x768xf32> to vector<512x256xf32>
    %add3A_208 = vector.broadcast %get3A_12 : vector<1x256xf32> to vector<512x256xf32>
    %add3A_209 = arith.addf %slice3A_207, %add3A_208 : vector<512x256xf32>
    %slice3A_210 = vector.extract_strided_slice %dot_general3A_193 {offsets = [0, 512], sizes = [512, 256], strides = [1, 1]} : vector<512x768xf32> to vector<512x256xf32>
    %add3A_211 = vector.broadcast %get3A_15 : vector<1x256xf32> to vector<512x256xf32>
    %add3A_212 = arith.addf %slice3A_210, %add3A_211 : vector<512x256xf32>
    %mul3A_213 = arith.mulf %slice3A_205, %add3A_212 : vector<512x256xf32>
    %add3A_214 = arith.addf %add3A_209, %mul3A_213 : vector<512x256xf32>
    %tanh3A_215 = math.tanh %add3A_214 : vector<512x256xf32>
    %sub3A_216 = arith.subf %add3A_150, %tanh3A_215 : vector<512x256xf32>
    %mul3A_217 = arith.mulf %slice3A_206, %sub3A_216 : vector<512x256xf32>
    %add3A_218 = arith.addf %tanh3A_215, %mul3A_217 : vector<512x256xf32>
    %get3A_219 = arith.constant 3 : index
    %get3A_220 = arith.constant 0 : index
    %get3A_221 = arith.constant 0 : index
    %get3A_222 = vector.load %arg1[%get3A_219, %get3A_220, %get3A_221] : memref<8x1024x16xf32, #tpu.memory_space<vmem>>, vector<1x512x16xf32>
    %get3A_223 = vector.shape_cast %get3A_222 : vector<1x512x16xf32> to vector<512x16xf32>
    %dot_general3A_224 = arith.constant dense<0.000000e+00> : vector<512x768xf32>
    %dot_general3A_225 = tpu.matmul %get3A_223, %get3A_3, %dot_general3A_224 {dimension_numbers = #tpu.dot_dimension_numbers<[1], [0], [0], [1], [0, 0, 1, 1], [], []>, transpose_lhs_hint = false} : vector<512x16xf32>, vector<16x768xf32>, vector<512x768xf32> -> vector<512x768xf32>
    %dot_general3A_226 = arith.constant dense<0.000000e+00> : vector<512x768xf32>
    %dot_general3A_227 = tpu.matmul %add3A_184, %get3A_6, %dot_general3A_226 {dimension_numbers = #tpu.dot_dimension_numbers<[1], [0], [0], [1], [0, 0, 1, 1], [], []>, transpose_lhs_hint = false} : vector<512x256xf32>, vector<256x768xf32>, vector<512x768xf32> -> vector<512x768xf32>
    %slice3A_228 = vector.extract_strided_slice %dot_general3A_225 {offsets = [0, 0], sizes = [512, 512], strides = [1, 1]} : vector<512x768xf32> to vector<512x512xf32>
    %slice3A_229 = vector.extract_strided_slice %dot_general3A_227 {offsets = [0, 0], sizes = [512, 512], strides = [1, 1]} : vector<512x768xf32> to vector<512x512xf32>
    %add3A_230 = arith.addf %slice3A_228, %slice3A_229 : vector<512x512xf32>
    %add3A_231 = vector.broadcast %get3A_9 : vector<1x512xf32> to vector<512x512xf32>
    %add3A_232 = arith.addf %add3A_230, %add3A_231 : vector<512x512xf32>
    %logistic3A_233 = arith.negf %add3A_232 : vector<512x512xf32>
    %logistic3A_234 = math.exp %logistic3A_233 : vector<512x512xf32>
    %logistic3A_235 = arith.constant 1.000000e+00 : f32
    %logistic3A_236 = vector.broadcast %logistic3A_235 : f32 to vector<512x512xf32>
    %logistic3A_237 = arith.addf %logistic3A_236, %logistic3A_234 : vector<512x512xf32>
    %logistic3A_238 = arith.divf %logistic3A_236, %logistic3A_237 : vector<512x512xf32>
    %slice3A_239 = vector.extract_strided_slice %logistic3A_238 {offsets = [0, 0], sizes = [512, 256], strides = [1, 1]} : vector<512x512xf32> to vector<512x256xf32>
    %slice3A_240 = vector.extract_strided_slice %logistic3A_238 {offsets = [0, 256], sizes = [512, 256], strides = [1, 1]} : vector<512x512xf32> to vector<512x256xf32>
    %slice3A_241 = vector.extract_strided_slice %dot_general3A_225 {offsets = [0, 512], sizes = [512, 256], strides = [1, 1]} : vector<512x768xf32> to vector<512x256xf32>
    %add3A_242 = vector.broadcast %get3A_12 : vector<1x256xf32> to vector<512x256xf32>
    %add3A_243 = arith.addf %slice3A_241, %add3A_242 : vector<512x256xf32>
    %slice3A_244 = vector.extract_strided_slice %dot_general3A_227 {offsets = [0, 512], sizes = [512, 256], strides = [1, 1]} : vector<512x768xf32> to vector<512x256xf32>
    %add3A_245 = vector.broadcast %get3A_15 : vector<1x256xf32> to vector<512x256xf32>
    %add3A_246 = arith.addf %slice3A_244, %add3A_245 : vector<512x256xf32>
    %mul3A_247 = arith.mulf %slice3A_239, %add3A_246 : vector<512x256xf32>
    %add3A_248 = arith.addf %add3A_243, %mul3A_247 : vector<512x256xf32>
    %tanh3A_249 = math.tanh %add3A_248 : vector<512x256xf32>
    %sub3A_250 = arith.subf %add3A_184, %tanh3A_249 : vector<512x256xf32>
    %mul3A_251 = arith.mulf %slice3A_240, %sub3A_250 : vector<512x256xf32>
    %add3A_252 = arith.addf %tanh3A_249, %mul3A_251 : vector<512x256xf32>
    %get3A_253 = arith.constant 3 : index
    %get3A_254 = arith.constant 512 : index
    %get3A_255 = arith.constant 0 : index
    %get3A_256 = vector.load %arg1[%get3A_253, %get3A_254, %get3A_255] : memref<8x1024x16xf32, #tpu.memory_space<vmem>>, vector<1x512x16xf32>
    %get3A_257 = vector.shape_cast %get3A_256 : vector<1x512x16xf32> to vector<512x16xf32>
    %dot_general3A_258 = arith.constant dense<0.000000e+00> : vector<512x768xf32>
    %dot_general3A_259 = tpu.matmul %get3A_257, %get3A_3, %dot_general3A_258 {dimension_numbers = #tpu.dot_dimension_numbers<[1], [0], [0], [1], [0, 0, 1, 1], [], []>, transpose_lhs_hint = false} : vector<512x16xf32>, vector<16x768xf32>, vector<512x768xf32> -> vector<512x768xf32>
    %dot_general3A_260 = arith.constant dense<0.000000e+00> : vector<512x768xf32>
    %dot_general3A_261 = tpu.matmul %add3A_218, %get3A_6, %dot_general3A_260 {dimension_numbers = #tpu.dot_dimension_numbers<[1], [0], [0], [1], [0, 0, 1, 1], [], []>, transpose_lhs_hint = false} : vector<512x256xf32>, vector<256x768xf32>, vector<512x768xf32> -> vector<512x768xf32>
    %slice3A_262 = vector.extract_strided_slice %dot_general3A_259 {offsets = [0, 0], sizes = [512, 512], strides = [1, 1]} : vector<512x768xf32> to vector<512x512xf32>
    %slice3A_263 = vector.extract_strided_slice %dot_general3A_261 {offsets = [0, 0], sizes = [512, 512], strides = [1, 1]} : vector<512x768xf32> to vector<512x512xf32>
    %add3A_264 = arith.addf %slice3A_262, %slice3A_263 : vector<512x512xf32>
    %add3A_265 = vector.broadcast %get3A_9 : vector<1x512xf32> to vector<512x512xf32>
    %add3A_266 = arith.addf %add3A_264, %add3A_265 : vector<512x512xf32>
    %logistic3A_267 = arith.negf %add3A_266 : vector<512x512xf32>
    %logistic3A_268 = math.exp %logistic3A_267 : vector<512x512xf32>
    %logistic3A_269 = arith.constant 1.000000e+00 : f32
    %logistic3A_270 = vector.broadcast %logistic3A_269 : f32 to vector<512x512xf32>
    %logistic3A_271 = arith.addf %logistic3A_270, %logistic3A_268 : vector<512x512xf32>
    %logistic3A_272 = arith.divf %logistic3A_270, %logistic3A_271 : vector<512x512xf32>
    %slice3A_273 = vector.extract_strided_slice %logistic3A_272 {offsets = [0, 0], sizes = [512, 256], strides = [1, 1]} : vector<512x512xf32> to vector<512x256xf32>
    %slice3A_274 = vector.extract_strided_slice %logistic3A_272 {offsets = [0, 256], sizes = [512, 256], strides = [1, 1]} : vector<512x512xf32> to vector<512x256xf32>
    %slice3A_275 = vector.extract_strided_slice %dot_general3A_259 {offsets = [0, 512], sizes = [512, 256], strides = [1, 1]} : vector<512x768xf32> to vector<512x256xf32>
    %add3A_276 = vector.broadcast %get3A_12 : vector<1x256xf32> to vector<512x256xf32>
    %add3A_277 = arith.addf %slice3A_275, %add3A_276 : vector<512x256xf32>
    %slice3A_278 = vector.extract_strided_slice %dot_general3A_261 {offsets = [0, 512], sizes = [512, 256], strides = [1, 1]} : vector<512x768xf32> to vector<512x256xf32>
    %add3A_279 = vector.broadcast %get3A_15 : vector<1x256xf32> to vector<512x256xf32>
    %add3A_280 = arith.addf %slice3A_278, %add3A_279 : vector<512x256xf32>
    %mul3A_281 = arith.mulf %slice3A_273, %add3A_280 : vector<512x256xf32>
    %add3A_282 = arith.addf %add3A_277, %mul3A_281 : vector<512x256xf32>
    %tanh3A_283 = math.tanh %add3A_282 : vector<512x256xf32>
    %sub3A_284 = arith.subf %add3A_218, %tanh3A_283 : vector<512x256xf32>
    %mul3A_285 = arith.mulf %slice3A_274, %sub3A_284 : vector<512x256xf32>
    %add3A_286 = arith.addf %tanh3A_283, %mul3A_285 : vector<512x256xf32>
    %get3A_287 = arith.constant 4 : index
    %get3A_288 = arith.constant 0 : index
    %get3A_289 = arith.constant 0 : index
    %get3A_290 = vector.load %arg1[%get3A_287, %get3A_288, %get3A_289] : memref<8x1024x16xf32, #tpu.memory_space<vmem>>, vector<1x512x16xf32>
    %get3A_291 = vector.shape_cast %get3A_290 : vector<1x512x16xf32> to vector<512x16xf32>
    %dot_general3A_292 = arith.constant dense<0.000000e+00> : vector<512x768xf32>
    %dot_general3A_293 = tpu.matmul %get3A_291, %get3A_3, %dot_general3A_292 {dimension_numbers = #tpu.dot_dimension_numbers<[1], [0], [0], [1], [0, 0, 1, 1], [], []>, transpose_lhs_hint = false} : vector<512x16xf32>, vector<16x768xf32>, vector<512x768xf32> -> vector<512x768xf32>
    %dot_general3A_294 = arith.constant dense<0.000000e+00> : vector<512x768xf32>
    %dot_general3A_295 = tpu.matmul %add3A_252, %get3A_6, %dot_general3A_294 {dimension_numbers = #tpu.dot_dimension_numbers<[1], [0], [0], [1], [0, 0, 1, 1], [], []>, transpose_lhs_hint = false} : vector<512x256xf32>, vector<256x768xf32>, vector<512x768xf32> -> vector<512x768xf32>
    %slice3A_296 = vector.extract_strided_slice %dot_general3A_293 {offsets = [0, 0], sizes = [512, 512], strides = [1, 1]} : vector<512x768xf32> to vector<512x512xf32>
    %slice3A_297 = vector.extract_strided_slice %dot_general3A_295 {offsets = [0, 0], sizes = [512, 512], strides = [1, 1]} : vector<512x768xf32> to vector<512x512xf32>
    %add3A_298 = arith.addf %slice3A_296, %slice3A_297 : vector<512x512xf32>
    %add3A_299 = vector.broadcast %get3A_9 : vector<1x512xf32> to vector<512x512xf32>
    %add3A_300 = arith.addf %add3A_298, %add3A_299 : vector<512x512xf32>
    %logistic3A_301 = arith.negf %add3A_300 : vector<512x512xf32>
    %logistic3A_302 = math.exp %logistic3A_301 : vector<512x512xf32>
    %logistic3A_303 = arith.constant 1.000000e+00 : f32
    %logistic3A_304 = vector.broadcast %logistic3A_303 : f32 to vector<512x512xf32>
    %logistic3A_305 = arith.addf %logistic3A_304, %logistic3A_302 : vector<512x512xf32>
    %logistic3A_306 = arith.divf %logistic3A_304, %logistic3A_305 : vector<512x512xf32>
    %slice3A_307 = vector.extract_strided_slice %logistic3A_306 {offsets = [0, 0], sizes = [512, 256], strides = [1, 1]} : vector<512x512xf32> to vector<512x256xf32>
    %slice3A_308 = vector.extract_strided_slice %logistic3A_306 {offsets = [0, 256], sizes = [512, 256], strides = [1, 1]} : vector<512x512xf32> to vector<512x256xf32>
    %slice3A_309 = vector.extract_strided_slice %dot_general3A_293 {offsets = [0, 512], sizes = [512, 256], strides = [1, 1]} : vector<512x768xf32> to vector<512x256xf32>
    %add3A_310 = vector.broadcast %get3A_12 : vector<1x256xf32> to vector<512x256xf32>
    %add3A_311 = arith.addf %slice3A_309, %add3A_310 : vector<512x256xf32>
    %slice3A_312 = vector.extract_strided_slice %dot_general3A_295 {offsets = [0, 512], sizes = [512, 256], strides = [1, 1]} : vector<512x768xf32> to vector<512x256xf32>
    %add3A_313 = vector.broadcast %get3A_15 : vector<1x256xf32> to vector<512x256xf32>
    %add3A_314 = arith.addf %slice3A_312, %add3A_313 : vector<512x256xf32>
    %mul3A_315 = arith.mulf %slice3A_307, %add3A_314 : vector<512x256xf32>
    %add3A_316 = arith.addf %add3A_311, %mul3A_315 : vector<512x256xf32>
    %tanh3A_317 = math.tanh %add3A_316 : vector<512x256xf32>
    %sub3A_318 = arith.subf %add3A_252, %tanh3A_317 : vector<512x256xf32>
    %mul3A_319 = arith.mulf %slice3A_308, %sub3A_318 : vector<512x256xf32>
    %add3A_320 = arith.addf %tanh3A_317, %mul3A_319 : vector<512x256xf32>
    %get3A_321 = arith.constant 4 : index
    %get3A_322 = arith.constant 512 : index
    %get3A_323 = arith.constant 0 : index
    %get3A_324 = vector.load %arg1[%get3A_321, %get3A_322, %get3A_323] : memref<8x1024x16xf32, #tpu.memory_space<vmem>>, vector<1x512x16xf32>
    %get3A_325 = vector.shape_cast %get3A_324 : vector<1x512x16xf32> to vector<512x16xf32>
    %dot_general3A_326 = arith.constant dense<0.000000e+00> : vector<512x768xf32>
    %dot_general3A_327 = tpu.matmul %get3A_325, %get3A_3, %dot_general3A_326 {dimension_numbers = #tpu.dot_dimension_numbers<[1], [0], [0], [1], [0, 0, 1, 1], [], []>, transpose_lhs_hint = false} : vector<512x16xf32>, vector<16x768xf32>, vector<512x768xf32> -> vector<512x768xf32>
    %dot_general3A_328 = arith.constant dense<0.000000e+00> : vector<512x768xf32>
    %dot_general3A_329 = tpu.matmul %add3A_286, %get3A_6, %dot_general3A_328 {dimension_numbers = #tpu.dot_dimension_numbers<[1], [0], [0], [1], [0, 0, 1, 1], [], []>, transpose_lhs_hint = false} : vector<512x256xf32>, vector<256x768xf32>, vector<512x768xf32> -> vector<512x768xf32>
    %slice3A_330 = vector.extract_strided_slice %dot_general3A_327 {offsets = [0, 0], sizes = [512, 512], strides = [1, 1]} : vector<512x768xf32> to vector<512x512xf32>
    %slice3A_331 = vector.extract_strided_slice %dot_general3A_329 {offsets = [0, 0], sizes = [512, 512], strides = [1, 1]} : vector<512x768xf32> to vector<512x512xf32>
    %add3A_332 = arith.addf %slice3A_330, %slice3A_331 : vector<512x512xf32>
    %add3A_333 = vector.broadcast %get3A_9 : vector<1x512xf32> to vector<512x512xf32>
    %add3A_334 = arith.addf %add3A_332, %add3A_333 : vector<512x512xf32>
    %logistic3A_335 = arith.negf %add3A_334 : vector<512x512xf32>
    %logistic3A_336 = math.exp %logistic3A_335 : vector<512x512xf32>
    %logistic3A_337 = arith.constant 1.000000e+00 : f32
    %logistic3A_338 = vector.broadcast %logistic3A_337 : f32 to vector<512x512xf32>
    %logistic3A_339 = arith.addf %logistic3A_338, %logistic3A_336 : vector<512x512xf32>
    %logistic3A_340 = arith.divf %logistic3A_338, %logistic3A_339 : vector<512x512xf32>
    %slice3A_341 = vector.extract_strided_slice %logistic3A_340 {offsets = [0, 0], sizes = [512, 256], strides = [1, 1]} : vector<512x512xf32> to vector<512x256xf32>
    %slice3A_342 = vector.extract_strided_slice %logistic3A_340 {offsets = [0, 256], sizes = [512, 256], strides = [1, 1]} : vector<512x512xf32> to vector<512x256xf32>
    %slice3A_343 = vector.extract_strided_slice %dot_general3A_327 {offsets = [0, 512], sizes = [512, 256], strides = [1, 1]} : vector<512x768xf32> to vector<512x256xf32>
    %add3A_344 = vector.broadcast %get3A_12 : vector<1x256xf32> to vector<512x256xf32>
    %add3A_345 = arith.addf %slice3A_343, %add3A_344 : vector<512x256xf32>
    %slice3A_346 = vector.extract_strided_slice %dot_general3A_329 {offsets = [0, 512], sizes = [512, 256], strides = [1, 1]} : vector<512x768xf32> to vector<512x256xf32>
    %add3A_347 = vector.broadcast %get3A_15 : vector<1x256xf32> to vector<512x256xf32>
    %add3A_348 = arith.addf %slice3A_346, %add3A_347 : vector<512x256xf32>
    %mul3A_349 = arith.mulf %slice3A_341, %add3A_348 : vector<512x256xf32>
    %add3A_350 = arith.addf %add3A_345, %mul3A_349 : vector<512x256xf32>
    %tanh3A_351 = math.tanh %add3A_350 : vector<512x256xf32>
    %sub3A_352 = arith.subf %add3A_286, %tanh3A_351 : vector<512x256xf32>
    %mul3A_353 = arith.mulf %slice3A_342, %sub3A_352 : vector<512x256xf32>
    %add3A_354 = arith.addf %tanh3A_351, %mul3A_353 : vector<512x256xf32>
    %get3A_355 = arith.constant 5 : index
    %get3A_356 = arith.constant 0 : index
    %get3A_357 = arith.constant 0 : index
    %get3A_358 = vector.load %arg1[%get3A_355, %get3A_356, %get3A_357] : memref<8x1024x16xf32, #tpu.memory_space<vmem>>, vector<1x512x16xf32>
    %get3A_359 = vector.shape_cast %get3A_358 : vector<1x512x16xf32> to vector<512x16xf32>
    %dot_general3A_360 = arith.constant dense<0.000000e+00> : vector<512x768xf32>
    %dot_general3A_361 = tpu.matmul %get3A_359, %get3A_3, %dot_general3A_360 {dimension_numbers = #tpu.dot_dimension_numbers<[1], [0], [0], [1], [0, 0, 1, 1], [], []>, transpose_lhs_hint = false} : vector<512x16xf32>, vector<16x768xf32>, vector<512x768xf32> -> vector<512x768xf32>
    %dot_general3A_362 = arith.constant dense<0.000000e+00> : vector<512x768xf32>
    %dot_general3A_363 = tpu.matmul %add3A_320, %get3A_6, %dot_general3A_362 {dimension_numbers = #tpu.dot_dimension_numbers<[1], [0], [0], [1], [0, 0, 1, 1], [], []>, transpose_lhs_hint = false} : vector<512x256xf32>, vector<256x768xf32>, vector<512x768xf32> -> vector<512x768xf32>
    %slice3A_364 = vector.extract_strided_slice %dot_general3A_361 {offsets = [0, 0], sizes = [512, 512], strides = [1, 1]} : vector<512x768xf32> to vector<512x512xf32>
    %slice3A_365 = vector.extract_strided_slice %dot_general3A_363 {offsets = [0, 0], sizes = [512, 512], strides = [1, 1]} : vector<512x768xf32> to vector<512x512xf32>
    %add3A_366 = arith.addf %slice3A_364, %slice3A_365 : vector<512x512xf32>
    %add3A_367 = vector.broadcast %get3A_9 : vector<1x512xf32> to vector<512x512xf32>
    %add3A_368 = arith.addf %add3A_366, %add3A_367 : vector<512x512xf32>
    %logistic3A_369 = arith.negf %add3A_368 : vector<512x512xf32>
    %logistic3A_370 = math.exp %logistic3A_369 : vector<512x512xf32>
    %logistic3A_371 = arith.constant 1.000000e+00 : f32
    %logistic3A_372 = vector.broadcast %logistic3A_371 : f32 to vector<512x512xf32>
    %logistic3A_373 = arith.addf %logistic3A_372, %logistic3A_370 : vector<512x512xf32>
    %logistic3A_374 = arith.divf %logistic3A_372, %logistic3A_373 : vector<512x512xf32>
    %slice3A_375 = vector.extract_strided_slice %logistic3A_374 {offsets = [0, 0], sizes = [512, 256], strides = [1, 1]} : vector<512x512xf32> to vector<512x256xf32>
    %slice3A_376 = vector.extract_strided_slice %logistic3A_374 {offsets = [0, 256], sizes = [512, 256], strides = [1, 1]} : vector<512x512xf32> to vector<512x256xf32>
    %slice3A_377 = vector.extract_strided_slice %dot_general3A_361 {offsets = [0, 512], sizes = [512, 256], strides = [1, 1]} : vector<512x768xf32> to vector<512x256xf32>
    %add3A_378 = vector.broadcast %get3A_12 : vector<1x256xf32> to vector<512x256xf32>
    %add3A_379 = arith.addf %slice3A_377, %add3A_378 : vector<512x256xf32>
    %slice3A_380 = vector.extract_strided_slice %dot_general3A_363 {offsets = [0, 512], sizes = [512, 256], strides = [1, 1]} : vector<512x768xf32> to vector<512x256xf32>
    %add3A_381 = vector.broadcast %get3A_15 : vector<1x256xf32> to vector<512x256xf32>
    %add3A_382 = arith.addf %slice3A_380, %add3A_381 : vector<512x256xf32>
    %mul3A_383 = arith.mulf %slice3A_375, %add3A_382 : vector<512x256xf32>
    %add3A_384 = arith.addf %add3A_379, %mul3A_383 : vector<512x256xf32>
    %tanh3A_385 = math.tanh %add3A_384 : vector<512x256xf32>
    %sub3A_386 = arith.subf %add3A_320, %tanh3A_385 : vector<512x256xf32>
    %mul3A_387 = arith.mulf %slice3A_376, %sub3A_386 : vector<512x256xf32>
    %add3A_388 = arith.addf %tanh3A_385, %mul3A_387 : vector<512x256xf32>
    %get3A_389 = arith.constant 5 : index
    %get3A_390 = arith.constant 512 : index
    %get3A_391 = arith.constant 0 : index
    %get3A_392 = vector.load %arg1[%get3A_389, %get3A_390, %get3A_391] : memref<8x1024x16xf32, #tpu.memory_space<vmem>>, vector<1x512x16xf32>
    %get3A_393 = vector.shape_cast %get3A_392 : vector<1x512x16xf32> to vector<512x16xf32>
    %dot_general3A_394 = arith.constant dense<0.000000e+00> : vector<512x768xf32>
    %dot_general3A_395 = tpu.matmul %get3A_393, %get3A_3, %dot_general3A_394 {dimension_numbers = #tpu.dot_dimension_numbers<[1], [0], [0], [1], [0, 0, 1, 1], [], []>, transpose_lhs_hint = false} : vector<512x16xf32>, vector<16x768xf32>, vector<512x768xf32> -> vector<512x768xf32>
    %dot_general3A_396 = arith.constant dense<0.000000e+00> : vector<512x768xf32>
    %dot_general3A_397 = tpu.matmul %add3A_354, %get3A_6, %dot_general3A_396 {dimension_numbers = #tpu.dot_dimension_numbers<[1], [0], [0], [1], [0, 0, 1, 1], [], []>, transpose_lhs_hint = false} : vector<512x256xf32>, vector<256x768xf32>, vector<512x768xf32> -> vector<512x768xf32>
    %slice3A_398 = vector.extract_strided_slice %dot_general3A_395 {offsets = [0, 0], sizes = [512, 512], strides = [1, 1]} : vector<512x768xf32> to vector<512x512xf32>
    %slice3A_399 = vector.extract_strided_slice %dot_general3A_397 {offsets = [0, 0], sizes = [512, 512], strides = [1, 1]} : vector<512x768xf32> to vector<512x512xf32>
    %add3A_400 = arith.addf %slice3A_398, %slice3A_399 : vector<512x512xf32>
    %add3A_401 = vector.broadcast %get3A_9 : vector<1x512xf32> to vector<512x512xf32>
    %add3A_402 = arith.addf %add3A_400, %add3A_401 : vector<512x512xf32>
    %logistic3A_403 = arith.negf %add3A_402 : vector<512x512xf32>
    %logistic3A_404 = math.exp %logistic3A_403 : vector<512x512xf32>
    %logistic3A_405 = arith.constant 1.000000e+00 : f32
    %logistic3A_406 = vector.broadcast %logistic3A_405 : f32 to vector<512x512xf32>
    %logistic3A_407 = arith.addf %logistic3A_406, %logistic3A_404 : vector<512x512xf32>
    %logistic3A_408 = arith.divf %logistic3A_406, %logistic3A_407 : vector<512x512xf32>
    %slice3A_409 = vector.extract_strided_slice %logistic3A_408 {offsets = [0, 0], sizes = [512, 256], strides = [1, 1]} : vector<512x512xf32> to vector<512x256xf32>
    %slice3A_410 = vector.extract_strided_slice %logistic3A_408 {offsets = [0, 256], sizes = [512, 256], strides = [1, 1]} : vector<512x512xf32> to vector<512x256xf32>
    %slice3A_411 = vector.extract_strided_slice %dot_general3A_395 {offsets = [0, 512], sizes = [512, 256], strides = [1, 1]} : vector<512x768xf32> to vector<512x256xf32>
    %add3A_412 = vector.broadcast %get3A_12 : vector<1x256xf32> to vector<512x256xf32>
    %add3A_413 = arith.addf %slice3A_411, %add3A_412 : vector<512x256xf32>
    %slice3A_414 = vector.extract_strided_slice %dot_general3A_397 {offsets = [0, 512], sizes = [512, 256], strides = [1, 1]} : vector<512x768xf32> to vector<512x256xf32>
    %add3A_415 = vector.broadcast %get3A_15 : vector<1x256xf32> to vector<512x256xf32>
    %add3A_416 = arith.addf %slice3A_414, %add3A_415 : vector<512x256xf32>
    %mul3A_417 = arith.mulf %slice3A_409, %add3A_416 : vector<512x256xf32>
    %add3A_418 = arith.addf %add3A_413, %mul3A_417 : vector<512x256xf32>
    %tanh3A_419 = math.tanh %add3A_418 : vector<512x256xf32>
    %sub3A_420 = arith.subf %add3A_354, %tanh3A_419 : vector<512x256xf32>
    %mul3A_421 = arith.mulf %slice3A_410, %sub3A_420 : vector<512x256xf32>
    %add3A_422 = arith.addf %tanh3A_419, %mul3A_421 : vector<512x256xf32>
    %get3A_423 = arith.constant 6 : index
    %get3A_424 = arith.constant 0 : index
    %get3A_425 = arith.constant 0 : index
    %get3A_426 = vector.load %arg1[%get3A_423, %get3A_424, %get3A_425] : memref<8x1024x16xf32, #tpu.memory_space<vmem>>, vector<1x512x16xf32>
    %get3A_427 = vector.shape_cast %get3A_426 : vector<1x512x16xf32> to vector<512x16xf32>
    %dot_general3A_428 = arith.constant dense<0.000000e+00> : vector<512x768xf32>
    %dot_general3A_429 = tpu.matmul %get3A_427, %get3A_3, %dot_general3A_428 {dimension_numbers = #tpu.dot_dimension_numbers<[1], [0], [0], [1], [0, 0, 1, 1], [], []>, transpose_lhs_hint = false} : vector<512x16xf32>, vector<16x768xf32>, vector<512x768xf32> -> vector<512x768xf32>
    %dot_general3A_430 = arith.constant dense<0.000000e+00> : vector<512x768xf32>
    %dot_general3A_431 = tpu.matmul %add3A_388, %get3A_6, %dot_general3A_430 {dimension_numbers = #tpu.dot_dimension_numbers<[1], [0], [0], [1], [0, 0, 1, 1], [], []>, transpose_lhs_hint = false} : vector<512x256xf32>, vector<256x768xf32>, vector<512x768xf32> -> vector<512x768xf32>
    %slice3A_432 = vector.extract_strided_slice %dot_general3A_429 {offsets = [0, 0], sizes = [512, 512], strides = [1, 1]} : vector<512x768xf32> to vector<512x512xf32>
    %slice3A_433 = vector.extract_strided_slice %dot_general3A_431 {offsets = [0, 0], sizes = [512, 512], strides = [1, 1]} : vector<512x768xf32> to vector<512x512xf32>
    %add3A_434 = arith.addf %slice3A_432, %slice3A_433 : vector<512x512xf32>
    %add3A_435 = vector.broadcast %get3A_9 : vector<1x512xf32> to vector<512x512xf32>
    %add3A_436 = arith.addf %add3A_434, %add3A_435 : vector<512x512xf32>
    %logistic3A_437 = arith.negf %add3A_436 : vector<512x512xf32>
    %logistic3A_438 = math.exp %logistic3A_437 : vector<512x512xf32>
    %logistic3A_439 = arith.constant 1.000000e+00 : f32
    %logistic3A_440 = vector.broadcast %logistic3A_439 : f32 to vector<512x512xf32>
    %logistic3A_441 = arith.addf %logistic3A_440, %logistic3A_438 : vector<512x512xf32>
    %logistic3A_442 = arith.divf %logistic3A_440, %logistic3A_441 : vector<512x512xf32>
    %slice3A_443 = vector.extract_strided_slice %logistic3A_442 {offsets = [0, 0], sizes = [512, 256], strides = [1, 1]} : vector<512x512xf32> to vector<512x256xf32>
    %slice3A_444 = vector.extract_strided_slice %logistic3A_442 {offsets = [0, 256], sizes = [512, 256], strides = [1, 1]} : vector<512x512xf32> to vector<512x256xf32>
    %slice3A_445 = vector.extract_strided_slice %dot_general3A_429 {offsets = [0, 512], sizes = [512, 256], strides = [1, 1]} : vector<512x768xf32> to vector<512x256xf32>
    %add3A_446 = vector.broadcast %get3A_12 : vector<1x256xf32> to vector<512x256xf32>
    %add3A_447 = arith.addf %slice3A_445, %add3A_446 : vector<512x256xf32>
    %slice3A_448 = vector.extract_strided_slice %dot_general3A_431 {offsets = [0, 512], sizes = [512, 256], strides = [1, 1]} : vector<512x768xf32> to vector<512x256xf32>
    %add3A_449 = vector.broadcast %get3A_15 : vector<1x256xf32> to vector<512x256xf32>
    %add3A_450 = arith.addf %slice3A_448, %add3A_449 : vector<512x256xf32>
    %mul3A_451 = arith.mulf %slice3A_443, %add3A_450 : vector<512x256xf32>
    %add3A_452 = arith.addf %add3A_447, %mul3A_451 : vector<512x256xf32>
    %tanh3A_453 = math.tanh %add3A_452 : vector<512x256xf32>
    %sub3A_454 = arith.subf %add3A_388, %tanh3A_453 : vector<512x256xf32>
    %mul3A_455 = arith.mulf %slice3A_444, %sub3A_454 : vector<512x256xf32>
    %add3A_456 = arith.addf %tanh3A_453, %mul3A_455 : vector<512x256xf32>
    %get3A_457 = arith.constant 6 : index
    %get3A_458 = arith.constant 512 : index
    %get3A_459 = arith.constant 0 : index
    %get3A_460 = vector.load %arg1[%get3A_457, %get3A_458, %get3A_459] : memref<8x1024x16xf32, #tpu.memory_space<vmem>>, vector<1x512x16xf32>
    %get3A_461 = vector.shape_cast %get3A_460 : vector<1x512x16xf32> to vector<512x16xf32>
    %dot_general3A_462 = arith.constant dense<0.000000e+00> : vector<512x768xf32>
    %dot_general3A_463 = tpu.matmul %get3A_461, %get3A_3, %dot_general3A_462 {dimension_numbers = #tpu.dot_dimension_numbers<[1], [0], [0], [1], [0, 0, 1, 1], [], []>, transpose_lhs_hint = false} : vector<512x16xf32>, vector<16x768xf32>, vector<512x768xf32> -> vector<512x768xf32>
    %dot_general3A_464 = arith.constant dense<0.000000e+00> : vector<512x768xf32>
    %dot_general3A_465 = tpu.matmul %add3A_422, %get3A_6, %dot_general3A_464 {dimension_numbers = #tpu.dot_dimension_numbers<[1], [0], [0], [1], [0, 0, 1, 1], [], []>, transpose_lhs_hint = false} : vector<512x256xf32>, vector<256x768xf32>, vector<512x768xf32> -> vector<512x768xf32>
    %slice3A_466 = vector.extract_strided_slice %dot_general3A_463 {offsets = [0, 0], sizes = [512, 512], strides = [1, 1]} : vector<512x768xf32> to vector<512x512xf32>
    %slice3A_467 = vector.extract_strided_slice %dot_general3A_465 {offsets = [0, 0], sizes = [512, 512], strides = [1, 1]} : vector<512x768xf32> to vector<512x512xf32>
    %add3A_468 = arith.addf %slice3A_466, %slice3A_467 : vector<512x512xf32>
    %add3A_469 = vector.broadcast %get3A_9 : vector<1x512xf32> to vector<512x512xf32>
    %add3A_470 = arith.addf %add3A_468, %add3A_469 : vector<512x512xf32>
    %logistic3A_471 = arith.negf %add3A_470 : vector<512x512xf32>
    %logistic3A_472 = math.exp %logistic3A_471 : vector<512x512xf32>
    %logistic3A_473 = arith.constant 1.000000e+00 : f32
    %logistic3A_474 = vector.broadcast %logistic3A_473 : f32 to vector<512x512xf32>
    %logistic3A_475 = arith.addf %logistic3A_474, %logistic3A_472 : vector<512x512xf32>
    %logistic3A_476 = arith.divf %logistic3A_474, %logistic3A_475 : vector<512x512xf32>
    %slice3A_477 = vector.extract_strided_slice %logistic3A_476 {offsets = [0, 0], sizes = [512, 256], strides = [1, 1]} : vector<512x512xf32> to vector<512x256xf32>
    %slice3A_478 = vector.extract_strided_slice %logistic3A_476 {offsets = [0, 256], sizes = [512, 256], strides = [1, 1]} : vector<512x512xf32> to vector<512x256xf32>
    %slice3A_479 = vector.extract_strided_slice %dot_general3A_463 {offsets = [0, 512], sizes = [512, 256], strides = [1, 1]} : vector<512x768xf32> to vector<512x256xf32>
    %add3A_480 = vector.broadcast %get3A_12 : vector<1x256xf32> to vector<512x256xf32>
    %add3A_481 = arith.addf %slice3A_479, %add3A_480 : vector<512x256xf32>
    %slice3A_482 = vector.extract_strided_slice %dot_general3A_465 {offsets = [0, 512], sizes = [512, 256], strides = [1, 1]} : vector<512x768xf32> to vector<512x256xf32>
    %add3A_483 = vector.broadcast %get3A_15 : vector<1x256xf32> to vector<512x256xf32>
    %add3A_484 = arith.addf %slice3A_482, %add3A_483 : vector<512x256xf32>
    %mul3A_485 = arith.mulf %slice3A_477, %add3A_484 : vector<512x256xf32>
    %add3A_486 = arith.addf %add3A_481, %mul3A_485 : vector<512x256xf32>
    %tanh3A_487 = math.tanh %add3A_486 : vector<512x256xf32>
    %sub3A_488 = arith.subf %add3A_422, %tanh3A_487 : vector<512x256xf32>
    %mul3A_489 = arith.mulf %slice3A_478, %sub3A_488 : vector<512x256xf32>
    %add3A_490 = arith.addf %tanh3A_487, %mul3A_489 : vector<512x256xf32>
    %get3A_491 = arith.constant 7 : index
    %get3A_492 = arith.constant 0 : index
    %get3A_493 = arith.constant 0 : index
    %get3A_494 = vector.load %arg1[%get3A_491, %get3A_492, %get3A_493] : memref<8x1024x16xf32, #tpu.memory_space<vmem>>, vector<1x512x16xf32>
    %get3A_495 = vector.shape_cast %get3A_494 : vector<1x512x16xf32> to vector<512x16xf32>
    %dot_general3A_496 = arith.constant dense<0.000000e+00> : vector<512x768xf32>
    %dot_general3A_497 = tpu.matmul %get3A_495, %get3A_3, %dot_general3A_496 {dimension_numbers = #tpu.dot_dimension_numbers<[1], [0], [0], [1], [0, 0, 1, 1], [], []>, transpose_lhs_hint = false} : vector<512x16xf32>, vector<16x768xf32>, vector<512x768xf32> -> vector<512x768xf32>
    %dot_general3A_498 = arith.constant dense<0.000000e+00> : vector<512x768xf32>
    %dot_general3A_499 = tpu.matmul %add3A_456, %get3A_6, %dot_general3A_498 {dimension_numbers = #tpu.dot_dimension_numbers<[1], [0], [0], [1], [0, 0, 1, 1], [], []>, transpose_lhs_hint = false} : vector<512x256xf32>, vector<256x768xf32>, vector<512x768xf32> -> vector<512x768xf32>
    %slice3A_500 = vector.extract_strided_slice %dot_general3A_497 {offsets = [0, 0], sizes = [512, 512], strides = [1, 1]} : vector<512x768xf32> to vector<512x512xf32>
    %slice3A_501 = vector.extract_strided_slice %dot_general3A_499 {offsets = [0, 0], sizes = [512, 512], strides = [1, 1]} : vector<512x768xf32> to vector<512x512xf32>
    %add3A_502 = arith.addf %slice3A_500, %slice3A_501 : vector<512x512xf32>
    %add3A_503 = vector.broadcast %get3A_9 : vector<1x512xf32> to vector<512x512xf32>
    %add3A_504 = arith.addf %add3A_502, %add3A_503 : vector<512x512xf32>
    %logistic3A_505 = arith.negf %add3A_504 : vector<512x512xf32>
    %logistic3A_506 = math.exp %logistic3A_505 : vector<512x512xf32>
    %logistic3A_507 = arith.constant 1.000000e+00 : f32
    %logistic3A_508 = vector.broadcast %logistic3A_507 : f32 to vector<512x512xf32>
    %logistic3A_509 = arith.addf %logistic3A_508, %logistic3A_506 : vector<512x512xf32>
    %logistic3A_510 = arith.divf %logistic3A_508, %logistic3A_509 : vector<512x512xf32>
    %slice3A_511 = vector.extract_strided_slice %logistic3A_510 {offsets = [0, 0], sizes = [512, 256], strides = [1, 1]} : vector<512x512xf32> to vector<512x256xf32>
    %slice3A_512 = vector.extract_strided_slice %logistic3A_510 {offsets = [0, 256], sizes = [512, 256], strides = [1, 1]} : vector<512x512xf32> to vector<512x256xf32>
    %slice3A_513 = vector.extract_strided_slice %dot_general3A_497 {offsets = [0, 512], sizes = [512, 256], strides = [1, 1]} : vector<512x768xf32> to vector<512x256xf32>
    %add3A_514 = vector.broadcast %get3A_12 : vector<1x256xf32> to vector<512x256xf32>
    %add3A_515 = arith.addf %slice3A_513, %add3A_514 : vector<512x256xf32>
    %slice3A_516 = vector.extract_strided_slice %dot_general3A_499 {offsets = [0, 512], sizes = [512, 256], strides = [1, 1]} : vector<512x768xf32> to vector<512x256xf32>
    %add3A_517 = vector.broadcast %get3A_15 : vector<1x256xf32> to vector<512x256xf32>
    %add3A_518 = arith.addf %slice3A_516, %add3A_517 : vector<512x256xf32>
    %mul3A_519 = arith.mulf %slice3A_511, %add3A_518 : vector<512x256xf32>
    %add3A_520 = arith.addf %add3A_515, %mul3A_519 : vector<512x256xf32>
    %tanh3A_521 = math.tanh %add3A_520 : vector<512x256xf32>
    %sub3A_522 = arith.subf %add3A_456, %tanh3A_521 : vector<512x256xf32>
    %mul3A_523 = arith.mulf %slice3A_512, %sub3A_522 : vector<512x256xf32>
    %add3A_524 = arith.addf %tanh3A_521, %mul3A_523 : vector<512x256xf32>
    %get3A_525 = arith.constant 7 : index
    %get3A_526 = arith.constant 512 : index
    %get3A_527 = arith.constant 0 : index
    %get3A_528 = vector.load %arg1[%get3A_525, %get3A_526, %get3A_527] : memref<8x1024x16xf32, #tpu.memory_space<vmem>>, vector<1x512x16xf32>
    %get3A_529 = vector.shape_cast %get3A_528 : vector<1x512x16xf32> to vector<512x16xf32>
    %dot_general3A_530 = arith.constant dense<0.000000e+00> : vector<512x768xf32>
    %dot_general3A_531 = tpu.matmul %get3A_529, %get3A_3, %dot_general3A_530 {dimension_numbers = #tpu.dot_dimension_numbers<[1], [0], [0], [1], [0, 0, 1, 1], [], []>, transpose_lhs_hint = false} : vector<512x16xf32>, vector<16x768xf32>, vector<512x768xf32> -> vector<512x768xf32>
    %dot_general3A_532 = arith.constant dense<0.000000e+00> : vector<512x768xf32>
    %dot_general3A_533 = tpu.matmul %add3A_490, %get3A_6, %dot_general3A_532 {dimension_numbers = #tpu.dot_dimension_numbers<[1], [0], [0], [1], [0, 0, 1, 1], [], []>, transpose_lhs_hint = false} : vector<512x256xf32>, vector<256x768xf32>, vector<512x768xf32> -> vector<512x768xf32>
    %slice3A_534 = vector.extract_strided_slice %dot_general3A_531 {offsets = [0, 0], sizes = [512, 512], strides = [1, 1]} : vector<512x768xf32> to vector<512x512xf32>
    %slice3A_535 = vector.extract_strided_slice %dot_general3A_533 {offsets = [0, 0], sizes = [512, 512], strides = [1, 1]} : vector<512x768xf32> to vector<512x512xf32>
    %add3A_536 = arith.addf %slice3A_534, %slice3A_535 : vector<512x512xf32>
    %add3A_537 = vector.broadcast %get3A_9 : vector<1x512xf32> to vector<512x512xf32>
    %add3A_538 = arith.addf %add3A_536, %add3A_537 : vector<512x512xf32>
    %logistic3A_539 = arith.negf %add3A_538 : vector<512x512xf32>
    %logistic3A_540 = math.exp %logistic3A_539 : vector<512x512xf32>
    %logistic3A_541 = arith.constant 1.000000e+00 : f32
    %logistic3A_542 = vector.broadcast %logistic3A_541 : f32 to vector<512x512xf32>
    %logistic3A_543 = arith.addf %logistic3A_542, %logistic3A_540 : vector<512x512xf32>
    %logistic3A_544 = arith.divf %logistic3A_542, %logistic3A_543 : vector<512x512xf32>
    %slice3A_545 = vector.extract_strided_slice %logistic3A_544 {offsets = [0, 0], sizes = [512, 256], strides = [1, 1]} : vector<512x512xf32> to vector<512x256xf32>
    %slice3A_546 = vector.extract_strided_slice %logistic3A_544 {offsets = [0, 256], sizes = [512, 256], strides = [1, 1]} : vector<512x512xf32> to vector<512x256xf32>
    %slice3A_547 = vector.extract_strided_slice %dot_general3A_531 {offsets = [0, 512], sizes = [512, 256], strides = [1, 1]} : vector<512x768xf32> to vector<512x256xf32>
    %add3A_548 = vector.broadcast %get3A_12 : vector<1x256xf32> to vector<512x256xf32>
    %add3A_549 = arith.addf %slice3A_547, %add3A_548 : vector<512x256xf32>
    %slice3A_550 = vector.extract_strided_slice %dot_general3A_533 {offsets = [0, 512], sizes = [512, 256], strides = [1, 1]} : vector<512x768xf32> to vector<512x256xf32>
    %add3A_551 = vector.broadcast %get3A_15 : vector<1x256xf32> to vector<512x256xf32>
    %add3A_552 = arith.addf %slice3A_550, %add3A_551 : vector<512x256xf32>
    %mul3A_553 = arith.mulf %slice3A_545, %add3A_552 : vector<512x256xf32>
    %add3A_554 = arith.addf %add3A_549, %mul3A_553 : vector<512x256xf32>
    %tanh3A_555 = math.tanh %add3A_554 : vector<512x256xf32>
    %sub3A_556 = arith.subf %add3A_490, %tanh3A_555 : vector<512x256xf32>
    %mul3A_557 = arith.mulf %slice3A_546, %sub3A_556 : vector<512x256xf32>
    %add3A_558 = arith.addf %tanh3A_555, %mul3A_557 : vector<512x256xf32>
    %swap3A = arith.constant 0 : index
    %swap3A_559 = arith.constant 0 : index
    %swap3A_560 = vector.load %arg14[%swap3A, %swap3A_559] : memref<512x256xf32, #tpu.memory_space<vmem>>, vector<512x256xf32>
    tpu.vector_store %arg14[%swap3A, %swap3A_559], %add3A_524 {strides = array<i32>} : memref<512x256xf32, #tpu.memory_space<vmem>>, vector<512x256xf32>,
    %swap3A_561 = arith.constant 0 : index
    %swap3A_562 = arith.constant 0 : index
    %swap3A_563 = vector.load %arg15[%swap3A_561, %swap3A_562] : memref<512x256xf32, #tpu.memory_space<vmem>>, vector<512x256xf32>
    tpu.vector_store %arg15[%swap3A_561, %swap3A_562], %add3A_558 {strides = array<i32>} : memref<512x256xf32, #tpu.memory_space<vmem>>, vector<512x256xf32>,
    %eq3A_564 = arith.constant 11 : i32
    %eq3A_565 = arith.cmpi eq, %arg0, %eq3A_564 : i32
    %convert_element_type3A_566 = arith.extui %eq3A_565 : i1 to i32
    %cond3A_567 = arith.constant 0 : i32
    %cond3A_568 = arith.cmpi ne, %convert_element_type3A_566, %cond3A_567 : i32
    scf.if %cond3A_568 {
      %swap3A_569 = arith.constant 0 : index
      %swap3A_570 = arith.constant 0 : index
      %swap3A_571 = vector.load %arg13[%swap3A_569, %swap3A_570] : memref<1024x256xf32, #tpu.memory_space<vmem>>, vector<512x256xf32>
      tpu.vector_store %arg13[%swap3A_569, %swap3A_570], %add3A_524 {strides = array<i32>} : memref<1024x256xf32, #tpu.memory_space<vmem>>, vector<512x256xf32>,
      %swap3A_572 = arith.constant 512 : index
      %swap3A_573 = arith.constant 0 : index
      %swap3A_574 = vector.load %arg13[%swap3A_572, %swap3A_573] : memref<1024x256xf32, #tpu.memory_space<vmem>>, vector<512x256xf32>
      tpu.vector_store %arg13[%swap3A_572, %swap3A_573], %add3A_558 {strides = array<i32>} : memref<1024x256xf32, #tpu.memory_space<vmem>>, vector<512x256xf32>,
    } else {
    }
    return
  }
  func.func @transform_0(%arg0: i32) -> (i32, i32, i32) {
    %c0_i32 = arith.constant 0 : i32
    %c0_i32_0 = arith.constant 0 : i32
    %c0_i32_1 = arith.constant 0 : i32
    return %arg0, %c0_i32, %c0_i32_0 : i32, i32, i32
  }
  func.func @transform_1(%arg0: i32) -> (i32, i32) {
    %c0_i32 = arith.constant 0 : i32
    %c0_i32_0 = arith.constant 0 : i32
    %c0_i32_1 = arith.constant 0 : i32
    return %c0_i32, %c0_i32_0 : i32, i32
  }
  func.func @transform_2(%arg0: i32) -> (i32, i32) {
    %c0_i32 = arith.constant 0 : i32
    %c0_i32_0 = arith.constant 0 : i32
    %c0_i32_1 = arith.constant 0 : i32
    return %c0_i32, %c0_i32_0 : i32, i32
  }
  func.func @transform_3(%arg0: i32) -> (i32, i32) {
    %c0_i32 = arith.constant 0 : i32
    %c0_i32_0 = arith.constant 0 : i32
    %c0_i32_1 = arith.constant 0 : i32
    return %c0_i32, %c0_i32_0 : i32, i32
  }
  func.func @transform_4(%arg0: i32) -> (i32, i32) {
    %c0_i32 = arith.constant 0 : i32
    %c0_i32_0 = arith.constant 0 : i32
    %c0_i32_1 = arith.constant 0 : i32
    return %c0_i32, %c0_i32_0 : i32, i32
  }
  func.func @transform_5(%arg0: i32) -> (i32, i32) {
    %c0_i32 = arith.constant 0 : i32
    %c0_i32_0 = arith.constant 0 : i32
    %c0_i32_1 = arith.constant 0 : i32
    return %c0_i32, %c0_i32_0 : i32, i32
  }
  func.func @transform_6(%arg0: i32) -> (i32, i32) {
    %c0_i32 = arith.constant 0 : i32
    %c0_i32_0 = arith.constant 0 : i32
    %c0_i32_1 = arith.constant 0 : i32
    return %c0_i32, %c0_i32_0 : i32, i32
  }
  func.func @transform_7(%arg0: i32) -> (i32, i32) {
    %c0_i32 = arith.constant 0 : i32
    %c0_i32_0 = arith.constant 0 : i32
    %c0_i32_1 = arith.constant 0 : i32
    return %c0_i32, %c0_i32_0 : i32, i32
  }
  func.func @transform_8(%arg0: i32) -> (i32, i32) {
    %c0_i32 = arith.constant 0 : i32
    %c0_i32_0 = arith.constant 0 : i32
    %c0_i32_1 = arith.constant 0 : i32
    return %c0_i32, %c0_i32_0 : i32, i32
  }
  func.func @transform_9(%arg0: i32) -> (i32, i32) {
    %c0_i32 = arith.constant 0 : i32
    %c0_i32_0 = arith.constant 0 : i32
    %c0_i32_1 = arith.constant 0 : i32
    return %c0_i32, %c0_i32_0 : i32, i32
  }
  func.func @transform_10(%arg0: i32) -> (i32, i32) {
    %c0_i32 = arith.constant 0 : i32
    %c0_i32_0 = arith.constant 0 : i32
    %c0_i32_1 = arith.constant 0 : i32
    return %c0_i32, %c0_i32_0 : i32, i32
  }
  func.func @transform_11(%arg0: i32) -> (i32, i32) {
    %c0_i32 = arith.constant 0 : i32
    %c0_i32_0 = arith.constant 0 : i32
    %c0_i32_1 = arith.constant 0 : i32
    return %c0_i32, %c0_i32_0 : i32, i32
  }
  func.func @transform_12(%arg0: i32) -> (i32, i32) {
    %c0_i32 = arith.constant 0 : i32
    %c0_i32_0 = arith.constant 0 : i32
    %c0_i32_1 = arith.constant 0 : i32
    return %c0_i32, %c0_i32_0 : i32, i32
  }
}

module attributes {stable_mosaic.version = 14 : i64} {
  func.func @_b2_body(%arg0: i32, %arg1: memref<1x512x256xf32, #tpu.memory_space<vmem>>, %arg2: memref<1x512x256xf32, #tpu.memory_space<vmem>>, %arg3: memref<16x512x16xf32, #tpu.memory_space<vmem>>, %arg4: memref<1x1x768xf32, #tpu.memory_space<vmem>>, %arg5: memref<1x4x1x64xf32, #tpu.memory_space<vmem>>, %arg6: memref<768x256xf32, #tpu.memory_space<vmem>>, %arg7: memref<1x256xf32, #tpu.memory_space<vmem>>, %arg8: memref<256x3xf32, #tpu.memory_space<vmem>>, %arg9: memref<1x3xf32, #tpu.memory_space<vmem>>, %arg10: memref<768x128xf32, #tpu.memory_space<vmem>>, %arg11: memref<1x128xf32, #tpu.memory_space<vmem>>, %arg12: memref<128x1xf32, #tpu.memory_space<vmem>>, %arg13: memref<1x1xf32, #tpu.memory_space<vmem>>, %arg14: memref<256x256xf32, #tpu.memory_space<vmem>>, %arg15: memref<1x256xf32, #tpu.memory_space<vmem>>, %arg16: memref<256x256xf32, #tpu.memory_space<vmem>>, %arg17: memref<1x256xf32, #tpu.memory_space<vmem>>, %arg18: memref<512x256xf32, #tpu.memory_space<vmem>>, %arg19: memref<1x256xf32, #tpu.memory_space<vmem>>, %arg20: memref<256x1xf32, #tpu.memory_space<vmem>>, %arg21: memref<1x1xf32, #tpu.memory_space<vmem>>, %arg22: memref<1x512x1xf32, #tpu.memory_space<vmem>>, %arg23: memref<1x1x1xf32, #tpu.memory_space<vmem>>, %arg24: memref<1x1x1xf32, #tpu.memory_space<vmem>>, %arg25: memref<1x1x1xf32, #tpu.memory_space<vmem>>, %arg26: memref<1x1x1xf32, #tpu.memory_space<vmem>>) attributes {dimension_semantics = [#tpu.dimension_semantics<arbitrary>], iteration_bounds = array<i64: 2>, scalar_prefetch = 0 : i64, scratch_operands = 0 : i64, tpu.core_type = #tpu.core_type<tc>, window_params = [{transform_indices = @transform_0, window_bounds = array<i64: 1, 512, 256>}, {transform_indices = @transform_1, window_bounds = array<i64: 1, 512, 256>}, {transform_indices = @transform_2, window_bounds = array<i64: 16, 512, 16>}, {transform_indices = @transform_3, window_bounds = array<i64: 1, 1, 768>}, {transform_indices = @transform_4, window_bounds = array<i64: 1, 4, 1, 64>}, {pipeline_mode = #tpu.pipeline_mode<synchronous>, transform_indices = @transform_5, window_bounds = array<i64: 768, 256>}, {pipeline_mode = #tpu.pipeline_mode<synchronous>, transform_indices = @transform_6, window_bounds = array<i64: 1, 256>}, {pipeline_mode = #tpu.pipeline_mode<synchronous>, transform_indices = @transform_7, window_bounds = array<i64: 256, 3>}, {pipeline_mode = #tpu.pipeline_mode<synchronous>, transform_indices = @transform_8, window_bounds = array<i64: 1, 3>}, {pipeline_mode = #tpu.pipeline_mode<synchronous>, transform_indices = @transform_9, window_bounds = array<i64: 768, 128>}, {pipeline_mode = #tpu.pipeline_mode<synchronous>, transform_indices = @transform_10, window_bounds = array<i64: 1, 128>}, {pipeline_mode = #tpu.pipeline_mode<synchronous>, transform_indices = @transform_11, window_bounds = array<i64: 128, 1>}, {pipeline_mode = #tpu.pipeline_mode<synchronous>, transform_indices = @transform_12, window_bounds = array<i64: 1, 1>}, {pipeline_mode = #tpu.pipeline_mode<synchronous>, transform_indices = @transform_13, window_bounds = array<i64: 256, 256>}, {pipeline_mode = #tpu.pipeline_mode<synchronous>, transform_indices = @transform_14, window_bounds = array<i64: 1, 256>}, {pipeline_mode = #tpu.pipeline_mode<synchronous>, transform_indices = @transform_15, window_bounds = array<i64: 256, 256>}, {pipeline_mode = #tpu.pipeline_mode<synchronous>, transform_indices = @transform_16, window_bounds = array<i64: 1, 256>}, {pipeline_mode = #tpu.pipeline_mode<synchronous>, transform_indices = @transform_17, window_bounds = array<i64: 512, 256>}, {pipeline_mode = #tpu.pipeline_mode<synchronous>, transform_indices = @transform_18, window_bounds = array<i64: 1, 256>}, {pipeline_mode = #tpu.pipeline_mode<synchronous>, transform_indices = @transform_19, window_bounds = array<i64: 256, 1>}, {pipeline_mode = #tpu.pipeline_mode<synchronous>, transform_indices = @transform_20, window_bounds = array<i64: 1, 1>}, {transform_indices = @transform_21, window_bounds = array<i64: 1, 512, 1>}, {transform_indices = @transform_22, window_bounds = array<i64: 1, 1, 1>}, {transform_indices = @transform_23, window_bounds = array<i64: 1, 1, 1>}, {transform_indices = @transform_24, window_bounds = array<i64: 1, 1, 1>}, {transform_indices = @transform_25, window_bounds = array<i64: 1, 1, 1>}]} {
    %get3A = arith.constant 0 : index
    %get3A_0 = arith.constant 0 : index
    %get3A_1 = arith.constant 0 : index
    %get3A_2 = vector.load %arg1[%get3A, %get3A_0, %get3A_1] : memref<1x512x256xf32, #tpu.memory_space<vmem>>, vector<1x512x256xf32>
    %get3A_3 = vector.shape_cast %get3A_2 : vector<1x512x256xf32> to vector<512x256xf32>
    %get3A_4 = arith.constant 0 : index
    %get3A_5 = arith.constant 0 : index
    %get3A_6 = arith.constant 0 : index
    %get3A_7 = vector.load %arg2[%get3A_4, %get3A_5, %get3A_6] : memref<1x512x256xf32, #tpu.memory_space<vmem>>, vector<1x512x256xf32>
    %get3A_8 = vector.shape_cast %get3A_7 : vector<1x512x256xf32> to vector<512x256xf32>
    %get3A_9 = arith.constant 0 : index
    %get3A_10 = arith.constant 0 : index
    %get3A_11 = arith.constant 0 : index
    %get3A_12 = vector.load %arg4[%get3A_9, %get3A_10, %get3A_11] : memref<1x1x768xf32, #tpu.memory_space<vmem>>, vector<1x1x768xf32>
    %get3A_13 = vector.shape_cast %get3A_12 : vector<1x1x768xf32> to vector<1x768xf32>
    %get3A_14 = arith.constant 0 : index
    %get3A_15 = arith.constant 0 : index
    %get3A_16 = arith.constant 0 : index
    %get3A_17 = vector.load %arg3[%get3A_14, %get3A_15, %get3A_16] : memref<16x512x16xf32, #tpu.memory_space<vmem>>, vector<1x512x16xf32>
    %get3A_18 = vector.shape_cast %get3A_17 : vector<1x512x16xf32> to vector<512x16xf32>
    %get3A_19 = arith.constant 1 : index
    %get3A_20 = arith.constant 0 : index
    %get3A_21 = arith.constant 0 : index
    %get3A_22 = vector.load %arg3[%get3A_19, %get3A_20, %get3A_21] : memref<16x512x16xf32, #tpu.memory_space<vmem>>, vector<1x512x16xf32>
    %get3A_23 = vector.shape_cast %get3A_22 : vector<1x512x16xf32> to vector<512x16xf32>
    %get3A_24 = arith.constant 2 : index
    %get3A_25 = arith.constant 0 : index
    %get3A_26 = arith.constant 0 : index
    %get3A_27 = vector.load %arg3[%get3A_24, %get3A_25, %get3A_26] : memref<16x512x16xf32, #tpu.memory_space<vmem>>, vector<1x512x16xf32>
    %get3A_28 = vector.shape_cast %get3A_27 : vector<1x512x16xf32> to vector<512x16xf32>
    %get3A_29 = arith.constant 3 : index
    %get3A_30 = arith.constant 0 : index
    %get3A_31 = arith.constant 0 : index
    %get3A_32 = vector.load %arg3[%get3A_29, %get3A_30, %get3A_31] : memref<16x512x16xf32, #tpu.memory_space<vmem>>, vector<1x512x16xf32>
    %get3A_33 = vector.shape_cast %get3A_32 : vector<1x512x16xf32> to vector<512x16xf32>
    %concatenate3A = tpu.concatenate %get3A_18, %get3A_23, %get3A_28, %get3A_33 in 1 : vector<512x16xf32>, vector<512x16xf32>, vector<512x16xf32>, vector<512x16xf32> -> vector<512x64xf32>
    %get3A_34 = arith.constant 0 : index
    %get3A_35 = arith.constant 0 : index
    %get3A_36 = arith.constant 0 : index
    %get3A_37 = arith.constant 0 : index
    %get3A_38 = vector.load %arg5[%get3A_34, %get3A_35, %get3A_36, %get3A_37] : memref<1x4x1x64xf32, #tpu.memory_space<vmem>>, vector<1x1x1x64xf32>
    %get3A_39 = vector.shape_cast %get3A_38 : vector<1x1x1x64xf32> to vector<1x64xf32>
    %ge3A = vector.broadcast %get3A_39 : vector<1x64xf32> to vector<512x64xf32>
    %ge3A_40 = arith.cmpf oge, %concatenate3A, %ge3A : vector<512x64xf32>
    %convert_element_type3A = arith.extui %ge3A_40 : vector<512x64xi1> to vector<512x64xi32>
    %convert_element_type3A_41 = arith.sitofp %convert_element_type3A : vector<512x64xi32> to vector<512x64xf32>
    %reduce_max3A = arith.constant dense<0xFF800000> : vector<64xf32>
    %reduce_max3A_42 = vector.multi_reduction <maximumf>, %concatenate3A, %reduce_max3A [0] : vector<512x64xf32> to vector<64xf32>
    %broadcast_in_dim3A = vector.shape_cast %reduce_max3A_42 : vector<64xf32> to vector<1x64xf32>
    %sub3A = vector.broadcast %broadcast_in_dim3A : vector<1x64xf32> to vector<512x64xf32>
    %sub3A_43 = arith.subf %concatenate3A, %sub3A : vector<512x64xf32>
    %exp3A = math.exp %sub3A_43 : vector<512x64xf32>
    %mul3A = arith.mulf %exp3A, %convert_element_type3A_41 : vector<512x64xf32>
    %reduce_sum3A = arith.constant dense<0.000000e+00> : vector<64xf32>
    %reduce_sum3A_44 = vector.multi_reduction <add>, %mul3A, %reduce_sum3A [0] : vector<512x64xf32> to vector<64xf32>
    %broadcast_in_dim3A_45 = vector.shape_cast %reduce_sum3A_44 : vector<64xf32> to vector<1x64xf32>
    %div3A = vector.broadcast %broadcast_in_dim3A_45 : vector<1x64xf32> to vector<512x64xf32>
    %div3A_46 = arith.divf %mul3A, %div3A : vector<512x64xf32>
    %mul3A_47 = arith.mulf %div3A_46, %div3A_46 : vector<512x64xf32>
    %reduce_sum3A_48 = arith.constant dense<0.000000e+00> : vector<64xf32>
    %reduce_sum3A_49 = vector.multi_reduction <add>, %mul3A_47, %reduce_sum3A_48 [0] : vector<512x64xf32> to vector<64xf32>
    %broadcast_in_dim3A_50 = vector.shape_cast %reduce_sum3A_49 : vector<64xf32> to vector<1x64xf32>
    %sqrt3A = math.sqrt %broadcast_in_dim3A_50 : vector<1x64xf32>
    %add3A = arith.constant 9.99999993E-9 : f32
    %add3A_51 = vector.broadcast %add3A : f32 to vector<1x64xf32>
    %add3A_52 = arith.addf %sqrt3A, %add3A_51 : vector<1x64xf32>
    %div3A_53 = vector.broadcast %add3A_52 : vector<1x64xf32> to vector<512x64xf32>
    %div3A_54 = arith.divf %div3A_46, %div3A_53 : vector<512x64xf32>
    %dot_general3A = arith.constant dense<0.000000e+00> : vector<64x64xf32>
    %dot_general3A_55 = tpu.matmul %div3A_54, %div3A_54, %dot_general3A {dimension_numbers = #tpu.dot_dimension_numbers<[0], [0], [1], [1], [0, 1, 1, 1], [], []>, transpose_lhs_hint = false} : vector<512x64xf32>, vector<512x64xf32>, vector<64x64xf32> -> vector<64x64xf32>
    %iota3A = tpu.iota {dimensions = array<i32: 0>} : vector<64x64xi32>
    %iota3A_56 = tpu.iota {dimensions = array<i32: 1>} : vector<64x64xi32>
    %ne3A = arith.cmpi ne, %iota3A, %iota3A_56 : vector<64x64xi32>
    %convert_element_type3A_57 = arith.extui %ne3A : vector<64x64xi1> to vector<64x64xi32>
    %convert_element_type3A_58 = arith.sitofp %convert_element_type3A_57 : vector<64x64xi32> to vector<64x64xf32>
    %mul3A_59 = arith.mulf %dot_general3A_55, %convert_element_type3A_58 : vector<64x64xf32>
    %reduce_sum3A_60 = vector.shape_cast %mul3A_59 : vector<64x64xf32> to vector<1x64x64xf32>
    %reduce_sum3A_61 = arith.constant dense<0.000000e+00> : vector<1xf32>
    %reduce_sum3A_62 = vector.multi_reduction <add>, %reduce_sum3A_60, %reduce_sum3A_61 [1, 2] : vector<1x64x64xf32> to vector<1xf32>
    %reduce_sum3A_63 = vector.shape_cast %reduce_sum3A_62 : vector<1xf32> to vector<1x1x1xf32>
    %reduce_sum3A_64 = vector.extract %reduce_sum3A_63[0, 0, 0] : f32 from vector<1x1x1xf32>
    %div3A_65 = arith.constant 4.032000e+03 : f32
    %div3A_66 = arith.divf %reduce_sum3A_64, %div3A_65 : f32
    %reduce_sum3A_67 = arith.constant dense<0.000000e+00> : vector<512xf32>
    %reduce_sum3A_68 = vector.multi_reduction <add>, %div3A_46, %reduce_sum3A_67 [1] : vector<512x64xf32> to vector<512xf32>
    %broadcast_in_dim3A_69 = vector.shape_cast %reduce_sum3A_68 : vector<512xf32> to vector<512x1xf32>
    %jit3A = arith.constant 0.000000e+00 : f32
    %jit3A_70 = arith.constant 1.000000e+00 : f32
    %max3A = vector.broadcast %jit3A : f32 to vector<512x1xf32>
    %max3A_71 = arith.maximumf %max3A, %broadcast_in_dim3A_69 : vector<512x1xf32>
    %min3A = vector.broadcast %jit3A_70 : f32 to vector<512x1xf32>
    %min3A_72 = arith.minimumf %min3A, %max3A_71 : vector<512x1xf32>
    %sub3A_73 = arith.constant 1.000000e+00 : f32
    %sub3A_74 = vector.broadcast %sub3A_73 : f32 to vector<512x1xf32>
    %sub3A_75 = arith.subf %sub3A_74, %min3A_72 : vector<512x1xf32>
    %integer_pow3A = arith.mulf %sub3A_75, %sub3A_75 : vector<512x1xf32>
    %reduce_sum3A_76 = vector.shape_cast %integer_pow3A : vector<512x1xf32> to vector<1x512x1xf32>
    %reduce_sum3A_77 = arith.constant dense<0.000000e+00> : vector<1xf32>
    %reduce_sum3A_78 = vector.multi_reduction <add>, %reduce_sum3A_76, %reduce_sum3A_77 [1, 2] : vector<1x512x1xf32> to vector<1xf32>
    %reduce_sum3A_79 = vector.shape_cast %reduce_sum3A_78 : vector<1xf32> to vector<1x1x1xf32>
    %reduce_sum3A_80 = vector.extract %reduce_sum3A_79[0, 0, 0] : f32 from vector<1x1x1xf32>
    %div3A_81 = arith.constant 5.120000e+02 : f32
    %div3A_82 = arith.divf %reduce_sum3A_80, %div3A_81 : f32
    %get3A_83 = arith.constant 4 : index
    %get3A_84 = arith.constant 0 : index
    %get3A_85 = arith.constant 0 : index
    %get3A_86 = vector.load %arg3[%get3A_83, %get3A_84, %get3A_85] : memref<16x512x16xf32, #tpu.memory_space<vmem>>, vector<1x512x16xf32>
    %get3A_87 = vector.shape_cast %get3A_86 : vector<1x512x16xf32> to vector<512x16xf32>
    %get3A_88 = arith.constant 5 : index
    %get3A_89 = arith.constant 0 : index
    %get3A_90 = arith.constant 0 : index
    %get3A_91 = vector.load %arg3[%get3A_88, %get3A_89, %get3A_90] : memref<16x512x16xf32, #tpu.memory_space<vmem>>, vector<1x512x16xf32>
    %get3A_92 = vector.shape_cast %get3A_91 : vector<1x512x16xf32> to vector<512x16xf32>
    %get3A_93 = arith.constant 6 : index
    %get3A_94 = arith.constant 0 : index
    %get3A_95 = arith.constant 0 : index
    %get3A_96 = vector.load %arg3[%get3A_93, %get3A_94, %get3A_95] : memref<16x512x16xf32, #tpu.memory_space<vmem>>, vector<1x512x16xf32>
    %get3A_97 = vector.shape_cast %get3A_96 : vector<1x512x16xf32> to vector<512x16xf32>
    %get3A_98 = arith.constant 7 : index
    %get3A_99 = arith.constant 0 : index
    %get3A_100 = arith.constant 0 : index
    %get3A_101 = vector.load %arg3[%get3A_98, %get3A_99, %get3A_100] : memref<16x512x16xf32, #tpu.memory_space<vmem>>, vector<1x512x16xf32>
    %get3A_102 = vector.shape_cast %get3A_101 : vector<1x512x16xf32> to vector<512x16xf32>
    %concatenate3A_103 = tpu.concatenate %get3A_87, %get3A_92, %get3A_97, %get3A_102 in 1 : vector<512x16xf32>, vector<512x16xf32>, vector<512x16xf32>, vector<512x16xf32> -> vector<512x64xf32>
    %get3A_104 = arith.constant 0 : index
    %get3A_105 = arith.constant 1 : index
    %get3A_106 = arith.constant 0 : index
    %get3A_107 = arith.constant 0 : index
    %get3A_108 = vector.load %arg5[%get3A_104, %get3A_105, %get3A_106, %get3A_107] : memref<1x4x1x64xf32, #tpu.memory_space<vmem>>, vector<1x1x1x64xf32>
    %get3A_109 = vector.shape_cast %get3A_108 : vector<1x1x1x64xf32> to vector<1x64xf32>
    %ge3A_110 = vector.broadcast %get3A_109 : vector<1x64xf32> to vector<512x64xf32>
    %ge3A_111 = arith.cmpf oge, %concatenate3A_103, %ge3A_110 : vector<512x64xf32>
    %convert_element_type3A_112 = arith.extui %ge3A_111 : vector<512x64xi1> to vector<512x64xi32>
    %convert_element_type3A_113 = arith.sitofp %convert_element_type3A_112 : vector<512x64xi32> to vector<512x64xf32>
    %reduce_max3A_114 = arith.constant dense<0xFF800000> : vector<64xf32>
    %reduce_max3A_115 = vector.multi_reduction <maximumf>, %concatenate3A_103, %reduce_max3A_114 [0] : vector<512x64xf32> to vector<64xf32>
    %broadcast_in_dim3A_116 = vector.shape_cast %reduce_max3A_115 : vector<64xf32> to vector<1x64xf32>
    %sub3A_117 = vector.broadcast %broadcast_in_dim3A_116 : vector<1x64xf32> to vector<512x64xf32>
    %sub3A_118 = arith.subf %concatenate3A_103, %sub3A_117 : vector<512x64xf32>
    %exp3A_119 = math.exp %sub3A_118 : vector<512x64xf32>
    %mul3A_120 = arith.mulf %exp3A_119, %convert_element_type3A_113 : vector<512x64xf32>
    %reduce_sum3A_121 = arith.constant dense<0.000000e+00> : vector<64xf32>
    %reduce_sum3A_122 = vector.multi_reduction <add>, %mul3A_120, %reduce_sum3A_121 [0] : vector<512x64xf32> to vector<64xf32>
    %broadcast_in_dim3A_123 = vector.shape_cast %reduce_sum3A_122 : vector<64xf32> to vector<1x64xf32>
    %div3A_124 = vector.broadcast %broadcast_in_dim3A_123 : vector<1x64xf32> to vector<512x64xf32>
    %div3A_125 = arith.divf %mul3A_120, %div3A_124 : vector<512x64xf32>
    %mul3A_126 = arith.mulf %div3A_125, %div3A_125 : vector<512x64xf32>
    %reduce_sum3A_127 = arith.constant dense<0.000000e+00> : vector<64xf32>
    %reduce_sum3A_128 = vector.multi_reduction <add>, %mul3A_126, %reduce_sum3A_127 [0] : vector<512x64xf32> to vector<64xf32>
    %broadcast_in_dim3A_129 = vector.shape_cast %reduce_sum3A_128 : vector<64xf32> to vector<1x64xf32>
    %sqrt3A_130 = math.sqrt %broadcast_in_dim3A_129 : vector<1x64xf32>
    %add3A_131 = arith.constant 9.99999993E-9 : f32
    %add3A_132 = vector.broadcast %add3A_131 : f32 to vector<1x64xf32>
    %add3A_133 = arith.addf %sqrt3A_130, %add3A_132 : vector<1x64xf32>
    %div3A_134 = vector.broadcast %add3A_133 : vector<1x64xf32> to vector<512x64xf32>
    %div3A_135 = arith.divf %div3A_125, %div3A_134 : vector<512x64xf32>
    %dot_general3A_136 = arith.constant dense<0.000000e+00> : vector<64x64xf32>
    %dot_general3A_137 = tpu.matmul %div3A_135, %div3A_135, %dot_general3A_136 {dimension_numbers = #tpu.dot_dimension_numbers<[0], [0], [1], [1], [0, 1, 1, 1], [], []>, transpose_lhs_hint = false} : vector<512x64xf32>, vector<512x64xf32>, vector<64x64xf32> -> vector<64x64xf32>
    %iota3A_138 = tpu.iota {dimensions = array<i32: 0>} : vector<64x64xi32>
    %iota3A_139 = tpu.iota {dimensions = array<i32: 1>} : vector<64x64xi32>
    %ne3A_140 = arith.cmpi ne, %iota3A_138, %iota3A_139 : vector<64x64xi32>
    %convert_element_type3A_141 = arith.extui %ne3A_140 : vector<64x64xi1> to vector<64x64xi32>
    %convert_element_type3A_142 = arith.sitofp %convert_element_type3A_141 : vector<64x64xi32> to vector<64x64xf32>
    %mul3A_143 = arith.mulf %dot_general3A_137, %convert_element_type3A_142 : vector<64x64xf32>
    %reduce_sum3A_144 = vector.shape_cast %mul3A_143 : vector<64x64xf32> to vector<1x64x64xf32>
    %reduce_sum3A_145 = arith.constant dense<0.000000e+00> : vector<1xf32>
    %reduce_sum3A_146 = vector.multi_reduction <add>, %reduce_sum3A_144, %reduce_sum3A_145 [1, 2] : vector<1x64x64xf32> to vector<1xf32>
    %reduce_sum3A_147 = vector.shape_cast %reduce_sum3A_146 : vector<1xf32> to vector<1x1x1xf32>
    %reduce_sum3A_148 = vector.extract %reduce_sum3A_147[0, 0, 0] : f32 from vector<1x1x1xf32>
    %div3A_149 = arith.constant 4.032000e+03 : f32
    %div3A_150 = arith.divf %reduce_sum3A_148, %div3A_149 : f32
    %reduce_sum3A_151 = arith.constant dense<0.000000e+00> : vector<512xf32>
    %reduce_sum3A_152 = vector.multi_reduction <add>, %div3A_125, %reduce_sum3A_151 [1] : vector<512x64xf32> to vector<512xf32>
    %broadcast_in_dim3A_153 = vector.shape_cast %reduce_sum3A_152 : vector<512xf32> to vector<512x1xf32>
    %jit3A_154 = arith.constant 0.000000e+00 : f32
    %jit3A_155 = arith.constant 1.000000e+00 : f32
    %max3A_156 = vector.broadcast %jit3A_154 : f32 to vector<512x1xf32>
    %max3A_157 = arith.maximumf %max3A_156, %broadcast_in_dim3A_153 : vector<512x1xf32>
    %min3A_158 = vector.broadcast %jit3A_155 : f32 to vector<512x1xf32>
    %min3A_159 = arith.minimumf %min3A_158, %max3A_157 : vector<512x1xf32>
    %sub3A_160 = arith.constant 1.000000e+00 : f32
    %sub3A_161 = vector.broadcast %sub3A_160 : f32 to vector<512x1xf32>
    %sub3A_162 = arith.subf %sub3A_161, %min3A_159 : vector<512x1xf32>
    %integer_pow3A_163 = arith.mulf %sub3A_162, %sub3A_162 : vector<512x1xf32>
    %reduce_sum3A_164 = vector.shape_cast %integer_pow3A_163 : vector<512x1xf32> to vector<1x512x1xf32>
    %reduce_sum3A_165 = arith.constant dense<0.000000e+00> : vector<1xf32>
    %reduce_sum3A_166 = vector.multi_reduction <add>, %reduce_sum3A_164, %reduce_sum3A_165 [1, 2] : vector<1x512x1xf32> to vector<1xf32>
    %reduce_sum3A_167 = vector.shape_cast %reduce_sum3A_166 : vector<1xf32> to vector<1x1x1xf32>
    %reduce_sum3A_168 = vector.extract %reduce_sum3A_167[0, 0, 0] : f32 from vector<1x1x1xf32>
    %div3A_169 = arith.constant 5.120000e+02 : f32
    %div3A_170 = arith.divf %reduce_sum3A_168, %div3A_169 : f32
    %get3A_171 = arith.constant 8 : index
    %get3A_172 = arith.constant 0 : index
    %get3A_173 = arith.constant 0 : index
    %get3A_174 = vector.load %arg3[%get3A_171, %get3A_172, %get3A_173] : memref<16x512x16xf32, #tpu.memory_space<vmem>>, vector<1x512x16xf32>
    %get3A_175 = vector.shape_cast %get3A_174 : vector<1x512x16xf32> to vector<512x16xf32>
    %get3A_176 = arith.constant 9 : index
    %get3A_177 = arith.constant 0 : index
    %get3A_178 = arith.constant 0 : index
    %get3A_179 = vector.load %arg3[%get3A_176, %get3A_177, %get3A_178] : memref<16x512x16xf32, #tpu.memory_space<vmem>>, vector<1x512x16xf32>
    %get3A_180 = vector.shape_cast %get3A_179 : vector<1x512x16xf32> to vector<512x16xf32>
    %get3A_181 = arith.constant 10 : index
    %get3A_182 = arith.constant 0 : index
    %get3A_183 = arith.constant 0 : index
    %get3A_184 = vector.load %arg3[%get3A_181, %get3A_182, %get3A_183] : memref<16x512x16xf32, #tpu.memory_space<vmem>>, vector<1x512x16xf32>
    %get3A_185 = vector.shape_cast %get3A_184 : vector<1x512x16xf32> to vector<512x16xf32>
    %get3A_186 = arith.constant 11 : index
    %get3A_187 = arith.constant 0 : index
    %get3A_188 = arith.constant 0 : index
    %get3A_189 = vector.load %arg3[%get3A_186, %get3A_187, %get3A_188] : memref<16x512x16xf32, #tpu.memory_space<vmem>>, vector<1x512x16xf32>
    %get3A_190 = vector.shape_cast %get3A_189 : vector<1x512x16xf32> to vector<512x16xf32>
    %concatenate3A_191 = tpu.concatenate %get3A_175, %get3A_180, %get3A_185, %get3A_190 in 1 : vector<512x16xf32>, vector<512x16xf32>, vector<512x16xf32>, vector<512x16xf32> -> vector<512x64xf32>
    %get3A_192 = arith.constant 0 : index
    %get3A_193 = arith.constant 2 : index
    %get3A_194 = arith.constant 0 : index
    %get3A_195 = arith.constant 0 : index
    %get3A_196 = vector.load %arg5[%get3A_192, %get3A_193, %get3A_194, %get3A_195] : memref<1x4x1x64xf32, #tpu.memory_space<vmem>>, vector<1x1x1x64xf32>
    %get3A_197 = vector.shape_cast %get3A_196 : vector<1x1x1x64xf32> to vector<1x64xf32>
    %ge3A_198 = vector.broadcast %get3A_197 : vector<1x64xf32> to vector<512x64xf32>
    %ge3A_199 = arith.cmpf oge, %concatenate3A_191, %ge3A_198 : vector<512x64xf32>
    %convert_element_type3A_200 = arith.extui %ge3A_199 : vector<512x64xi1> to vector<512x64xi32>
    %convert_element_type3A_201 = arith.sitofp %convert_element_type3A_200 : vector<512x64xi32> to vector<512x64xf32>
    %reduce_max3A_202 = arith.constant dense<0xFF800000> : vector<64xf32>
    %reduce_max3A_203 = vector.multi_reduction <maximumf>, %concatenate3A_191, %reduce_max3A_202 [0] : vector<512x64xf32> to vector<64xf32>
    %broadcast_in_dim3A_204 = vector.shape_cast %reduce_max3A_203 : vector<64xf32> to vector<1x64xf32>
    %sub3A_205 = vector.broadcast %broadcast_in_dim3A_204 : vector<1x64xf32> to vector<512x64xf32>
    %sub3A_206 = arith.subf %concatenate3A_191, %sub3A_205 : vector<512x64xf32>
    %exp3A_207 = math.exp %sub3A_206 : vector<512x64xf32>
    %mul3A_208 = arith.mulf %exp3A_207, %convert_element_type3A_201 : vector<512x64xf32>
    %reduce_sum3A_209 = arith.constant dense<0.000000e+00> : vector<64xf32>
    %reduce_sum3A_210 = vector.multi_reduction <add>, %mul3A_208, %reduce_sum3A_209 [0] : vector<512x64xf32> to vector<64xf32>
    %broadcast_in_dim3A_211 = vector.shape_cast %reduce_sum3A_210 : vector<64xf32> to vector<1x64xf32>
    %div3A_212 = vector.broadcast %broadcast_in_dim3A_211 : vector<1x64xf32> to vector<512x64xf32>
    %div3A_213 = arith.divf %mul3A_208, %div3A_212 : vector<512x64xf32>
    %mul3A_214 = arith.mulf %div3A_213, %div3A_213 : vector<512x64xf32>
    %reduce_sum3A_215 = arith.constant dense<0.000000e+00> : vector<64xf32>
    %reduce_sum3A_216 = vector.multi_reduction <add>, %mul3A_214, %reduce_sum3A_215 [0] : vector<512x64xf32> to vector<64xf32>
    %broadcast_in_dim3A_217 = vector.shape_cast %reduce_sum3A_216 : vector<64xf32> to vector<1x64xf32>
    %sqrt3A_218 = math.sqrt %broadcast_in_dim3A_217 : vector<1x64xf32>
    %add3A_219 = arith.constant 9.99999993E-9 : f32
    %add3A_220 = vector.broadcast %add3A_219 : f32 to vector<1x64xf32>
    %add3A_221 = arith.addf %sqrt3A_218, %add3A_220 : vector<1x64xf32>
    %div3A_222 = vector.broadcast %add3A_221 : vector<1x64xf32> to vector<512x64xf32>
    %div3A_223 = arith.divf %div3A_213, %div3A_222 : vector<512x64xf32>
    %dot_general3A_224 = arith.constant dense<0.000000e+00> : vector<64x64xf32>
    %dot_general3A_225 = tpu.matmul %div3A_223, %div3A_223, %dot_general3A_224 {dimension_numbers = #tpu.dot_dimension_numbers<[0], [0], [1], [1], [0, 1, 1, 1], [], []>, transpose_lhs_hint = false} : vector<512x64xf32>, vector<512x64xf32>, vector<64x64xf32> -> vector<64x64xf32>
    %iota3A_226 = tpu.iota {dimensions = array<i32: 0>} : vector<64x64xi32>
    %iota3A_227 = tpu.iota {dimensions = array<i32: 1>} : vector<64x64xi32>
    %ne3A_228 = arith.cmpi ne, %iota3A_226, %iota3A_227 : vector<64x64xi32>
    %convert_element_type3A_229 = arith.extui %ne3A_228 : vector<64x64xi1> to vector<64x64xi32>
    %convert_element_type3A_230 = arith.sitofp %convert_element_type3A_229 : vector<64x64xi32> to vector<64x64xf32>
    %mul3A_231 = arith.mulf %dot_general3A_225, %convert_element_type3A_230 : vector<64x64xf32>
    %reduce_sum3A_232 = vector.shape_cast %mul3A_231 : vector<64x64xf32> to vector<1x64x64xf32>
    %reduce_sum3A_233 = arith.constant dense<0.000000e+00> : vector<1xf32>
    %reduce_sum3A_234 = vector.multi_reduction <add>, %reduce_sum3A_232, %reduce_sum3A_233 [1, 2] : vector<1x64x64xf32> to vector<1xf32>
    %reduce_sum3A_235 = vector.shape_cast %reduce_sum3A_234 : vector<1xf32> to vector<1x1x1xf32>
    %reduce_sum3A_236 = vector.extract %reduce_sum3A_235[0, 0, 0] : f32 from vector<1x1x1xf32>
    %div3A_237 = arith.constant 4.032000e+03 : f32
    %div3A_238 = arith.divf %reduce_sum3A_236, %div3A_237 : f32
    %reduce_sum3A_239 = arith.constant dense<0.000000e+00> : vector<512xf32>
    %reduce_sum3A_240 = vector.multi_reduction <add>, %div3A_213, %reduce_sum3A_239 [1] : vector<512x64xf32> to vector<512xf32>
    %broadcast_in_dim3A_241 = vector.shape_cast %reduce_sum3A_240 : vector<512xf32> to vector<512x1xf32>
    %jit3A_242 = arith.constant 0.000000e+00 : f32
    %jit3A_243 = arith.constant 1.000000e+00 : f32
    %max3A_244 = vector.broadcast %jit3A_242 : f32 to vector<512x1xf32>
    %max3A_245 = arith.maximumf %max3A_244, %broadcast_in_dim3A_241 : vector<512x1xf32>
    %min3A_246 = vector.broadcast %jit3A_243 : f32 to vector<512x1xf32>
    %min3A_247 = arith.minimumf %min3A_246, %max3A_245 : vector<512x1xf32>
    %sub3A_248 = arith.constant 1.000000e+00 : f32
    %sub3A_249 = vector.broadcast %sub3A_248 : f32 to vector<512x1xf32>
    %sub3A_250 = arith.subf %sub3A_249, %min3A_247 : vector<512x1xf32>
    %integer_pow3A_251 = arith.mulf %sub3A_250, %sub3A_250 : vector<512x1xf32>
    %reduce_sum3A_252 = vector.shape_cast %integer_pow3A_251 : vector<512x1xf32> to vector<1x512x1xf32>
    %reduce_sum3A_253 = arith.constant dense<0.000000e+00> : vector<1xf32>
    %reduce_sum3A_254 = vector.multi_reduction <add>, %reduce_sum3A_252, %reduce_sum3A_253 [1, 2] : vector<1x512x1xf32> to vector<1xf32>
    %reduce_sum3A_255 = vector.shape_cast %reduce_sum3A_254 : vector<1xf32> to vector<1x1x1xf32>
    %reduce_sum3A_256 = vector.extract %reduce_sum3A_255[0, 0, 0] : f32 from vector<1x1x1xf32>
    %div3A_257 = arith.constant 5.120000e+02 : f32
    %div3A_258 = arith.divf %reduce_sum3A_256, %div3A_257 : f32
    %get3A_259 = arith.constant 12 : index
    %get3A_260 = arith.constant 0 : index
    %get3A_261 = arith.constant 0 : index
    %get3A_262 = vector.load %arg3[%get3A_259, %get3A_260, %get3A_261] : memref<16x512x16xf32, #tpu.memory_space<vmem>>, vector<1x512x16xf32>
    %get3A_263 = vector.shape_cast %get3A_262 : vector<1x512x16xf32> to vector<512x16xf32>
    %get3A_264 = arith.constant 13 : index
    %get3A_265 = arith.constant 0 : index
    %get3A_266 = arith.constant 0 : index
    %get3A_267 = vector.load %arg3[%get3A_264, %get3A_265, %get3A_266] : memref<16x512x16xf32, #tpu.memory_space<vmem>>, vector<1x512x16xf32>
    %get3A_268 = vector.shape_cast %get3A_267 : vector<1x512x16xf32> to vector<512x16xf32>
    %get3A_269 = arith.constant 14 : index
    %get3A_270 = arith.constant 0 : index
    %get3A_271 = arith.constant 0 : index
    %get3A_272 = vector.load %arg3[%get3A_269, %get3A_270, %get3A_271] : memref<16x512x16xf32, #tpu.memory_space<vmem>>, vector<1x512x16xf32>
    %get3A_273 = vector.shape_cast %get3A_272 : vector<1x512x16xf32> to vector<512x16xf32>
    %get3A_274 = arith.constant 15 : index
    %get3A_275 = arith.constant 0 : index
    %get3A_276 = arith.constant 0 : index
    %get3A_277 = vector.load %arg3[%get3A_274, %get3A_275, %get3A_276] : memref<16x512x16xf32, #tpu.memory_space<vmem>>, vector<1x512x16xf32>
    %get3A_278 = vector.shape_cast %get3A_277 : vector<1x512x16xf32> to vector<512x16xf32>
    %concatenate3A_279 = tpu.concatenate %get3A_263, %get3A_268, %get3A_273, %get3A_278 in 1 : vector<512x16xf32>, vector<512x16xf32>, vector<512x16xf32>, vector<512x16xf32> -> vector<512x64xf32>
    %get3A_280 = arith.constant 0 : index
    %get3A_281 = arith.constant 3 : index
    %get3A_282 = arith.constant 0 : index
    %get3A_283 = arith.constant 0 : index
    %get3A_284 = vector.load %arg5[%get3A_280, %get3A_281, %get3A_282, %get3A_283] : memref<1x4x1x64xf32, #tpu.memory_space<vmem>>, vector<1x1x1x64xf32>
    %get3A_285 = vector.shape_cast %get3A_284 : vector<1x1x1x64xf32> to vector<1x64xf32>
    %ge3A_286 = vector.broadcast %get3A_285 : vector<1x64xf32> to vector<512x64xf32>
    %ge3A_287 = arith.cmpf oge, %concatenate3A_279, %ge3A_286 : vector<512x64xf32>
    %convert_element_type3A_288 = arith.extui %ge3A_287 : vector<512x64xi1> to vector<512x64xi32>
    %convert_element_type3A_289 = arith.sitofp %convert_element_type3A_288 : vector<512x64xi32> to vector<512x64xf32>
    %reduce_max3A_290 = arith.constant dense<0xFF800000> : vector<64xf32>
    %reduce_max3A_291 = vector.multi_reduction <maximumf>, %concatenate3A_279, %reduce_max3A_290 [0] : vector<512x64xf32> to vector<64xf32>
    %broadcast_in_dim3A_292 = vector.shape_cast %reduce_max3A_291 : vector<64xf32> to vector<1x64xf32>
    %sub3A_293 = vector.broadcast %broadcast_in_dim3A_292 : vector<1x64xf32> to vector<512x64xf32>
    %sub3A_294 = arith.subf %concatenate3A_279, %sub3A_293 : vector<512x64xf32>
    %exp3A_295 = math.exp %sub3A_294 : vector<512x64xf32>
    %mul3A_296 = arith.mulf %exp3A_295, %convert_element_type3A_289 : vector<512x64xf32>
    %reduce_sum3A_297 = arith.constant dense<0.000000e+00> : vector<64xf32>
    %reduce_sum3A_298 = vector.multi_reduction <add>, %mul3A_296, %reduce_sum3A_297 [0] : vector<512x64xf32> to vector<64xf32>
    %broadcast_in_dim3A_299 = vector.shape_cast %reduce_sum3A_298 : vector<64xf32> to vector<1x64xf32>
    %div3A_300 = vector.broadcast %broadcast_in_dim3A_299 : vector<1x64xf32> to vector<512x64xf32>
    %div3A_301 = arith.divf %mul3A_296, %div3A_300 : vector<512x64xf32>
    %mul3A_302 = arith.mulf %div3A_301, %div3A_301 : vector<512x64xf32>
    %reduce_sum3A_303 = arith.constant dense<0.000000e+00> : vector<64xf32>
    %reduce_sum3A_304 = vector.multi_reduction <add>, %mul3A_302, %reduce_sum3A_303 [0] : vector<512x64xf32> to vector<64xf32>
    %broadcast_in_dim3A_305 = vector.shape_cast %reduce_sum3A_304 : vector<64xf32> to vector<1x64xf32>
    %sqrt3A_306 = math.sqrt %broadcast_in_dim3A_305 : vector<1x64xf32>
    %add3A_307 = arith.constant 9.99999993E-9 : f32
    %add3A_308 = vector.broadcast %add3A_307 : f32 to vector<1x64xf32>
    %add3A_309 = arith.addf %sqrt3A_306, %add3A_308 : vector<1x64xf32>
    %div3A_310 = vector.broadcast %add3A_309 : vector<1x64xf32> to vector<512x64xf32>
    %div3A_311 = arith.divf %div3A_301, %div3A_310 : vector<512x64xf32>
    %dot_general3A_312 = arith.constant dense<0.000000e+00> : vector<64x64xf32>
    %dot_general3A_313 = tpu.matmul %div3A_311, %div3A_311, %dot_general3A_312 {dimension_numbers = #tpu.dot_dimension_numbers<[0], [0], [1], [1], [0, 1, 1, 1], [], []>, transpose_lhs_hint = false} : vector<512x64xf32>, vector<512x64xf32>, vector<64x64xf32> -> vector<64x64xf32>
    %iota3A_314 = tpu.iota {dimensions = array<i32: 0>} : vector<64x64xi32>
    %iota3A_315 = tpu.iota {dimensions = array<i32: 1>} : vector<64x64xi32>
    %ne3A_316 = arith.cmpi ne, %iota3A_314, %iota3A_315 : vector<64x64xi32>
    %convert_element_type3A_317 = arith.extui %ne3A_316 : vector<64x64xi1> to vector<64x64xi32>
    %convert_element_type3A_318 = arith.sitofp %convert_element_type3A_317 : vector<64x64xi32> to vector<64x64xf32>
    %mul3A_319 = arith.mulf %dot_general3A_313, %convert_element_type3A_318 : vector<64x64xf32>
    %reduce_sum3A_320 = vector.shape_cast %mul3A_319 : vector<64x64xf32> to vector<1x64x64xf32>
    %reduce_sum3A_321 = arith.constant dense<0.000000e+00> : vector<1xf32>
    %reduce_sum3A_322 = vector.multi_reduction <add>, %reduce_sum3A_320, %reduce_sum3A_321 [1, 2] : vector<1x64x64xf32> to vector<1xf32>
    %reduce_sum3A_323 = vector.shape_cast %reduce_sum3A_322 : vector<1xf32> to vector<1x1x1xf32>
    %reduce_sum3A_324 = vector.extract %reduce_sum3A_323[0, 0, 0] : f32 from vector<1x1x1xf32>
    %div3A_325 = arith.constant 4.032000e+03 : f32
    %div3A_326 = arith.divf %reduce_sum3A_324, %div3A_325 : f32
    %reduce_sum3A_327 = arith.constant dense<0.000000e+00> : vector<512xf32>
    %reduce_sum3A_328 = vector.multi_reduction <add>, %div3A_301, %reduce_sum3A_327 [1] : vector<512x64xf32> to vector<512xf32>
    %broadcast_in_dim3A_329 = vector.shape_cast %reduce_sum3A_328 : vector<512xf32> to vector<512x1xf32>
    %jit3A_330 = arith.constant 0.000000e+00 : f32
    %jit3A_331 = arith.constant 1.000000e+00 : f32
    %max3A_332 = vector.broadcast %jit3A_330 : f32 to vector<512x1xf32>
    %max3A_333 = arith.maximumf %max3A_332, %broadcast_in_dim3A_329 : vector<512x1xf32>
    %min3A_334 = vector.broadcast %jit3A_331 : f32 to vector<512x1xf32>
    %min3A_335 = arith.minimumf %min3A_334, %max3A_333 : vector<512x1xf32>
    %sub3A_336 = arith.constant 1.000000e+00 : f32
    %sub3A_337 = vector.broadcast %sub3A_336 : f32 to vector<512x1xf32>
    %sub3A_338 = arith.subf %sub3A_337, %min3A_335 : vector<512x1xf32>
    %integer_pow3A_339 = arith.mulf %sub3A_338, %sub3A_338 : vector<512x1xf32>
    %reduce_sum3A_340 = vector.shape_cast %integer_pow3A_339 : vector<512x1xf32> to vector<1x512x1xf32>
    %reduce_sum3A_341 = arith.constant dense<0.000000e+00> : vector<1xf32>
    %reduce_sum3A_342 = vector.multi_reduction <add>, %reduce_sum3A_340, %reduce_sum3A_341 [1, 2] : vector<1x512x1xf32> to vector<1xf32>
    %reduce_sum3A_343 = vector.shape_cast %reduce_sum3A_342 : vector<1xf32> to vector<1x1x1xf32>
    %reduce_sum3A_344 = vector.extract %reduce_sum3A_343[0, 0, 0] : f32 from vector<1x1x1xf32>
    %div3A_345 = arith.constant 5.120000e+02 : f32
    %div3A_346 = arith.divf %reduce_sum3A_344, %div3A_345 : f32
    %get3A_347 = arith.constant 0 : index
    %get3A_348 = arith.constant 0 : index
    %get3A_349 = vector.load %arg6[%get3A_347, %get3A_348] : memref<768x256xf32, #tpu.memory_space<vmem>>, vector<768x256xf32>
    %dot_general3A_350 = arith.constant dense<0.000000e+00> : vector<1x256xf32>
    %dot_general3A_351 = tpu.matmul %get3A_13, %get3A_349, %dot_general3A_350 {dimension_numbers = #tpu.dot_dimension_numbers<[1], [0], [0], [1], [0, 0, 1, 1], [], []>, transpose_lhs_hint = false} : vector<1x768xf32>, vector<768x256xf32>, vector<1x256xf32> -> vector<1x256xf32>
    %get3A_352 = arith.constant 0 : index
    %get3A_353 = arith.constant 0 : index
    %get3A_354 = vector.load %arg7[%get3A_352, %get3A_353] : memref<1x256xf32, #tpu.memory_space<vmem>>, vector<1x256xf32>
    %add3A_355 = arith.addf %dot_general3A_351, %get3A_354 : vector<1x256xf32>
    %mul3A_356 = arith.constant 5.000000e-01 : f32
    %mul3A_357 = vector.broadcast %mul3A_356 : f32 to vector<1x256xf32>
    %mul3A_358 = arith.mulf %mul3A_357, %add3A_355 : vector<1x256xf32>
    %mul3A_359 = arith.constant 0.707106769 : f32
    %mul3A_360 = vector.broadcast %mul3A_359 : f32 to vector<1x256xf32>
    %mul3A_361 = arith.mulf %add3A_355, %mul3A_360 : vector<1x256xf32>
    %erf3A = math.erf %mul3A_361 : vector<1x256xf32>
    %add3A_362 = arith.constant 1.000000e+00 : f32
    %add3A_363 = vector.broadcast %add3A_362 : f32 to vector<1x256xf32>
    %add3A_364 = arith.addf %add3A_363, %erf3A : vector<1x256xf32>
    %mul3A_365 = arith.mulf %mul3A_358, %add3A_364 : vector<1x256xf32>
    %get3A_366 = arith.constant 0 : index
    %get3A_367 = arith.constant 0 : index
    %get3A_368 = vector.load %arg8[%get3A_366, %get3A_367] : memref<256x3xf32, #tpu.memory_space<vmem>>, vector<256x3xf32>
    %dot_general3A_369 = arith.constant dense<0.000000e+00> : vector<1x3xf32>
    %dot_general3A_370 = tpu.matmul %mul3A_365, %get3A_368, %dot_general3A_369 {dimension_numbers = #tpu.dot_dimension_numbers<[1], [0], [0], [1], [0, 0, 1, 1], [], []>, transpose_lhs_hint = false} : vector<1x256xf32>, vector<256x3xf32>, vector<1x3xf32> -> vector<1x3xf32>
    %get3A_371 = arith.constant 0 : index
    %get3A_372 = arith.constant 0 : index
    %get3A_373 = vector.load %arg9[%get3A_371, %get3A_372] : memref<1x3xf32, #tpu.memory_space<vmem>>, vector<1x3xf32>
    %add3A_374 = arith.addf %dot_general3A_370, %get3A_373 : vector<1x3xf32>
    %reduce_min3A = arith.constant dense<0x7F800000> : vector<1xf32>
    %reduce_min3A_375 = vector.multi_reduction <minimumf>, %add3A_374, %reduce_min3A [1] : vector<1x3xf32> to vector<1xf32>
    %broadcast_in_dim3A_376 = vector.shape_cast %reduce_min3A_375 : vector<1xf32> to vector<1x1xf32>
    %reduce_max3A_377 = arith.constant dense<0xFF800000> : vector<1xf32>
    %reduce_max3A_378 = vector.multi_reduction <maximumf>, %add3A_374, %reduce_max3A_377 [1] : vector<1x3xf32> to vector<1xf32>
    %broadcast_in_dim3A_379 = vector.shape_cast %reduce_max3A_378 : vector<1xf32> to vector<1x1xf32>
    %sub3A_380 = vector.broadcast %broadcast_in_dim3A_379 : vector<1x1xf32> to vector<1x3xf32>
    %sub3A_381 = arith.subf %add3A_374, %sub3A_380 : vector<1x3xf32>
    %exp3A_382 = math.exp %sub3A_381 : vector<1x3xf32>
    %gt3A = vector.broadcast %broadcast_in_dim3A_376 : vector<1x1xf32> to vector<1x3xf32>
    %gt3A_383 = arith.cmpf ogt, %add3A_374, %gt3A : vector<1x3xf32>
    %convert_element_type3A_384 = arith.extui %gt3A_383 : vector<1x3xi1> to vector<1x3xi32>
    %convert_element_type3A_385 = arith.sitofp %convert_element_type3A_384 : vector<1x3xi32> to vector<1x3xf32>
    %mul3A_386 = arith.mulf %exp3A_382, %convert_element_type3A_385 : vector<1x3xf32>
    %reduce_sum3A_387 = arith.constant dense<0.000000e+00> : vector<1xf32>
    %reduce_sum3A_388 = vector.multi_reduction <add>, %mul3A_386, %reduce_sum3A_387 [1] : vector<1x3xf32> to vector<1xf32>
    %broadcast_in_dim3A_389 = vector.shape_cast %reduce_sum3A_388 : vector<1xf32> to vector<1x1xf32>
    %div3A_390 = vector.broadcast %broadcast_in_dim3A_389 : vector<1x1xf32> to vector<1x3xf32>
    %div3A_391 = arith.divf %mul3A_386, %div3A_390 : vector<1x3xf32>
    %get3A_392 = arith.constant 0 : index
    %get3A_393 = arith.constant 0 : index
    %get3A_394 = vector.load %arg10[%get3A_392, %get3A_393] : memref<768x128xf32, #tpu.memory_space<vmem>>, vector<768x128xf32>
    %dot_general3A_395 = arith.constant dense<0.000000e+00> : vector<1x128xf32>
    %dot_general3A_396 = tpu.matmul %get3A_13, %get3A_394, %dot_general3A_395 {dimension_numbers = #tpu.dot_dimension_numbers<[1], [0], [0], [1], [0, 0, 1, 1], [], []>, transpose_lhs_hint = false} : vector<1x768xf32>, vector<768x128xf32>, vector<1x128xf32> -> vector<1x128xf32>
    %get3A_397 = arith.constant 0 : index
    %get3A_398 = arith.constant 0 : index
    %get3A_399 = vector.load %arg11[%get3A_397, %get3A_398] : memref<1x128xf32, #tpu.memory_space<vmem>>, vector<1x128xf32>
    %add3A_400 = arith.addf %dot_general3A_396, %get3A_399 : vector<1x128xf32>
    %mul3A_401 = arith.constant 5.000000e-01 : f32
    %mul3A_402 = vector.broadcast %mul3A_401 : f32 to vector<1x128xf32>
    %mul3A_403 = arith.mulf %mul3A_402, %add3A_400 : vector<1x128xf32>
    %mul3A_404 = arith.constant 0.707106769 : f32
    %mul3A_405 = vector.broadcast %mul3A_404 : f32 to vector<1x128xf32>
    %mul3A_406 = arith.mulf %add3A_400, %mul3A_405 : vector<1x128xf32>
    %erf3A_407 = math.erf %mul3A_406 : vector<1x128xf32>
    %add3A_408 = arith.constant 1.000000e+00 : f32
    %add3A_409 = vector.broadcast %add3A_408 : f32 to vector<1x128xf32>
    %add3A_410 = arith.addf %add3A_409, %erf3A_407 : vector<1x128xf32>
    %mul3A_411 = arith.mulf %mul3A_403, %add3A_410 : vector<1x128xf32>
    %get3A_412 = arith.constant 0 : index
    %get3A_413 = arith.constant 0 : index
    %get3A_414 = vector.load %arg12[%get3A_412, %get3A_413] : memref<128x1xf32, #tpu.memory_space<vmem>>, vector<128x1xf32>
    %dot_general3A_415 = arith.constant dense<0.000000e+00> : vector<1x1xf32>
    %dot_general3A_416 = tpu.matmul %mul3A_411, %get3A_414, %dot_general3A_415 {dimension_numbers = #tpu.dot_dimension_numbers<[1], [0], [0], [1], [0, 0, 1, 1], [], []>, transpose_lhs_hint = false} : vector<1x128xf32>, vector<128x1xf32>, vector<1x1xf32> -> vector<1x1xf32>
    %get3A_417 = arith.constant 0 : index
    %get3A_418 = arith.constant 0 : index
    %get3A_419 = vector.load %arg13[%get3A_417, %get3A_418] : memref<1x1xf32, #tpu.memory_space<vmem>>, vector<1x1xf32>
    %add3A_420 = arith.addf %dot_general3A_416, %get3A_419 : vector<1x1xf32>
    %squeeze3A = vector.extract %add3A_420[0, 0] : f32 from vector<1x1xf32>
    %logistic3A = arith.negf %squeeze3A : f32
    %logistic3A_421 = math.exp %logistic3A : f32
    %logistic3A_422 = arith.constant 1.000000e+00 : f32
    %logistic3A_423 = arith.addf %logistic3A_422, %logistic3A_421 : f32
    %logistic3A_424 = arith.divf %logistic3A_422, %logistic3A_423 : f32
    %slice3A = vector.extract_strided_slice %div3A_391 {offsets = [0, 0], sizes = [1, 1], strides = [1, 1]} : vector<1x3xf32> to vector<1x1xf32>
    %squeeze3A_425 = vector.extract %slice3A[0, 0] : f32 from vector<1x1xf32>
    %mul3A_426 = vector.broadcast %squeeze3A_425 : f32 to vector<512x64xf32>
    %mul3A_427 = arith.mulf %mul3A_426, %div3A_125 : vector<512x64xf32>
    %slice3A_428 = vector.extract_strided_slice %div3A_391 {offsets = [0, 1], sizes = [1, 1], strides = [1, 1]} : vector<1x3xf32> to vector<1x1xf32>
    %squeeze3A_429 = vector.extract %slice3A_428[0, 0] : f32 from vector<1x1xf32>
    %mul3A_430 = vector.broadcast %squeeze3A_429 : f32 to vector<512x64xf32>
    %mul3A_431 = arith.mulf %mul3A_430, %div3A_213 : vector<512x64xf32>
    %add3A_432 = arith.addf %mul3A_427, %mul3A_431 : vector<512x64xf32>
    %slice3A_433 = vector.extract_strided_slice %div3A_391 {offsets = [0, 2], sizes = [1, 1], strides = [1, 1]} : vector<1x3xf32> to vector<1x1xf32>
    %squeeze3A_434 = vector.extract %slice3A_433[0, 0] : f32 from vector<1x1xf32>
    %mul3A_435 = vector.broadcast %squeeze3A_434 : f32 to vector<512x64xf32>
    %mul3A_436 = arith.mulf %mul3A_435, %div3A_301 : vector<512x64xf32>
    %add3A_437 = arith.addf %add3A_432, %mul3A_436 : vector<512x64xf32>
    %sub3A_438 = arith.constant 1.000000e+00 : f32
    %sub3A_439 = arith.subf %sub3A_438, %logistic3A_424 : f32
    %mul3A_440 = vector.broadcast %sub3A_439 : f32 to vector<512x64xf32>
    %mul3A_441 = arith.mulf %mul3A_440, %div3A_46 : vector<512x64xf32>
    %mul3A_442 = vector.broadcast %logistic3A_424 : f32 to vector<512x64xf32>
    %mul3A_443 = arith.mulf %mul3A_442, %add3A_437 : vector<512x64xf32>
    %add3A_444 = arith.addf %mul3A_441, %mul3A_443 : vector<512x64xf32>
    %reduce_sum3A_445 = arith.constant dense<0.000000e+00> : vector<64xf32>
    %reduce_sum3A_446 = vector.multi_reduction <add>, %add3A_444, %reduce_sum3A_445 [0] : vector<512x64xf32> to vector<64xf32>
    %broadcast_in_dim3A_447 = vector.shape_cast %reduce_sum3A_446 : vector<64xf32> to vector<1x64xf32>
    %add3A_448 = arith.constant 9.99999997E-7 : f32
    %add3A_449 = vector.broadcast %add3A_448 : f32 to vector<1x64xf32>
    %add3A_450 = arith.addf %broadcast_in_dim3A_447, %add3A_449 : vector<1x64xf32>
    %reduce_sum3A_451 = arith.constant dense<0.000000e+00> : vector<512xf32>
    %reduce_sum3A_452 = vector.multi_reduction <add>, %add3A_444, %reduce_sum3A_451 [1] : vector<512x64xf32> to vector<512xf32>
    %broadcast_in_dim3A_453 = vector.shape_cast %reduce_sum3A_452 : vector<512xf32> to vector<512x1xf32>
    %add3A_454 = arith.constant 9.99999997E-7 : f32
    %add3A_455 = vector.broadcast %add3A_454 : f32 to vector<512x1xf32>
    %add3A_456 = arith.addf %broadcast_in_dim3A_453, %add3A_455 : vector<512x1xf32>
    %div3A_457 = vector.broadcast %add3A_450 : vector<1x64xf32> to vector<512x64xf32>
    %div3A_458 = arith.divf %add3A_444, %div3A_457 : vector<512x64xf32>
    %dot_general3A_459 = arith.constant dense<0.000000e+00> : vector<64x256xf32>
    %dot_general3A_460 = tpu.matmul %div3A_458, %get3A_3, %dot_general3A_459 {dimension_numbers = #tpu.dot_dimension_numbers<[0], [0], [1], [1], [0, 1, 1, 1], [], []>, transpose_lhs_hint = false} : vector<512x64xf32>, vector<512x256xf32>, vector<64x256xf32> -> vector<64x256xf32>
    %dot_general3A_461 = arith.constant dense<0.000000e+00> : vector<512x256xf32>
    %dot_general3A_462 = tpu.matmul %add3A_444, %dot_general3A_460, %dot_general3A_461 {dimension_numbers = #tpu.dot_dimension_numbers<[1], [0], [0], [1], [0, 0, 1, 1], [], []>, transpose_lhs_hint = false} : vector<512x64xf32>, vector<64x256xf32>, vector<512x256xf32> -> vector<512x256xf32>
    %div3A_463 = vector.broadcast %add3A_456 : vector<512x1xf32> to vector<512x256xf32>
    %div3A_464 = arith.divf %dot_general3A_462, %div3A_463 : vector<512x256xf32>
    %get3A_465 = arith.constant 0 : index
    %get3A_466 = arith.constant 0 : index
    %get3A_467 = vector.load %arg14[%get3A_465, %get3A_466] : memref<256x256xf32, #tpu.memory_space<vmem>>, vector<256x256xf32>
    %dot_general3A_468 = arith.constant dense<0.000000e+00> : vector<512x256xf32>
    %dot_general3A_469 = tpu.matmul %div3A_464, %get3A_467, %dot_general3A_468 {dimension_numbers = #tpu.dot_dimension_numbers<[1], [0], [0], [1], [0, 0, 1, 1], [], []>, transpose_lhs_hint = false} : vector<512x256xf32>, vector<256x256xf32>, vector<512x256xf32> -> vector<512x256xf32>
    %get3A_470 = arith.constant 0 : index
    %get3A_471 = arith.constant 0 : index
    %get3A_472 = vector.load %arg15[%get3A_470, %get3A_471] : memref<1x256xf32, #tpu.memory_space<vmem>>, vector<1x256xf32>
    %add3A_473 = vector.broadcast %get3A_472 : vector<1x256xf32> to vector<512x256xf32>
    %add3A_474 = arith.addf %dot_general3A_469, %add3A_473 : vector<512x256xf32>
    %mul3A_475 = arith.constant 5.000000e-01 : f32
    %mul3A_476 = vector.broadcast %mul3A_475 : f32 to vector<512x256xf32>
    %mul3A_477 = arith.mulf %mul3A_476, %add3A_474 : vector<512x256xf32>
    %mul3A_478 = arith.constant 0.707106769 : f32
    %mul3A_479 = vector.broadcast %mul3A_478 : f32 to vector<512x256xf32>
    %mul3A_480 = arith.mulf %add3A_474, %mul3A_479 : vector<512x256xf32>
    %erf3A_481 = math.erf %mul3A_480 : vector<512x256xf32>
    %add3A_482 = arith.constant 1.000000e+00 : f32
    %add3A_483 = vector.broadcast %add3A_482 : f32 to vector<512x256xf32>
    %add3A_484 = arith.addf %add3A_483, %erf3A_481 : vector<512x256xf32>
    %mul3A_485 = arith.mulf %mul3A_477, %add3A_484 : vector<512x256xf32>
    %dot_general3A_486 = arith.constant dense<0.000000e+00> : vector<64x256xf32>
    %dot_general3A_487 = tpu.matmul %div3A_458, %mul3A_485, %dot_general3A_486 {dimension_numbers = #tpu.dot_dimension_numbers<[0], [0], [1], [1], [0, 1, 1, 1], [], []>, transpose_lhs_hint = false} : vector<512x64xf32>, vector<512x256xf32>, vector<64x256xf32> -> vector<64x256xf32>
    %dot_general3A_488 = arith.constant dense<0.000000e+00> : vector<512x256xf32>
    %dot_general3A_489 = tpu.matmul %add3A_444, %dot_general3A_487, %dot_general3A_488 {dimension_numbers = #tpu.dot_dimension_numbers<[1], [0], [0], [1], [0, 0, 1, 1], [], []>, transpose_lhs_hint = false} : vector<512x64xf32>, vector<64x256xf32>, vector<512x256xf32> -> vector<512x256xf32>
    %div3A_490 = vector.broadcast %add3A_456 : vector<512x1xf32> to vector<512x256xf32>
    %div3A_491 = arith.divf %dot_general3A_489, %div3A_490 : vector<512x256xf32>
    %get3A_492 = arith.constant 0 : index
    %get3A_493 = arith.constant 0 : index
    %get3A_494 = vector.load %arg16[%get3A_492, %get3A_493] : memref<256x256xf32, #tpu.memory_space<vmem>>, vector<256x256xf32>
    %dot_general3A_495 = arith.constant dense<0.000000e+00> : vector<512x256xf32>
    %dot_general3A_496 = tpu.matmul %div3A_491, %get3A_494, %dot_general3A_495 {dimension_numbers = #tpu.dot_dimension_numbers<[1], [0], [0], [1], [0, 0, 1, 1], [], []>, transpose_lhs_hint = false} : vector<512x256xf32>, vector<256x256xf32>, vector<512x256xf32> -> vector<512x256xf32>
    %get3A_497 = arith.constant 0 : index
    %get3A_498 = arith.constant 0 : index
    %get3A_499 = vector.load %arg17[%get3A_497, %get3A_498] : memref<1x256xf32, #tpu.memory_space<vmem>>, vector<1x256xf32>
    %add3A_500 = vector.broadcast %get3A_499 : vector<1x256xf32> to vector<512x256xf32>
    %add3A_501 = arith.addf %dot_general3A_496, %add3A_500 : vector<512x256xf32>
    %mul3A_502 = arith.constant 5.000000e-01 : f32
    %mul3A_503 = vector.broadcast %mul3A_502 : f32 to vector<512x256xf32>
    %mul3A_504 = arith.mulf %mul3A_503, %add3A_501 : vector<512x256xf32>
    %mul3A_505 = arith.constant 0.707106769 : f32
    %mul3A_506 = vector.broadcast %mul3A_505 : f32 to vector<512x256xf32>
    %mul3A_507 = arith.mulf %add3A_501, %mul3A_506 : vector<512x256xf32>
    %erf3A_508 = math.erf %mul3A_507 : vector<512x256xf32>
    %add3A_509 = arith.constant 1.000000e+00 : f32
    %add3A_510 = vector.broadcast %add3A_509 : f32 to vector<512x256xf32>
    %add3A_511 = arith.addf %add3A_510, %erf3A_508 : vector<512x256xf32>
    %mul3A_512 = arith.mulf %mul3A_504, %add3A_511 : vector<512x256xf32>
    %get3A_513 = arith.constant 0 : index
    %get3A_514 = arith.constant 0 : index
    %get3A_515 = vector.load %arg18[%get3A_513, %get3A_514] : memref<512x256xf32, #tpu.memory_space<vmem>>, vector<256x256xf32>
    %dot_general3A_516 = arith.constant dense<0.000000e+00> : vector<512x256xf32>
    %dot_general3A_517 = tpu.matmul %mul3A_512, %get3A_515, %dot_general3A_516 {dimension_numbers = #tpu.dot_dimension_numbers<[1], [0], [0], [1], [0, 0, 1, 1], [], []>, transpose_lhs_hint = false} : vector<512x256xf32>, vector<256x256xf32>, vector<512x256xf32> -> vector<512x256xf32>
    %get3A_518 = arith.constant 256 : index
    %get3A_519 = arith.constant 0 : index
    %get3A_520 = vector.load %arg18[%get3A_518, %get3A_519] : memref<512x256xf32, #tpu.memory_space<vmem>>, vector<256x256xf32>
    %dot_general3A_521 = arith.constant dense<0.000000e+00> : vector<512x256xf32>
    %dot_general3A_522 = tpu.matmul %get3A_8, %get3A_520, %dot_general3A_521 {dimension_numbers = #tpu.dot_dimension_numbers<[1], [0], [0], [1], [0, 0, 1, 1], [], []>, transpose_lhs_hint = false} : vector<512x256xf32>, vector<256x256xf32>, vector<512x256xf32> -> vector<512x256xf32>
    %add3A_523 = arith.addf %dot_general3A_517, %dot_general3A_522 : vector<512x256xf32>
    %get3A_524 = arith.constant 0 : index
    %get3A_525 = arith.constant 0 : index
    %get3A_526 = vector.load %arg19[%get3A_524, %get3A_525] : memref<1x256xf32, #tpu.memory_space<vmem>>, vector<1x256xf32>
    %add3A_527 = vector.broadcast %get3A_526 : vector<1x256xf32> to vector<512x256xf32>
    %add3A_528 = arith.addf %add3A_523, %add3A_527 : vector<512x256xf32>
    %mul3A_529 = arith.constant 5.000000e-01 : f32
    %mul3A_530 = vector.broadcast %mul3A_529 : f32 to vector<512x256xf32>
    %mul3A_531 = arith.mulf %mul3A_530, %add3A_528 : vector<512x256xf32>
    %mul3A_532 = arith.constant 0.707106769 : f32
    %mul3A_533 = vector.broadcast %mul3A_532 : f32 to vector<512x256xf32>
    %mul3A_534 = arith.mulf %add3A_528, %mul3A_533 : vector<512x256xf32>
    %erf3A_535 = math.erf %mul3A_534 : vector<512x256xf32>
    %add3A_536 = arith.constant 1.000000e+00 : f32
    %add3A_537 = vector.broadcast %add3A_536 : f32 to vector<512x256xf32>
    %add3A_538 = arith.addf %add3A_537, %erf3A_535 : vector<512x256xf32>
    %mul3A_539 = arith.mulf %mul3A_531, %add3A_538 : vector<512x256xf32>
    %get3A_540 = arith.constant 0 : index
    %get3A_541 = arith.constant 0 : index
    %get3A_542 = vector.load %arg20[%get3A_540, %get3A_541] : memref<256x1xf32, #tpu.memory_space<vmem>>, vector<256x1xf32>
    %dot_general3A_543 = arith.constant dense<0.000000e+00> : vector<512x1xf32>
    %dot_general3A_544 = tpu.matmul %mul3A_539, %get3A_542, %dot_general3A_543 {dimension_numbers = #tpu.dot_dimension_numbers<[1], [0], [0], [1], [0, 0, 1, 1], [], []>, transpose_lhs_hint = false} : vector<512x256xf32>, vector<256x1xf32>, vector<512x1xf32> -> vector<512x1xf32>
    %get3A_545 = arith.constant 0 : index
    %get3A_546 = arith.constant 0 : index
    %get3A_547 = vector.load %arg21[%get3A_545, %get3A_546] : memref<1x1xf32, #tpu.memory_space<vmem>>, vector<1x1xf32>
    %add3A_548 = vector.broadcast %get3A_547 : vector<1x1xf32> to vector<512x1xf32>
    %add3A_549 = arith.addf %dot_general3A_544, %add3A_548 : vector<512x1xf32>
    %broadcast_in_dim3A_550 = vector.shape_cast %add3A_549 : vector<512x1xf32> to vector<1x512x1xf32>
    %swap3A = arith.constant 0 : index
    %swap3A_551 = arith.constant 0 : index
    %swap3A_552 = arith.constant 0 : index
    %swap3A_553 = vector.load %arg22[%swap3A, %swap3A_551, %swap3A_552] : memref<1x512x1xf32, #tpu.memory_space<vmem>>, vector<1x512x1xf32>
    tpu.vector_store %arg22[%swap3A, %swap3A_551, %swap3A_552], %broadcast_in_dim3A_550 {strides = array<i32>} : memref<1x512x1xf32, #tpu.memory_space<vmem>>, vector<1x512x1xf32>,
    %mul3A_554 = arith.mulf %div3A_125, %div3A_125 : vector<512x64xf32>
    %reduce_sum3A_555 = vector.shape_cast %mul3A_554 : vector<512x64xf32> to vector<1x512x64xf32>
    %reduce_sum3A_556 = arith.constant dense<0.000000e+00> : vector<1xf32>
    %reduce_sum3A_557 = vector.multi_reduction <add>, %reduce_sum3A_555, %reduce_sum3A_556 [1, 2] : vector<1x512x64xf32> to vector<1xf32>
    %reduce_sum3A_558 = vector.shape_cast %reduce_sum3A_557 : vector<1xf32> to vector<1x1x1xf32>
    %reduce_sum3A_559 = vector.extract %reduce_sum3A_558[0, 0, 0] : f32 from vector<1x1x1xf32>
    %sqrt3A_560 = math.sqrt %reduce_sum3A_559 : f32
    %add3A_561 = arith.constant 9.99999993E-9 : f32
    %add3A_562 = arith.addf %sqrt3A_560, %add3A_561 : f32
    %mul3A_563 = arith.mulf %div3A_213, %div3A_213 : vector<512x64xf32>
    %reduce_sum3A_564 = vector.shape_cast %mul3A_563 : vector<512x64xf32> to vector<1x512x64xf32>
    %reduce_sum3A_565 = arith.constant dense<0.000000e+00> : vector<1xf32>
    %reduce_sum3A_566 = vector.multi_reduction <add>, %reduce_sum3A_564, %reduce_sum3A_565 [1, 2] : vector<1x512x64xf32> to vector<1xf32>
    %reduce_sum3A_567 = vector.shape_cast %reduce_sum3A_566 : vector<1xf32> to vector<1x1x1xf32>
    %reduce_sum3A_568 = vector.extract %reduce_sum3A_567[0, 0, 0] : f32 from vector<1x1x1xf32>
    %sqrt3A_569 = math.sqrt %reduce_sum3A_568 : f32
    %add3A_570 = arith.constant 9.99999993E-9 : f32
    %add3A_571 = arith.addf %sqrt3A_569, %add3A_570 : f32
    %mul3A_572 = arith.mulf %div3A_301, %div3A_301 : vector<512x64xf32>
    %reduce_sum3A_573 = vector.shape_cast %mul3A_572 : vector<512x64xf32> to vector<1x512x64xf32>
    %reduce_sum3A_574 = arith.constant dense<0.000000e+00> : vector<1xf32>
    %reduce_sum3A_575 = vector.multi_reduction <add>, %reduce_sum3A_573, %reduce_sum3A_574 [1, 2] : vector<1x512x64xf32> to vector<1xf32>
    %reduce_sum3A_576 = vector.shape_cast %reduce_sum3A_575 : vector<1xf32> to vector<1x1x1xf32>
    %reduce_sum3A_577 = vector.extract %reduce_sum3A_576[0, 0, 0] : f32 from vector<1x1x1xf32>
    %sqrt3A_578 = math.sqrt %reduce_sum3A_577 : f32
    %add3A_579 = arith.constant 9.99999993E-9 : f32
    %add3A_580 = arith.addf %sqrt3A_578, %add3A_579 : f32
    %mul3A_581 = arith.mulf %div3A_125, %div3A_213 : vector<512x64xf32>
    %reduce_sum3A_582 = vector.shape_cast %mul3A_581 : vector<512x64xf32> to vector<1x512x64xf32>
    %reduce_sum3A_583 = arith.constant dense<0.000000e+00> : vector<1xf32>
    %reduce_sum3A_584 = vector.multi_reduction <add>, %reduce_sum3A_582, %reduce_sum3A_583 [1, 2] : vector<1x512x64xf32> to vector<1xf32>
    %reduce_sum3A_585 = vector.shape_cast %reduce_sum3A_584 : vector<1xf32> to vector<1x1x1xf32>
    %reduce_sum3A_586 = vector.extract %reduce_sum3A_585[0, 0, 0] : f32 from vector<1x1x1xf32>
    %mul3A_587 = arith.mulf %add3A_562, %add3A_571 : f32
    %div3A_588 = arith.divf %reduce_sum3A_586, %mul3A_587 : f32
    %mul3A_589 = arith.mulf %div3A_125, %div3A_301 : vector<512x64xf32>
    %reduce_sum3A_590 = vector.shape_cast %mul3A_589 : vector<512x64xf32> to vector<1x512x64xf32>
    %reduce_sum3A_591 = arith.constant dense<0.000000e+00> : vector<1xf32>
    %reduce_sum3A_592 = vector.multi_reduction <add>, %reduce_sum3A_590, %reduce_sum3A_591 [1, 2] : vector<1x512x64xf32> to vector<1xf32>
    %reduce_sum3A_593 = vector.shape_cast %reduce_sum3A_592 : vector<1xf32> to vector<1x1x1xf32>
    %reduce_sum3A_594 = vector.extract %reduce_sum3A_593[0, 0, 0] : f32 from vector<1x1x1xf32>
    %mul3A_595 = arith.mulf %add3A_562, %add3A_580 : f32
    %div3A_596 = arith.divf %reduce_sum3A_594, %mul3A_595 : f32
    %mul3A_597 = arith.mulf %div3A_213, %div3A_301 : vector<512x64xf32>
    %reduce_sum3A_598 = vector.shape_cast %mul3A_597 : vector<512x64xf32> to vector<1x512x64xf32>
    %reduce_sum3A_599 = arith.constant dense<0.000000e+00> : vector<1xf32>
    %reduce_sum3A_600 = vector.multi_reduction <add>, %reduce_sum3A_598, %reduce_sum3A_599 [1, 2] : vector<1x512x64xf32> to vector<1xf32>
    %reduce_sum3A_601 = vector.shape_cast %reduce_sum3A_600 : vector<1xf32> to vector<1x1x1xf32>
    %reduce_sum3A_602 = vector.extract %reduce_sum3A_601[0, 0, 0] : f32 from vector<1x1x1xf32>
    %mul3A_603 = arith.mulf %add3A_571, %add3A_580 : f32
    %div3A_604 = arith.divf %reduce_sum3A_602, %mul3A_603 : f32
    %add3A_605 = arith.addf %div3A_588, %div3A_596 : f32
    %add3A_606 = arith.addf %add3A_605, %div3A_604 : f32
    %mul3A_607 = arith.constant 2.000000e+00 : f32
    %mul3A_608 = arith.mulf %mul3A_607, %add3A_606 : f32
    %div3A_609 = arith.constant 6.000000e+00 : f32
    %div3A_610 = arith.divf %mul3A_608, %div3A_609 : f32
    %add3A_611 = arith.addf %div3A_150, %div3A_238 : f32
    %add3A_612 = arith.addf %add3A_611, %div3A_326 : f32
    %div3A_613 = arith.constant 3.000000e+00 : f32
    %div3A_614 = arith.divf %add3A_612, %div3A_613 : f32
    %add3A_615 = arith.addf %div3A_66, %div3A_614 : f32
    %reshape3A = vector.broadcast %add3A_615 : f32 to vector<1x1x1xf32>
    %swap3A_616 = arith.constant 0 : index
    %swap3A_617 = arith.constant 0 : index
    %swap3A_618 = arith.constant 0 : index
    %swap3A_619 = vector.load %arg23[%swap3A_616, %swap3A_617, %swap3A_618] : memref<1x1x1xf32, #tpu.memory_space<vmem>>, vector<1x1x1xf32>
    tpu.vector_store %arg23[%swap3A_616, %swap3A_617, %swap3A_618], %reshape3A {strides = array<i32>} : memref<1x1x1xf32, #tpu.memory_space<vmem>>, vector<1x1x1xf32>,
    %add3A_620 = arith.addf %div3A_170, %div3A_258 : f32
    %add3A_621 = arith.addf %add3A_620, %div3A_346 : f32
    %div3A_622 = arith.constant 3.000000e+00 : f32
    %div3A_623 = arith.divf %add3A_621, %div3A_622 : f32
    %add3A_624 = arith.addf %div3A_82, %div3A_623 : f32
    %reshape3A_625 = vector.broadcast %add3A_624 : f32 to vector<1x1x1xf32>
    %swap3A_626 = arith.constant 0 : index
    %swap3A_627 = arith.constant 0 : index
    %swap3A_628 = arith.constant 0 : index
    %swap3A_629 = vector.load %arg24[%swap3A_626, %swap3A_627, %swap3A_628] : memref<1x1x1xf32, #tpu.memory_space<vmem>>, vector<1x1x1xf32>
    tpu.vector_store %arg24[%swap3A_626, %swap3A_627, %swap3A_628], %reshape3A_625 {strides = array<i32>} : memref<1x1x1xf32, #tpu.memory_space<vmem>>, vector<1x1x1xf32>,
    %reshape3A_630 = vector.broadcast %div3A_610 : f32 to vector<1x1x1xf32>
    %swap3A_631 = arith.constant 0 : index
    %swap3A_632 = arith.constant 0 : index
    %swap3A_633 = arith.constant 0 : index
    %swap3A_634 = vector.load %arg25[%swap3A_631, %swap3A_632, %swap3A_633] : memref<1x1x1xf32, #tpu.memory_space<vmem>>, vector<1x1x1xf32>
    tpu.vector_store %arg25[%swap3A_631, %swap3A_632, %swap3A_633], %reshape3A_630 {strides = array<i32>} : memref<1x1x1xf32, #tpu.memory_space<vmem>>, vector<1x1x1xf32>,
    %reshape3A_635 = vector.broadcast %logistic3A_424 : f32 to vector<1x1x1xf32>
    %swap3A_636 = arith.constant 0 : index
    %swap3A_637 = arith.constant 0 : index
    %swap3A_638 = arith.constant 0 : index
    %swap3A_639 = vector.load %arg26[%swap3A_636, %swap3A_637, %swap3A_638] : memref<1x1x1xf32, #tpu.memory_space<vmem>>, vector<1x1x1xf32>
    tpu.vector_store %arg26[%swap3A_636, %swap3A_637, %swap3A_638], %reshape3A_635 {strides = array<i32>} : memref<1x1x1xf32, #tpu.memory_space<vmem>>, vector<1x1x1xf32>,
    return
  }
  func.func @transform_0(%arg0: i32) -> (i32, i32, i32) {
    %c0_i32 = arith.constant 0 : i32
    %c0_i32_0 = arith.constant 0 : i32
    %c0_i32_1 = arith.constant 0 : i32
    return %arg0, %c0_i32, %c0_i32_0 : i32, i32, i32
  }
  func.func @transform_1(%arg0: i32) -> (i32, i32, i32) {
    %c0_i32 = arith.constant 0 : i32
    %c0_i32_0 = arith.constant 0 : i32
    %c0_i32_1 = arith.constant 0 : i32
    return %arg0, %c0_i32, %c0_i32_0 : i32, i32, i32
  }
  func.func @transform_2(%arg0: i32) -> (i32, i32, i32) {
    %c0_i32 = arith.constant 0 : i32
    %c0_i32_0 = arith.constant 0 : i32
    %c0_i32_1 = arith.constant 0 : i32
    return %arg0, %c0_i32, %c0_i32_0 : i32, i32, i32
  }
  func.func @transform_3(%arg0: i32) -> (i32, i32, i32) {
    %c0_i32 = arith.constant 0 : i32
    %c0_i32_0 = arith.constant 0 : i32
    %c0_i32_1 = arith.constant 0 : i32
    return %arg0, %c0_i32, %c0_i32_0 : i32, i32, i32
  }
  func.func @transform_4(%arg0: i32) -> (i32, i32, i32, i32) {
    %c0_i32 = arith.constant 0 : i32
    %c0_i32_0 = arith.constant 0 : i32
    %c0_i32_1 = arith.constant 0 : i32
    %c0_i32_2 = arith.constant 0 : i32
    return %arg0, %c0_i32, %c0_i32_0, %c0_i32_1 : i32, i32, i32, i32
  }
  func.func @transform_5(%arg0: i32) -> (i32, i32) {
    %c0_i32 = arith.constant 0 : i32
    %c0_i32_0 = arith.constant 0 : i32
    %c0_i32_1 = arith.constant 0 : i32
    return %c0_i32, %c0_i32_0 : i32, i32
  }
  func.func @transform_6(%arg0: i32) -> (i32, i32) {
    %c0_i32 = arith.constant 0 : i32
    %c0_i32_0 = arith.constant 0 : i32
    %c0_i32_1 = arith.constant 0 : i32
    return %c0_i32, %c0_i32_0 : i32, i32
  }
  func.func @transform_7(%arg0: i32) -> (i32, i32) {
    %c0_i32 = arith.constant 0 : i32
    %c0_i32_0 = arith.constant 0 : i32
    %c0_i32_1 = arith.constant 0 : i32
    return %c0_i32, %c0_i32_0 : i32, i32
  }
  func.func @transform_8(%arg0: i32) -> (i32, i32) {
    %c0_i32 = arith.constant 0 : i32
    %c0_i32_0 = arith.constant 0 : i32
    %c0_i32_1 = arith.constant 0 : i32
    return %c0_i32, %c0_i32_0 : i32, i32
  }
  func.func @transform_9(%arg0: i32) -> (i32, i32) {
    %c0_i32 = arith.constant 0 : i32
    %c0_i32_0 = arith.constant 0 : i32
    %c0_i32_1 = arith.constant 0 : i32
    return %c0_i32, %c0_i32_0 : i32, i32
  }
  func.func @transform_10(%arg0: i32) -> (i32, i32) {
    %c0_i32 = arith.constant 0 : i32
    %c0_i32_0 = arith.constant 0 : i32
    %c0_i32_1 = arith.constant 0 : i32
    return %c0_i32, %c0_i32_0 : i32, i32
  }
  func.func @transform_11(%arg0: i32) -> (i32, i32) {
    %c0_i32 = arith.constant 0 : i32
    %c0_i32_0 = arith.constant 0 : i32
    %c0_i32_1 = arith.constant 0 : i32
    return %c0_i32, %c0_i32_0 : i32, i32
  }
  func.func @transform_12(%arg0: i32) -> (i32, i32) {
    %c0_i32 = arith.constant 0 : i32
    %c0_i32_0 = arith.constant 0 : i32
    %c0_i32_1 = arith.constant 0 : i32
    return %c0_i32, %c0_i32_0 : i32, i32
  }
  func.func @transform_13(%arg0: i32) -> (i32, i32) {
    %c0_i32 = arith.constant 0 : i32
    %c0_i32_0 = arith.constant 0 : i32
    %c0_i32_1 = arith.constant 0 : i32
    return %c0_i32, %c0_i32_0 : i32, i32
  }
  func.func @transform_14(%arg0: i32) -> (i32, i32) {
    %c0_i32 = arith.constant 0 : i32
    %c0_i32_0 = arith.constant 0 : i32
    %c0_i32_1 = arith.constant 0 : i32
    return %c0_i32, %c0_i32_0 : i32, i32
  }
  func.func @transform_15(%arg0: i32) -> (i32, i32) {
    %c0_i32 = arith.constant 0 : i32
    %c0_i32_0 = arith.constant 0 : i32
    %c0_i32_1 = arith.constant 0 : i32
    return %c0_i32, %c0_i32_0 : i32, i32
  }
  func.func @transform_16(%arg0: i32) -> (i32, i32) {
    %c0_i32 = arith.constant 0 : i32
    %c0_i32_0 = arith.constant 0 : i32
    %c0_i32_1 = arith.constant 0 : i32
    return %c0_i32, %c0_i32_0 : i32, i32
  }
  func.func @transform_17(%arg0: i32) -> (i32, i32) {
    %c0_i32 = arith.constant 0 : i32
    %c0_i32_0 = arith.constant 0 : i32
    %c0_i32_1 = arith.constant 0 : i32
    return %c0_i32, %c0_i32_0 : i32, i32
  }
  func.func @transform_18(%arg0: i32) -> (i32, i32) {
    %c0_i32 = arith.constant 0 : i32
    %c0_i32_0 = arith.constant 0 : i32
    %c0_i32_1 = arith.constant 0 : i32
    return %c0_i32, %c0_i32_0 : i32, i32
  }
  func.func @transform_19(%arg0: i32) -> (i32, i32) {
    %c0_i32 = arith.constant 0 : i32
    %c0_i32_0 = arith.constant 0 : i32
    %c0_i32_1 = arith.constant 0 : i32
    return %c0_i32, %c0_i32_0 : i32, i32
  }
  func.func @transform_20(%arg0: i32) -> (i32, i32) {
    %c0_i32 = arith.constant 0 : i32
    %c0_i32_0 = arith.constant 0 : i32
    %c0_i32_1 = arith.constant 0 : i32
    return %c0_i32, %c0_i32_0 : i32, i32
  }
  func.func @transform_21(%arg0: i32) -> (i32, i32, i32) {
    %c0_i32 = arith.constant 0 : i32
    %c0_i32_0 = arith.constant 0 : i32
    %c0_i32_1 = arith.constant 0 : i32
    return %arg0, %c0_i32, %c0_i32_0 : i32, i32, i32
  }
  func.func @transform_22(%arg0: i32) -> (i32, i32, i32) {
    %c0_i32 = arith.constant 0 : i32
    %c0_i32_0 = arith.constant 0 : i32
    %c0_i32_1 = arith.constant 0 : i32
    return %arg0, %c0_i32, %c0_i32_0 : i32, i32, i32
  }
  func.func @transform_23(%arg0: i32) -> (i32, i32, i32) {
    %c0_i32 = arith.constant 0 : i32
    %c0_i32_0 = arith.constant 0 : i32
    %c0_i32_1 = arith.constant 0 : i32
    return %arg0, %c0_i32, %c0_i32_0 : i32, i32, i32
  }
  func.func @transform_24(%arg0: i32) -> (i32, i32, i32) {
    %c0_i32 = arith.constant 0 : i32
    %c0_i32_0 = arith.constant 0 : i32
    %c0_i32_1 = arith.constant 0 : i32
    return %arg0, %c0_i32, %c0_i32_0 : i32, i32, i32
  }
  func.func @transform_25(%arg0: i32) -> (i32, i32, i32) {
    %c0_i32 = arith.constant 0 : i32
    %c0_i32_0 = arith.constant 0 : i32
    %c0_i32_1 = arith.constant 0 : i32
    return %arg0, %c0_i32, %c0_i32_0 : i32, i32, i32
  }
}

</mosaic_0001>

<sc_bundles>
// kernel: kernel.6.cloned.1.call-start
scs
__scs_entry_jumppad:
0x0: {  	(pc) =	sbr.rel $0x88, $3  }
0x1: {  	(tag) =	ssettag $0x0;
	lr =	simm.s32 $0x1  }
0x2: {  	[smem:$0x3F73] =	sst lr;
	_ =	strace $0xD0000000  }
0x3: {  	_ = 	snop  }
0x4: {  	_ = 	snop  }
0x5: {  	_ = 	snop  }
0x6: {  	_ = 	snop  }
0x7: {  	_ = 	snop  }
__scs_overlays_trampoline_lowered:
0x8: {  	[smem:$0x3F82] =	sst s0  }
0x9: {  	[smem:$0x3F83] =	sst s1  }
0xa: {  	[smem:$0x3F84] =	sst s2  }
0xb: {  	[smem:$0x3F85] =	sst s3  }
0xc: {  	[smem:$0x3F86] =	sst s4  }
0xd: {  	[smem:$0x3F87] =	sst s5  }
0xe: {  	[smem:$0x3F88] =	sst s6  }
0xf: {  	[smem:$0x3F89] =	sst s7  }
0x10: {  	[smem:$0x3F8A] =	sst s8  }
0x11: {  	[smem:$0x3F8B] =	sst s9;
	s0 =	simm.s32 @!p0 $0x0  }
0x12: {  	s1 =	sld [smem:$0x3F71];
	s0 =	simm.s32 @p0 $0x1  }
0x13: {  	[smem:$0x3F8C] =	sst s0;
	s0 =	simm.s32 @!p1 $0x0  }
0x14: {  	s2 =	sld [smem:$0x3F70];
	s0 =	simm.s32 @p1 $0x1  }
0x15: {  	[smem:$0x3F8D] =	sst s0;
	s0 =	simm.s32 @!p2 $0x0  }
0x16: {  	s3 =	sld [smem:$0x3FDB];
	s0 =	simm.s32 @p2 $0x1  }
0x17: {  	s4 =	simm.s32 $0x1BF5;
	[smem:$0x3F8F] =	sst s0  }
0x18: {  	s0 =	sld [smem:$0x3F72];
	_ =	swait.ge [sflag:s4], $0x0  }
0x19: {  	s7 =	sld [smem:$0x3F73]  }
0x1a: {  	s8 =	sadd.s32 $0xFFFFE003, lr  }
0x1b: {  	s9 =	sadd.s32 $0xFFFFFEF7, lr;
	s5 =	simm.s32 $0xFFFFFFFF;
	p2 =	slt.u32 s8, $0xFFFFF086  }
0x1c: {  	p1 =	slt.u32 s9, $0xF7A;
	s5 =	simm.s32 @!p2 $0x0  }
0x1d: {  	s5 =	simm.s32 @p1 $0x1;
	p0 =	seq.s32 s7, s2  }
0x1e: {  	s7 =	smul.u32 @!p0 $0xF7A, s2;
	p2 =	seq.s32 @!p0 s5, $0x0  }
0x1f: {  	s9 =	smul.u32 $0xF7A, s1;
	s8 =	simm.s32 @!p0 $0x1BF5;
	p2 =	por !p2, p0  }
0x20: {  	[sflag:s8] =	ssyncset.s32 @!p0 $0xFFFFF086;
	s6 =	sadd.s32 @!p0 s3, s7;
	s7 =	simm.s32 @!p0 $0x108  }
0x21: {  	s3 =	sadd.s32 s3, s9;
	s6 =	sadd.s32 @!p0 $0x88, s6;
	s7 =	simm.s32 @p2 $0x1082  }
0x22: {  	[simem:s7], [sflag:s8] =	dma.local @!p0 [hbm:s6], $0xF7A  }
0x23: {  	s9 =	sor.u32 $0xD0000000, s2;
	s6 =	simm.s32 $0x108;
	_ =	swait.ge @!p0 [sflag:s8], $0x0  }
0x24: {  	s3 =	sadd.s32 $0x88, s3;
	s6 =	simm.s32 @!p1 $0x1082;
	[sflag:s4] =	ssyncset.s32 $0xFFFFF086  }
0x25: {  	[simem:s6], [sflag:s4] =	dma.local [hbm:s3], $0xF7A  }
0x26: {  	[smem:$0x3F73] =	sst s1;
	(tag) =	ssettag s2;
	_ =	strace s9  }
0x27: {  	s1 =	sld [smem:$0x3F83]  }
0x28: {  	s2 =	sld [smem:$0x3F84]  }
0x29: {  	s4 =	sld [smem:$0x3F86]  }
0x2a: {  	p0 =	seq.s32 s5, $0x0;
	s5 =	sld [smem:$0x3F87]  }
0x2b: {  	s6 =	sld [smem:$0x3F88]  }
0x2c: {  	s7 =	sld [smem:$0x3F89]  }
0x2d: {  	s3 =	simm.s32 $0x108;
	s8 =	sld [smem:$0x3F8A]  }
0x2e: {  	s3 =	simm.s32 @!p0 $0x1082;
	s9 =	sld [smem:$0x3F8B]  }
0x2f: {  	lr =	sadd.s32 s0, s3;
	s0 =	sld [smem:$0x3F82]  }
0x30: {  	s3 =	sld [smem:$0x3F85]  }
0x31: {  	[smem:$0x3F8E] =	sst s10  }
0x32: {  	s10 =	sld [smem:$0x3F8C];
	_ =	sdelay $0x3  }
0x33: {  	p0 =	seq.s32 s10, $0x1;
	s10 =	sld [smem:$0x3F8E];
	_ =	sdelay $0x3  }
0x34: {  	[smem:$0x3F8E] =	sst s10  }
0x35: {  	s10 =	sld [smem:$0x3F8D];
	_ =	sdelay $0x3  }
0x36: {  	p1 =	seq.s32 s10, $0x1;
	s10 =	sld [smem:$0x3F8E];
	_ =	sdelay $0x3  }
0x37: {  	[smem:$0x3F8E] =	sst s10  }
0x38: {  	s10 =	sld [smem:$0x3F8F]  }
0x39: {  	_ = 	snop;
	(pc) =	sbr.ind lr, $3  }
0x3a: {  	_ = 	snop  }
0x3b: {  	_ = 	snop  }
0x3c: {  	p2 =	seq.s32 s10, $0x1;
	s10 =	sld [smem:$0x3F8E]  }
0x3d: {  	_ =	shalt  }
0x3e: {  	_ =	shalt  }
0x3f: {  	_ =	shalt  }
0x40: {  	_ =	shalt  }
0x41: {  	_ =	shalt  }
0x42: {  	_ =	shalt  }
0x43: {  	_ =	shalt  }
0x44: {  	_ =	shalt  }
0x45: {  	_ =	shalt  }
0x46: {  	_ =	shalt  }
0x47: {  	_ =	shalt  }
0x48: {  	_ =	shalt  }
0x49: {  	_ =	shalt  }
0x4a: {  	_ =	shalt  }
0x4b: {  	_ =	shalt  }
0x4c: {  	_ =	shalt  }
0x4d: {  	_ =	shalt  }
0x4e: {  	_ =	shalt  }
0x4f: {  	_ =	shalt  }
0x50: {  	_ =	shalt  }
0x51: {  	_ =	shalt  }
0x52: {  	_ =	shalt  }
0x53: {  	_ =	shalt  }
0x54: {  	_ =	shalt  }
0x55: {  	_ =	shalt  }
0x56: {  	_ =	shalt  }
0x57: {  	_ =	shalt  }
0x58: {  	_ =	shalt  }
0x59: {  	_ =	shalt  }
0x5a: {  	_ =	shalt  }
0x5b: {  	_ =	shalt  }
0x5c: {  	_ =	shalt  }
0x5d: {  	_ =	shalt  }
0x5e: {  	_ =	shalt  }
0x5f: {  	_ =	shalt  }
0x60: {  	_ =	shalt  }
0x61: {  	_ =	shalt  }
0x62: {  	_ =	shalt  }
0x63: {  	_ =	shalt  }
0x64: {  	_ =	shalt  }
0x65: {  	_ =	shalt  }
0x66: {  	_ =	shalt  }
0x67: {  	_ =	shalt  }
0x68: {  	_ =	shalt  }
0x69: {  	_ =	shalt  }
0x6a: {  	_ =	shalt  }
0x6b: {  	_ =	shalt  }
0x6c: {  	_ =	shalt  }
0x6d: {  	_ =	shalt  }
0x6e: {  	_ =	shalt  }
0x6f: {  	_ =	shalt  }
0x70: {  	_ =	shalt  }
0x71: {  	_ =	shalt  }
0x72: {  	_ =	shalt  }
0x73: {  	_ =	shalt  }
0x74: {  	_ =	shalt  }
0x75: {  	_ =	shalt  }
0x76: {  	_ =	shalt  }
0x77: {  	_ =	shalt  }
0x78: {  	_ =	shalt  }
0x79: {  	_ =	shalt  }
0x7a: {  	_ =	shalt  }
0x7b: {  	_ =	shalt  }
0x7c: {  	_ =	shalt  }
0x7d: {  	_ =	shalt  }
0x7e: {  	_ =	shalt  }
0x7f: {  	_ =	shalt  }
0x80: {  	_ =	shalt  }
0x81: {  	_ =	shalt  }
0x82: {  	_ =	shalt  }
0x83: {  	_ =	shalt  }
0x84: {  	_ =	shalt  }
0x85: {  	_ =	shalt  }
0x86: {  	_ =	shalt  }
0x87: {  	_ =	shalt  }
.Lfunc_end0:
.L_simem_size_0:
called_computation_lowered:
.L_overlay_start_0:
0x88: {  	s2 =	sld [smem:$0x3FD9]  }
0x89: {  	s3 =	sld [smem:$0x3FFE];
	_ =	sdelay $0x1  }
0x8a: {  	s1 =	srdreg.scid  }
0x8b: {  	s0 =	sand.u32 $0x1, s1  }
0x8c: {  	s16 =	sshll.u32 s0, $0xA;
	s2 =	sadd.s32 s3, s2  }
0x8d: {  	s2 =	sadd.s32 s2, s16  }
0x8e: {  	[smem:$0x3F9A] =	sst s2  }
0x8f: {  	_ = 	snop  }
0x90: {  	(tm) =	ssettm $0x1  }
0x91: {  	s17 =	sld [smem:$0x3FFB];
	_ =	sdelay $0x3  }
0x92: {  	_ =	strace s17  }
0x93: {  	s2 =	sld [smem:$0x3FFC];
	_ =	sdelay $0x3  }
0x94: {  	_ =	strace s2  }
0x95: {  	s2 =	sld [smem:$0x3FFD];
	_ =	sdelay $0x3  }
0x96: {  	_ =	strace s2  }
0x97: {  	_ =	strace $0x8FFFFFFF  }
0x98: {  	s18 =	sld [smem:$0x3FDB];
	_ =	sdelay $0x1  }
0x99: {  	s19 =	simm.s32 $_scs_section_size  }
0x9a: {  	s4 =	simm.s32 $_size__tile_overlayer_lowered;
	s5 =	simm.s32 $_tile_overlayer_lowered  }
0x9b: {  	s22 =	simm.s32 $0x1BFF;
	s21 =	sshll.u32 s5, $0x1;
	s2 =	sadd.s32 s19, s18  }
0x9c: {  	s6 =	simm.s32 $0x0;
	s20 =	sshll.u32 s4, $0x1;
	s4 =	sadd.s32 s21, s2  }
0x9d: {  	[timem:s6], [sflag:s22] =	dma.local [hbm:s4], s20  }
0x9e: {  	_ =	swait.ge [sflag:s22], s20  }
0x9f: {  	s3 =	ssub.s32 $0x0, s20;
	[sflag:s22] =	ssyncset.done $0x0  }
0xa0: {  	[sflag:s22] =	ssyncadd.s32 s3;
	_ =	sdelay $0x1  }
0xa1: {  	s23 =	simm.s32 $0x1B8B  }
0xa2: {  	_ =	swait.ge [sflag:s23], $0x1  }
0xa3: {  	[sflag:s23] =	ssyncset.done $0x0  }
0xa4: {  	s25 =	simm.s32 $0x1B8E;
	s24 =	sld [smem:$0x3FFE];
	[sflag:s23] =	ssyncadd.s32 $0xFFFFFFFF  }
0xa5: {  	s26 =	simm.s32 $execute0_lowered;
	[smem:$0x3FD2] =	sst s25  }
0xa6: {  	s4 =	sshll.u32 s26, $0x1;
	_ =	strace $0x80000046;
	[dreg:$0x1] =	wrdreg $0xFFFFFFFF  }
0xa7: {  	s28 =	simm.s32 $_size_execute0_lowered;
	s2 =	sadd.s32 s2, s4;
	[dreg:$0x0] =	wrdreg $0x0  }
0xa8: {  	s4 =	sshll.u32 s28, $0x1;
	[dreg:$0x2] =	wrdreg s2  }
0xa9: {  	[dreg:$0x3] =	wrdreg s4  }
0xaa: {  	[dreg:$0x4] =	wrdreg $0xC0  }
0xab: {  	_ =	task [dreg:s6], $0x5FFFF  }
0xac: {  	[dreg:$0x1] =	wrdreg $0xFFFFFFFF  }
0xad: {  	[dreg:$0x0] =	wrdreg $0x60  }
0xae: {  	[dreg:$0x2] =	wrdreg s24  }
0xaf: {  	[dreg:$0x3] =	wrdreg $0x9  }
0xb0: {  	_ =	task.clear_ibuf [dreg:s6], $0x4FFFF;
	_ =	strace $0x90000046  }
0xb1: {  	s29 =	simm.s32 $0x9;
	_ =	strace $0x80000048  }
0xb2: {  	_ =	swait.ge [sflag:s29], $0x1  }
0xb3: {  	[sflag:s29] =	ssyncadd.s32 $0xFFFFFFFF  }
0xb4: {  	_ =	strace $0x90000048  }
0xb5: {  	_ =	sfence  }
0xb6: {  	s30 =	sld [smem:$0x0];
	_ =	sdelay $0x2  }
0xb7: {  	s31 =	sshll.u32 s1, $0xD;
	s1 =	sshrl.u32 s1, $0x2  }
0xb8: {  	s3 =	sand.u32 $0x4000, s31;
	s1 =	sadd.s32 s1, s30  }
0xb9: {  	s0 =	sor.u32 s3, s0;
	s1 =	sshll.u32 s1, $0x11  }
0xba: {  	s0 =	sor.u32 s1, s0  }
0xbb: {  	s0 =	sadd.s32 $0x8F2B, s0  }
0xbc: {  	[sflag:s0] =	ssyncadd.remote.s32 $0x1  }
0xbd: {  	_ =	sfence.sel $0xFFFF  }
0xbe: {  	[dreg:$0x0] =	wrdreg $0xFFFFFFFF;
	(pc) =	sbr.abs _section_cstart, $3  }
0xbf: {  	[dreg:$0x1] =	wrdreg $0xFFFFFFFF  }
0xc0: {  	_ =	task.clear_ibuf [dreg:s6], $0x2FFFF;
	_ =	strace $0x9FFFFFFF  }
0xc1: {  	(tm) =	ssettm $0x7FFFFFFF  }
tec
execute0_lowered:
.L_overlay_start_1:
0x0: {  	(tag) =	ssettag $0x1  }
0x1: {  	s3 =	rddreg [dreg:$0x0]  }
0x2: {  	s0 =	rddreg [dreg:$0x1];
	s2 =	simm.s32 $0x0  }
0x3: {  	s4 =	srdreg.scid;
	s1 =	stileid.u32;
	s8 =	simm.s32 $0x1  }
0x4: {  	s9 =	simm.s32 $0x4000;
	s10 =	simm.s32 $0x0;
	s14 =	simm.s32 $0x0  }
0x5: {  	[smem:$0x7FF] =	sst s2;
	s4 =	sand.u32 $0x1, s4;
	s5 =	sshll.u32 s1, $0x8  }
0x6: {  	s6 =	sshrl.u32 s1, $0x2;
	s7 =	sshll.u32 s4, $0x7;
	s5 =	sand.u32 $0x300, s5  }
0x7: {  	s28 =	sshll.u32 s6, $0x10;
	s6 =	sshll.u32 s6, $0xA;
	s5 =	sor.u32 s7, s5  }
0x8: {  	_ =	strace $0x80000047;
	s4 =	ssub.s32 $0x2, s4;
	s7 =	sor.u32 s28, s5  }
0x9: {  	s30 =	sshrl.u32 s4, $0x1;
	s5 =	sor.u32 s6, s5;
	s29 =	sshrl.u32 s7, $0x3  }
0xa: {  	s31 =	ssub.s32 s4, s30;
	s5 =	sshrl.u32 s5, $0x3;
	s6 =	sadd.s32 s29, s3  }
0xb: {  	s7 =	simm.s32 $0x400;
	s5 =	sadd.s32 s5, s3;
	s3 =	sadd.s32 $0x4000, s6  }
0xc: {  	v0 =	vimm.s32 $0x0;
	s4 =	sadd.s32 $0xC000, s5;
	s5 =	smax.u32 s31, $0x1;
	s6 =	simm.s32 $0x80  }
.LBB2_1:
0xd: {  	[tilespmem:s2], [sflag:$0x1] =	stream.strided.gather [hbm4b:s3+s6], $0x2000, s7, s6, $0x38;
	[tilespmem:$0x4080] =	vst v63  }
0xe: {  	_ =	swait.ge [sflag:s8], $0x2000  }
0xf: {  	[sflag:s8] =	ssyncset.done $0x0  }
0x10: {  	s11 =	simm.s32 $0x0;
	[sflag:s8] =	ssyncadd.s32 $0xFFFFE000  }
0x11: {  	v8 =	vld [tilespmem:s11+$0xF0]  }
0x12: {  	v1 =	vld [tilespmem:s11+$0x0]  }
0x13: {  	v5 =	vld [tilespmem:s11+$0x40]  }
0x14: {  	v2 =	vld [tilespmem:s11+$0x10]  }
0x15: {  	v3 =	vld [tilespmem:s11+$0x20]  }
0x16: {  	v6 =	vld [tilespmem:s11+$0x50]  }
0x17: {  	v4 =	vld [tilespmem:s11+$0x30];
	v7 =	vand.u32 $0x7FFFFFFF, v8;
	v9 =	vand.u32 $0x7FFFFFFF, v1  }
0x18: {  	vm0 =	vlt.s32 v8, $0x0;
	v11 =	vand.u32 $0x7FFFFFFF, v5;
	v10 =	vsub.s32 $0x0, v7;
	v7 =	vld [tilespmem:s11+$0x60]  }
0x19: {  	v13 =	vsub.s32 $0x0, v9;
	v9 =	vand.u32 $0x7FFFFFFF, v2;
	v20 =	vsub.s32 $0x0, v11;
	v11 =	vld [tilespmem:s11+$0xA0]  }
0x1a: {  	v10 =	vsel vm0, v10, v8;
	v8 =	vld [tilespmem:s11+$0x70];
	v15 =	vsub.s32 $0x0, v9;
	v9 =	vand.u32 $0x7FFFFFFF, v3  }
0x1b: {  	v12 =	vand.u32 $0x7FFFFFFF, v6;
	v17 =	vsub.s32 $0x0, v9;
	v9 =	vld [tilespmem:s11+$0x80]  }
0x1c: {  	vm1 =	vlt.s32 v2, $0x0;
	vm2 =	vlt.s32 v3, $0x0;
	v21 =	vsub.s32 $0x0, v12;
	v12 =	vld [tilespmem:s11+$0xB0]  }
0x1d: {  	vm3 =	vlt.s32 v4, $0x0;
	vm4 =	vlt.s32 v5, $0x0;
	[tilespmem:s11+$0x20F0] =	vst v10;
	v10 =	vand.u32 $0x7FFFFFFF, v4  }
0x1e: {  	vm5 =	vlt.s32 v6, $0x0;
	v18 =	vsub.s32 $0x0, v10;
	v10 =	vld [tilespmem:s11+$0x90];
	v14 =	vand.u32 $0x7FFFFFFF, v7  }
0x1f: {  	vm0 =	vlt.s32 v1, $0x0;
	v22 =	vsub.s32 $0x0, v14;
	v16 =	vand.u32 $0x7FFFFFFF, v8;
	v14 =	vld [tilespmem:s11+$0xC0]  }
0x20: {  	vm6 =	vlt.s32 v7, $0x0;
	v23 =	vsub.s32 $0x0, v16;
	v19 =	vand.u32 $0x7FFFFFFF, v9;
	v16 =	vld [tilespmem:s11+$0xD0]  }
0x21: {  	v26 =	vand.u32 $0x7FFFFFFF, v11;
	v27 =	vand.u32 $0x7FFFFFFF, v12;
	v24 =	vsub.s32 $0x0, v19;
	v19 =	vld [tilespmem:s11+$0xE0]  }
0x22: {  	vm10 =	vlt.s32 v11, $0x0;
	vm11 =	vlt.s32 v12, $0x0;
	vm7 =	vlt.s32 v8, $0x0  }
0x23: {  	v26 =	vsub.s32 $0x0, v26;
	v27 =	vsub.s32 $0x0, v27;
	vm8 =	vlt.s32 v9, $0x0  }
0x24: {  	v25 =	vand.u32 $0x7FFFFFFF, v10;
	vm9 =	vlt.s32 v10, $0x0;
	v28 =	vand.u32 $0x7FFFFFFF, v14  }
0x25: {  	v25 =	vsub.s32 $0x0, v25;
	vm12 =	vlt.s32 v14, $0x0;
	v28 =	vsub.s32 $0x0, v28  }
0x26: {  	v29 =	vand.u32 $0x7FFFFFFF, v16;
	vm14 =	vlt.s32 v16, $0x0;
	v30 =	vand.u32 $0x7FFFFFFF, v19  }
0x27: {  	s12 =	simm.s32 $0x100;
	s13 =	simm.s32 $0x800;
	v29 =	vsub.s32 $0x0, v29;
	vm13 =	vlt.s32 v19, $0x0;
	v30 =	vsub.s32 $0x0, v30  }
.LBB2_2:
0x28: {  	p0 =	sne.s32 s13, $0x7C00;
	v31 =	vld [tilespmem:s12+$0xF0];
	v13 =	vsel vm0, v13, v1;
	v15 =	vsel vm1, v15, v2;
	v17 =	vsel vm2, v17, v3  }
0x29: {  	v1 =	vld [tilespmem:s12+$0x0];
	[tilespmem:s11+$0x2000] =	vst v13;
	v13 =	vsel vm3, v18, v4;
	v18 =	vsel vm4, v20, v5;
	v20 =	vsel vm5, v21, v6  }
0x2a: {  	v21 =	vsel vm7, v23, v8;
	v2 =	vld [tilespmem:s12+$0x10];
	[tilespmem:s11+$0x2010] =	vst v15;
	v15 =	vsel vm6, v22, v7;
	v22 =	vsel vm8, v24, v9  }
0x2b: {  	v23 =	vsel vm9, v25, v10;
	v25 =	vsel vm11, v27, v12;
	v24 =	vsel vm10, v26, v11;
	v3 =	vld [tilespmem:s12+$0x20];
	[tilespmem:s11+$0x2020] =	vst v17  }
0x2c: {  	v27 =	vsel vm14, v29, v16;
	v26 =	vsel vm12, v28, v14;
	v28 =	vsel vm13, v30, v19;
	v4 =	vld [tilespmem:s12+$0x30];
	[tilespmem:s11+$0x2030] =	vst v13  }
0x2d: {  	v5 =	vld [tilespmem:s12+$0x40];
	v7 =	vand.u32 $0x7FFFFFFF, v31;
	[tilespmem:s11+$0x2040] =	vst v18  }
0x2e: {  	vm0 =	vlt.s32 v31, $0x0;
	v8 =	vand.u32 $0x7FFFFFFF, v1;
	v6 =	vld [tilespmem:s12+$0x50];
	v9 =	vsub.s32 $0x0, v7;
	[tilespmem:s11+$0x2050] =	vst v20  }
0x2f: {  	v13 =	vsub.s32 $0x0, v8;
	v8 =	vand.u32 $0x7FFFFFFF, v2;
	v7 =	vld [tilespmem:s12+$0x60];
	v9 =	vsel vm0, v9, v31;
	[tilespmem:s11+$0x2060] =	vst v15  }
0x30: {  	vm0 =	vlt.s32 v1, $0x0;
	v15 =	vsub.s32 $0x0, v8;
	v10 =	vand.u32 $0x7FFFFFFF, v3;
	v8 =	vld [tilespmem:s12+$0x70];
	[tilespmem:s12+$0x20F0] =	vst v9  }
0x31: {  	vm1 =	vlt.s32 v2, $0x0;
	v17 =	vsub.s32 $0x0, v10;
	v10 =	vand.u32 $0x7FFFFFFF, v4;
	v9 =	vld [tilespmem:s12+$0x80];
	[tilespmem:s11+$0x2070] =	vst v21  }
0x32: {  	vm2 =	vlt.s32 v3, $0x0;
	v18 =	vsub.s32 $0x0, v10;
	v11 =	vand.u32 $0x7FFFFFFF, v5;
	v10 =	vld [tilespmem:s12+$0x90];
	[tilespmem:s11+$0x2080] =	vst v22  }
0x33: {  	vm3 =	vlt.s32 v4, $0x0;
	v20 =	vsub.s32 $0x0, v11;
	v12 =	vand.u32 $0x7FFFFFFF, v6;
	v11 =	vld [tilespmem:s12+$0xA0];
	[tilespmem:s11+$0x2090] =	vst v23  }
0x34: {  	vm4 =	vlt.s32 v5, $0x0;
	v21 =	vsub.s32 $0x0, v12;
	v14 =	vand.u32 $0x7FFFFFFF, v7;
	v12 =	vld [tilespmem:s12+$0xB0];
	[tilespmem:s11+$0x20A0] =	vst v24  }
0x35: {  	vm5 =	vlt.s32 v6, $0x0;
	v22 =	vsub.s32 $0x0, v14;
	v16 =	vand.u32 $0x7FFFFFFF, v8;
	v14 =	vld [tilespmem:s12+$0xC0];
	[tilespmem:s11+$0x20B0] =	vst v25  }
0x36: {  	vm6 =	vlt.s32 v7, $0x0;
	v23 =	vsub.s32 $0x0, v16;
	v19 =	vand.u32 $0x7FFFFFFF, v9;
	v16 =	vld [tilespmem:s12+$0xD0];
	[tilespmem:s11+$0x20C0] =	vst v26  }
0x37: {  	vm7 =	vlt.s32 v8, $0x0;
	v24 =	vsub.s32 $0x0, v19;
	v25 =	vand.u32 $0x7FFFFFFF, v10;
	v19 =	vld [tilespmem:s12+$0xE0];
	[tilespmem:s11+$0x20D0] =	vst v27  }
0x38: {  	vm8 =	vlt.s32 v9, $0x0;
	v25 =	vsub.s32 $0x0, v25;
	v26 =	vand.u32 $0x7FFFFFFF, v11;
	[tilespmem:s11+$0x20E0] =	vst v28;
	s11 =	smov.u32 s12  }
.Ltmp0:
0x39: {  	vm9 =	vlt.s32 v10, $0x0;
	v26 =	vsub.s32 $0x0, v26;
	v27 =	vand.u32 $0x7FFFFFFF, v12;
	(pc) =	sbr.rel @p0 .LBB2_2-.Ltmp0, $4  }
0x3a: {  	vm10 =	vlt.s32 v11, $0x0;
	v27 =	vsub.s32 $0x0, v27;
	v28 =	vand.u32 $0x7FFFFFFF, v14  }
0x3b: {  	vm11 =	vlt.s32 v12, $0x0;
	v28 =	vsub.s32 $0x0, v28;
	v29 =	vand.u32 $0x7FFFFFFF, v16  }
0x3c: {  	vm12 =	vlt.s32 v14, $0x0;
	v29 =	vsub.s32 $0x0, v29;
	v30 =	vand.u32 $0x7FFFFFFF, v19  }
0x3d: {  	s12 =	sshra.s32 s13, $0x2;
	s13 =	sadd.s32 $0x400, s13;
	vm14 =	vlt.s32 v16, $0x0;
	vm13 =	vlt.s32 v19, $0x0;
	v30 =	vsub.s32 $0x0, v30  }
0x3e: {  	v31 =	vld [tilespmem:s12+$0xF0];
	v1 =	vsel vm0, v13, v1  }
0x3f: {  	v35 =	vld [tilespmem:s12+$0x0];
	[tilespmem:s11+$0x2000] =	vst v1;
	v1 =	vsel vm1, v15, v2  }
0x40: {  	v2 =	vld [tilespmem:s12+$0x10];
	[tilespmem:s11+$0x2010] =	vst v1;
	v1 =	vsel vm2, v17, v3  }
0x41: {  	v3 =	vld [tilespmem:s12+$0x20];
	[tilespmem:s11+$0x2020] =	vst v1;
	v1 =	vsel vm3, v18, v4  }
0x42: {  	v36 =	vld [tilespmem:s12+$0x30];
	[tilespmem:s11+$0x2030] =	vst v1;
	v1 =	vsel vm4, v20, v5  }
0x43: {  	v37 =	vld [tilespmem:s12+$0x40];
	[tilespmem:s11+$0x2040] =	vst v1;
	v1 =	vsel vm5, v21, v6;
	v39 =	vand.u32 $0x7FFFFFFF, v31  }
0x44: {  	v38 =	vld [tilespmem:s12+$0x50];
	[tilespmem:s11+$0x2050] =	vst v1;
	v1 =	vsel vm6, v22, v7;
	vm6 =	vlt.s32 v31, $0x0;
	v7 =	vsub.s32 $0x0, v39  }
0x45: {  	v12 =	vsel vm11, v27, v12;
	v40 =	vld [tilespmem:s12+$0x60];
	[tilespmem:s11+$0x2060] =	vst v1;
	v1 =	vsel vm6, v7, v31  }
0x46: {  	v14 =	vsel vm12, v28, v14;
	v46 =	vand.u32 $0x7FFFFFFF, v35;
	v41 =	vld [tilespmem:s12+$0x70];
	[tilespmem:s12+$0x20F0] =	vst v1;
	v1 =	vsel vm7, v23, v8  }
0x47: {  	v16 =	vsel vm14, v29, v16;
	v17 =	vsub.s32 $0x0, v46;
	v42 =	vld [tilespmem:s12+$0x80];
	[tilespmem:s11+$0x2070] =	vst v1;
	v1 =	vsel vm8, v24, v9  }
0x48: {  	v47 =	vand.u32 $0x7FFFFFFF, v2;
	vm11 =	vlt.s32 v2, $0x0;
	v43 =	vld [tilespmem:s12+$0x90];
	[tilespmem:s11+$0x2080] =	vst v1;
	v1 =	vsel vm9, v25, v10  }
0x49: {  	v18 =	vsub.s32 $0x0, v47;
	v49 =	vand.u32 $0x7FFFFFFF, v3;
	v44 =	vld [tilespmem:s12+$0xA0];
	[tilespmem:s11+$0x2090] =	vst v1;
	v1 =	vsel vm10, v26, v11  }
0x4a: {  	vm12 =	vlt.s32 v3, $0x0;
	v50 =	vand.u32 $0x7FFFFFFF, v36;
	v2 =	vsel vm11, v18, v2;
	v45 =	vld [tilespmem:s12+$0xB0];
	[tilespmem:s11+$0x20A0] =	vst v1  }
0x4b: {  	v20 =	vsub.s32 $0x0, v50;
	v52 =	vand.u32 $0x7FFFFFFF, v37;
	vm14 =	vlt.s32 v37, $0x0;
	v48 =	vld [tilespmem:s12+$0xC0];
	[tilespmem:s11+$0x20B0] =	vst v12  }
0x4c: {  	vm10 =	vlt.s32 v35, $0x0;
	v53 =	vand.u32 $0x7FFFFFFF, v38;
	vm15 =	vlt.s32 v38, $0x0;
	v51 =	vld [tilespmem:s12+$0xD0];
	[tilespmem:s11+$0x20C0] =	vst v14  }
0x4d: {  	v1 =	vsel vm13, v30, v19;
	vm13 =	vlt.s32 v36, $0x0;
	v22 =	vsub.s32 $0x0, v53;
	v54 =	vld [tilespmem:s12+$0xE0];
	[tilespmem:s11+$0x20D0] =	vst v16  }
0x4e: {  	v55 =	vand.u32 $0x7FFFFFFF, v40;
	vm7 =	vlt.s32 v40, $0x0;
	[tilespmem:s11+$0x20E0] =	vst v1;
	v1 =	vsel vm10, v17, v35  }
0x4f: {  	v12 =	vsub.s32 $0x0, v49;
	v56 =	vsub.s32 $0x0, v55;
	v57 =	vand.u32 $0x7FFFFFFF, v41;
	[tilespmem:s12+$0x2000] =	vst v1  }
0x50: {  	vm8 =	vlt.s32 v41, $0x0;
	v4 =	vsel vm13, v20, v36;
	v3 =	vsel vm12, v12, v3;
	[tilespmem:s12+$0x2010] =	vst v2  }
0x51: {  	vm9 =	vlt.s32 v42, $0x0;
	v58 =	vsel vm15, v22, v38;
	v14 =	vsub.s32 $0x0, v52;
	[tilespmem:s12+$0x2020] =	vst v3  }
0x52: {  	v60 =	vsel vm7, v56, v40;
	v5 =	vsel vm14, v14, v37;
	vm10 =	vlt.s32 v43, $0x0;
	[tilespmem:s12+$0x2030] =	vst v4  }
0x53: {  	v1 =	vsub.s32 $0x0, v57;
	v2 =	vand.u32 $0x7FFFFFFF, v42;
	v3 =	vand.u32 $0x7FFFFFFF, v43;
	[tilespmem:s12+$0x2040] =	vst v5  }
0x54: {  	v59 =	vand.u32 $0x7FFFFFFF, v44;
	[tilespmem:s12+$0x2050] =	vst v58;
	vm11 =	vlt.s32 v44, $0x0;
	v2 =	vsub.s32 $0x0, v2  }
0x55: {  	[tilespmem:s12+$0x2060] =	vst v60;
	v3 =	vsub.s32 $0x0, v3;
	v61 =	vsub.s32 $0x0, v59;
	v1 =	vsel vm8, v1, v41  }
0x56: {  	v62 =	vand.u32 $0x7FFFFFFF, v45;
	vm12 =	vlt.s32 v45, $0x0;
	v2 =	vsel vm9, v2, v42;
	[tilespmem:s12+$0x2070] =	vst v1  }
0x57: {  	v5 =	vsub.s32 $0x0, v62;
	v1 =	vand.u32 $0x7FFFFFFF, v48;
	v3 =	vsel vm10, v3, v43;
	[tilespmem:s12+$0x2080] =	vst v2  }
0x58: {  	v4 =	vsel vm11, v61, v44;
	vm13 =	vlt.s32 v48, $0x0;
	v1 =	vsub.s32 $0x0, v1;
	[tilespmem:s12+$0x2090] =	vst v3  }
0x59: {  	v2 =	vand.u32 $0x7FFFFFFF, v51;
	v3 =	vsel vm12, v5, v45;
	[tilespmem:s12+$0x20A0] =	vst v4;
	vm14 =	vlt.s32 v51, $0x0  }
0x5a: {  	v2 =	vsub.s32 $0x0, v2;
	v63 =	vand.u32 $0x7FFFFFFF, v54;
	v1 =	vsel vm13, v1, v48;
	[tilespmem:s12+$0x20B0] =	vst v3  }
0x5b: {  	vm15 =	vlt.s32 v54, $0x0;
	v3 =	vsub.s32 $0x0, v63;
	v2 =	vsel vm14, v2, v51;
	[tilespmem:s12+$0x20C0] =	vst v1  }
0x5c: {  	v1 =	vsel vm15, v3, v54;
	[tilespmem:s12+$0x20D0] =	vst v2  }
0x5d: {  	s11 =	simm.s32 $0x0;
	v2 =	vimm.s32 $0x7F800001;
	[tilespmem:s12+$0x20E0] =	vst v1;
	v1 =	vimm.s32 $0x807FFFFF  }
.LBB2_4:
0x5e: {  	v4 =	vld [tilespmem:s14+$0x2000]  }
0x5f: {  	v5 =	vld [tilespmem:s14+$0x2010]  }
0x60: {  	v3 =	vxor.u32 v1, v2;
	v6 =	vld [tilespmem:s14+$0x2020]  }
0x61: {  	v7 =	vand.u32 v1, v2;
	v8 =	vld [tilespmem:s14+$0x2030];
	v3 =	vshra.s32 v3, $0x1  }
0x62: {  	v3 =	vadd.s32 v3, v7;
	v7 =	vld [tilespmem:s14+$0x2040]  }
0x63: {  	vm0 =	vge.s32 v4, v3;
	v4 =	vld [tilespmem:s14+$0x2050]  }
0x64: {  	v9 =	vimm.s32 $0x0;
	v10 =	vsel vm0, $0x1, v0;
	vm0 =	vge.s32 v5, v3;
	v5 =	vld [tilespmem:s14+$0x2060]  }
0x65: {  	v9 =	vadd.s32 v10, v9;
	v10 =	vsel vm0, $0x1, v0;
	vm0 =	vge.s32 v6, v3;
	v6 =	vld [tilespmem:s14+$0x2070]  }
0x66: {  	v9 =	vadd.s32 v10, v9;
	v10 =	vsel vm0, $0x1, v0;
	vm0 =	vge.s32 v8, v3;
	v8 =	vld [tilespmem:s14+$0x2080]  }
0x67: {  	v9 =	vadd.s32 v10, v9;
	v10 =	vsel vm0, $0x1, v0;
	vm0 =	vge.s32 v7, v3;
	v7 =	vld [tilespmem:s14+$0x2090]  }
0x68: {  	v11 =	vld [tilespmem:s14+$0x20A0];
	v9 =	vadd.s32 v10, v9;
	v10 =	vsel vm0, $0x1, v0;
	vm0 =	vge.s32 v4, v3  }
0x69: {  	v4 =	vld [tilespmem:s14+$0x20B0];
	v9 =	vadd.s32 v10, v9;
	v10 =	vsel vm0, $0x1, v0;
	vm0 =	vge.s32 v5, v3  }
0x6a: {  	v5 =	vld [tilespmem:s14+$0x20C0];
	v9 =	vadd.s32 v10, v9;
	v10 =	vsel vm0, $0x1, v0;
	vm0 =	vge.s32 v6, v3  }
0x6b: {  	v6 =	vld [tilespmem:s14+$0x20D0];
	v9 =	vadd.s32 v10, v9;
	v10 =	vsel vm0, $0x1, v0;
	vm0 =	vge.s32 v8, v3  }
0x6c: {  	v8 =	vadd.s32 v10, v9;
	v9 =	vsel vm0, $0x1, v0;
	vm0 =	vge.s32 v7, v3;
	v7 =	vld [tilespmem:s14+$0x20E0]  }
0x6d: {  	s12 =	simm.s32 $0x100;
	s13 =	simm.s32 $0x800;
	v9 =	vadd.s32 v9, v8;
	v10 =	vsel vm0, $0x1, v0;
	vm0 =	vge.s32 v11, v3;
	v8 =	vld [tilespmem:s14+$0x20F0]  }
.LBB2_5:
0x6e: {  	p0 =	sne.s32 s13, $0x7C00;
	v11 =	vld [tilespmem:s12+$0x2000];
	v9 =	vadd.s32 v10, v9;
	v10 =	vsel vm0, $0x1, v0;
	vm0 =	vge.s32 v4, v3  }
0x6f: {  	v4 =	vld [tilespmem:s12+$0x2010];
	v9 =	vadd.s32 v10, v9;
	v10 =	vsel vm0, $0x1, v0;
	vm0 =	vge.s32 v5, v3  }
0x70: {  	v5 =	vld [tilespmem:s12+$0x2020];
	v9 =	vadd.s32 v10, v9;
	v10 =	vsel vm0, $0x1, v0;
	vm0 =	vge.s32 v6, v3  }
0x71: {  	v6 =	vld [tilespmem:s12+$0x2030];
	v9 =	vadd.s32 v10, v9;
	v10 =	vsel vm0, $0x1, v0;
	vm0 =	vge.s32 v7, v3  }
0x72: {  	v7 =	vld [tilespmem:s12+$0x2040];
	v9 =	vadd.s32 v10, v9;
	v10 =	vsel vm0, $0x1, v0;
	vm0 =	vge.s32 v8, v3  }
0x73: {  	vm1 =	vge.s32 v11, v3;
	v8 =	vld [tilespmem:s12+$0x2050];
	v9 =	vadd.s32 v10, v9;
	v10 =	vsel vm0, $0x1, v0  }
0x74: {  	v11 =	vsel vm1, $0x1, v0;
	vm0 =	vge.s32 v4, v3;
	v4 =	vld [tilespmem:s12+$0x2060];
	v9 =	vadd.s32 v10, v9  }
0x75: {  	v9 =	vadd.s32 v11, v9;
	v10 =	vsel vm0, $0x1, v0;
	vm0 =	vge.s32 v5, v3;
	v5 =	vld [tilespmem:s12+$0x2070]  }
0x76: {  	v9 =	vadd.s32 v10, v9;
	v10 =	vsel vm0, $0x1, v0;
	vm0 =	vge.s32 v6, v3;
	v6 =	vld [tilespmem:s12+$0x2080]  }
0x77: {  	v9 =	vadd.s32 v10, v9;
	v10 =	vsel vm0, $0x1, v0;
	vm0 =	vge.s32 v7, v3;
	v7 =	vld [tilespmem:s12+$0x2090]  }
0x78: {  	v9 =	vadd.s32 v10, v9;
	v10 =	vsel vm0, $0x1, v0;
	vm0 =	vge.s32 v8, v3;
	v8 =	vld [tilespmem:s12+$0x20A0]  }
.Ltmp1:
0x79: {  	v9 =	vadd.s32 v10, v9;
	v10 =	vsel vm0, $0x1, v0;
	vm0 =	vge.s32 v4, v3;
	v4 =	vld [tilespmem:s12+$0x20B0];
	(pc) =	sbr.rel @p0 .LBB2_5-.Ltmp1, $4  }
0x7a: {  	v9 =	vadd.s32 v10, v9;
	v10 =	vsel vm0, $0x1, v0;
	vm0 =	vge.s32 v5, v3;
	v5 =	vld [tilespmem:s12+$0x20C0]  }
0x7b: {  	v9 =	vadd.s32 v10, v9;
	v10 =	vsel vm0, $0x1, v0;
	vm0 =	vge.s32 v6, v3;
	v6 =	vld [tilespmem:s12+$0x20D0]  }
0x7c: {  	v9 =	vadd.s32 v10, v9;
	v10 =	vsel vm0, $0x1, v0;
	vm0 =	vge.s32 v7, v3;
	v7 =	vld [tilespmem:s12+$0x20E0]  }
0x7d: {  	v9 =	vadd.s32 v10, v9;
	v10 =	vsel vm0, $0x1, v0;
	vm0 =	vge.s32 v8, v3;
	v8 =	vld [tilespmem:s12+$0x20F0];
	s12 =	sshra.s32 s13, $0x2;
	s13 =	sadd.s32 $0x400, s13  }
0x7e: {  	v11 =	vld [tilespmem:s12+$0x2000];
	v9 =	vadd.s32 v10, v9;
	v28 =	vsel vm0, $0x1, v0;
	vm7 =	vge.s32 v4, v3  }
0x7f: {  	v29 =	vld [tilespmem:s12+$0x2010];
	v9 =	vadd.s32 v28, v9;
	v30 =	vsel vm7, $0x1, v0;
	vm8 =	vge.s32 v5, v3  }
0x80: {  	v31 =	vld [tilespmem:s12+$0x2020];
	v9 =	vadd.s32 v30, v9;
	v32 =	vsel vm8, $0x1, v0;
	vm9 =	vge.s32 v6, v3  }
0x81: {  	v33 =	vld [tilespmem:s12+$0x2030];
	v9 =	vadd.s32 v32, v9;
	v34 =	vsel vm9, $0x1, v0;
	vm10 =	vge.s32 v7, v3  }
0x82: {  	v35 =	vld [tilespmem:s12+$0x2040];
	v9 =	vadd.s32 v34, v9;
	v36 =	vsel vm10, $0x1, v0;
	vm11 =	vge.s32 v8, v3  }
0x83: {  	v37 =	vld [tilespmem:s12+$0x2050];
	vm1 =	vge.s32 v11, v3;
	v9 =	vadd.s32 v36, v9;
	v38 =	vsel vm11, $0x1, v0  }
0x84: {  	v39 =	vld [tilespmem:s12+$0x2060];
	vm12 =	vge.s32 v29, v3;
	v11 =	vsel vm1, $0x1, v0;
	v9 =	vadd.s32 v38, v9  }
0x85: {  	v41 =	vld [tilespmem:s12+$0x2070];
	vm13 =	vge.s32 v31, v3;
	v40 =	vsel vm12, $0x1, v0;
	v9 =	vadd.s32 v11, v9  }
0x86: {  	v43 =	vld [tilespmem:s12+$0x2080];
	vm14 =	vge.s32 v33, v3;
	v42 =	vsel vm13, $0x1, v0;
	v9 =	vadd.s32 v40, v9  }
0x87: {  	v45 =	vld [tilespmem:s12+$0x2090];
	vm15 =	vge.s32 v35, v3;
	v44 =	vsel vm14, $0x1, v0;
	v9 =	vadd.s32 v42, v9  }
0x88: {  	v47 =	vld [tilespmem:s12+$0x20A0];
	vm4 =	vge.s32 v37, v3;
	v46 =	vsel vm15, $0x1, v0;
	v9 =	vadd.s32 v44, v9  }
0x89: {  	v49 =	vld [tilespmem:s12+$0x20B0];
	vm5 =	vge.s32 v39, v3;
	v48 =	vsel vm4, $0x1, v0;
	v9 =	vadd.s32 v46, v9  }
0x8a: {  	v51 =	vld [tilespmem:s12+$0x20C0];
	vm6 =	vge.s32 v41, v3;
	v50 =	vsel vm5, $0x1, v0;
	v9 =	vadd.s32 v48, v9  }
0x8b: {  	v53 =	vld [tilespmem:s12+$0x20D0];
	vm7 =	vge.s32 v43, v3;
	v52 =	vsel vm6, $0x1, v0;
	v9 =	vadd.s32 v50, v9  }
0x8c: {  	v55 =	vld [tilespmem:s12+$0x20E0];
	vm8 =	vge.s32 v45, v3;
	v54 =	vsel vm7, $0x1, v0;
	v9 =	vadd.s32 v52, v9  }
0x8d: {  	v57 =	vld [tilespmem:s12+$0x20F0];
	vm9 =	vge.s32 v47, v3;
	v56 =	vsel vm8, $0x1, v0;
	v9 =	vadd.s32 v54, v9  }
0x8e: {  	vm10 =	vge.s32 v49, v3;
	v58 =	vsel vm9, $0x1, v0;
	v9 =	vadd.s32 v56, v9  }
0x8f: {  	vm11 =	vge.s32 v51, v3;
	v60 =	vsel vm10, $0x1, v0;
	v59 =	vadd.s32 v58, v9  }
0x90: {  	s11 =	sadd.s32 $0x1, s11;
	v5 =	vsel vm11, $0x1, v0;
	vm12 =	vge.s32 v53, v3;
	v4 =	vadd.s32 v60, v59  }
0x91: {  	p0 =	sne.s32 s11, $0x21;
	vm13 =	vge.s32 v55, v3;
	v61 =	vsel vm12, $0x1, v0;
	v4 =	vadd.s32 v5, v4  }
.Ltmp2:
0x92: {  	vm14 =	vge.s32 v57, v3;
	v62 =	vsel vm13, $0x1, v0;
	v4 =	vadd.s32 v61, v4;
	(pc) =	sbr.rel @p0 .LBB2_4-.Ltmp2, $4  }
0x93: {  	v63 =	vsel vm14, $0x1, v0;
	v4 =	vadd.s32 v62, v4  }
0x94: {  	v4 =	vadd.s32 v63, v4  }
0x95: {  	vm15 =	vgt.s32 v4, $0x32  }
0x96: {  	v1 =	vsel vm15, v3, v1;
	v2 =	vsel vm15, v2, v3  }
0x97: {  	vm0 =	vlt.s32 v1, $0x0;
	v2 =	vsub.s32 $0x80000000, v1;
	s10 =	sadd.s32 $0x1, s10  }
0x98: {  	v1 =	vsel vm0, v2, v1;
	p0 =	sne.s32 s10, s5  }
.Ltmp3:
0x99: {  	[tilespmem:$0x4000] =	vst v1;
	(pc) =	sbr.rel @p0 .LBB2_1-.Ltmp3, $4  }
0x9a: {  	[hbm4b:s4+s2] =	stream.linear.scatter [tilespmem:s9], [sflag:$0x1], $0x80, $0x38;
	[tilespmem:$0x4080] =	vst v63  }
0x9b: {  	_ =	swait.ge [sflag:s8], $0x80  }
0x9c: {  	[sflag:s8] =	ssyncset.done $0x0  }
0x9d: {  	[sflag:s8] =	ssyncadd.s32 $0xFFFFFF80  }
0x9e: {  	_ =	sfence.sel $0x180000  }
0x9f: {  	[bflag:$0x0] =	sbarrier.arrive $0xFFFF  }
0xa0: {  	p0 =	sne.s32 s1, $0x0;
	_ =	strace $0x90000047  }
0xa1: {  	s0 =	sadd.s32 @!p0 $0x100000, s0;
	[bflag:$0x2] =	sbarrier.arrive $0xFFFF  }
0xa2: {  	[sflag:s0] =	ssyncadd.tile.s32 @!p0 $0x1;
	_ =	shalt  }
.Lfunc_end2:
_tile_overlayer_lowered:
.L_overlay_start_2:
0xa3: {  	(tag) =	ssettag $0x2  }
0xa4: {  	s0 =	rddreg [dreg:$0x0];
	s2 =	stileid.u32  }
0xa5: {  	s1 =	rddreg [dreg:$0x1];
	p0 =	sne.s32 s2, $0x0  }
0xa6: {  	s3 =	rddreg [dreg:$0x2];
	[bflag:$0x3] =	sbarrier.arrive $0xFFFF;
	s2 =	simm.s32 @!p0 $0x1C01  }
0xa7: {  	[timem:s3], [sflag:s2] =	dma.local @!p0 [hbm:s0], s1  }
0xa8: {  	s0 =	simm.s32 @!p0 $0x1  }
0xa9: {  	_ =	swait.ge @!p0 [sflag:s0], s1  }
0xaa: {  	s1 =	ssub.s32 @!p0 $0x0, s1;
	[sflag:s0] =	ssyncset.done @!p0 $0x0  }
0xab: {  	[sflag:s0] =	ssyncadd.s32 @!p0 s1  }
0xac: {  	[bflag:$0x3] =	sbarrier.arrive $0xFFFF  }
0xad: {  	_ =	shalt  }

</sc_bundles>
